<compile_context>
chip_gen: v7x
topology: tpu7x:2x2x1
jax: 0.10.2.dev20260603
libtpu: 0.0.44.dev20260713+nightly
codegen_flags: <defaults>
</compile_context>

<pallas_src>
import functools

import jax
import jax.numpy as jnp
from jax import lax
from jax.experimental import pallas as pl
from jax.experimental.pallas import tpu as pltpu
from jax.experimental.pallas import tpu_sc as plsc

_N_BOXES = 20000
_N_CLASSES = 80
_TOP_K = 256
_SEL = 384
_DET = 100
_SCORE_THR = 0.05
_IOU_THR = 0.5
_NBUCKETS = 256



def _sc_body(scores_t, boxes_t, sel_s, sel_i, sel_b, s_v, boxes_v, hist,
             out_s, out_i, rows_v, sem):
    wid = lax.axis_index("s") * 2 + lax.axis_index("c")
    lane = lax.iota(jnp.int32, 16)
    zeros16 = jnp.zeros((16,), jnp.int32)
    ones16 = jnp.ones((16,), jnp.int32)
    negs16 = jnp.full((16,), -2.0, jnp.float32)
    pltpu.sync_copy(boxes_t, boxes_v)

    for t in range(3):
        c = wid + 32 * t

        @pl.when(c < _N_CLASSES)
        def _():
            pltpu.sync_copy(scores_t.at[c], s_v)

            def zb(i, _):
                hist[pl.ds(i * 16, 16)] = zeros16
                return 0
            lax.fori_loop(0, _NBUCKETS, zb, 0)

            def hb(j, _):
                for u in range(5):
                    v = s_v[pl.ds(j * 80 + u * 16, 16)]
                    b = jnp.minimum((v * float(_NBUCKETS)).astype(jnp.int32),
                                    _NBUCKETS - 1)
                    plsc.addupdate_scatter(hist, [b * 16 + lane], ones16)
                return 0
            lax.fori_loop(0, _N_BOXES // 80, hb, 0)

            def wcond(carry):
                return carry[1] < _TOP_K

            def wbody(carry):
                b, acc = carry
                row = hist[pl.ds(b * 16, 16)]
                return b - 1, acc + jnp.sum(row)
            bfin, _cnt = lax.while_loop(wcond, wbody,
                                        (jnp.int32(_NBUCKETS - 1), jnp.int32(0)))
            t_f = (bfin + 1).astype(jnp.float32) * (1.0 / _NBUCKETS)

            def pf(i, _):
                base = (wid * _SEL + i * 16) % (_N_BOXES - 16)
                out_i[pl.ds(i * 16, 16)] = base + lane
                out_s[pl.ds(i * 16, 16)] = negs16
                return 0
            lax.fori_loop(0, (_SEL + 16) // 16, pf, 0)

            def cb(j, ptr):
                for u in range(5):
                    base = j * 80 + u * 16
                    v = s_v[pl.ds(base, 16)]
                    m = jnp.logical_and(v >= t_f, ptr < _SEL)
                    plsc.store_compressed(out_s.at[pl.ds(ptr, 16)], v, mask=m)
                    plsc.store_compressed(out_i.at[pl.ds(ptr, 16)],
                                          base + lane, mask=m)
                    ptr = ptr + jnp.sum(m.astype(jnp.int32))
                return ptr
            lax.fori_loop(0, _N_BOXES // 80, cb, jnp.int32(0))

            def gb(i, _):
                idxv = out_i[pl.ds(i * 16, 16)]
                for cc in range(4):
                    ccv = jnp.full((16,), cc, jnp.int32)
                    vals = plsc.load_gather(boxes_v, [ccv, idxv])
                    rows_v[cc, pl.ds(i * 16, 16)] = vals
                return 0
            lax.fori_loop(0, _SEL // 16, gb, 0)

            pltpu.sync_copy(out_s.at[pl.ds(0, _SEL)], sel_s.at[c])
            pltpu.sync_copy(out_i.at[pl.ds(0, _SEL)], sel_i.at[c])
            pltpu.sync_copy(rows_v, sel_b.at[c])


@functools.cache
def _sc_select_fn():
    return pl.kernel(
        _sc_body,
        out_type=[jax.ShapeDtypeStruct((_N_CLASSES, _SEL), jnp.float32),
                  jax.ShapeDtypeStruct((_N_CLASSES, _SEL), jnp.int32),
                  jax.ShapeDtypeStruct((_N_CLASSES, 4, _SEL), jnp.float32)],
        mesh=plsc.VectorSubcoreMesh(core_axis_name="c", subcore_axis_name="s"),
        compiler_params=pltpu.CompilerParams(needs_layout_passes=False),
        scratch_types=[pltpu.VMEM((_N_BOXES,), jnp.float32),
                       pltpu.VMEM((4, _N_BOXES), jnp.float32),
                       pltpu.VMEM((_NBUCKETS * 16,), jnp.int32),
                       pltpu.VMEM((_SEL + 16,), jnp.float32),
                       pltpu.VMEM((_SEL + 16,), jnp.int32),
                       pltpu.VMEM((4, _SEL), jnp.float32),
                       pltpu.SemaphoreType.DMA])



def _tc_body(ss_ref, ix_ref, x1_ref, y1_ref, x2_ref, y2_ref, out_ref,
             cx1_ref, cy1_ref, cx2_ref, cy2_ref, cs_ref,
             xs_ref, ys_ref, xe_ref, ye_ref, sc_ref, ar_ref, kp_ref):
    iota_r = lax.broadcasted_iota(jnp.int32, (_TOP_K, 1), 0).astype(
        jnp.float32)

    def chunk(t, _):
        sl = pl.ds(t, 1)
        s_row = ss_ref[sl, :]
        i_row = ix_ref[sl, :]
        s_col = jnp.transpose(s_row)
        i_col = jnp.transpose(i_row)
        better = jnp.logical_or(
            s_row > s_col,
            jnp.logical_and(s_row == s_col, i_row < i_col))
        rank = jnp.transpose(jnp.sum(better.astype(jnp.float32), axis=1,
                                     keepdims=True))
        P = (rank == iota_r).astype(jnp.float32)
        X = jnp.concatenate(
            [r[sl, :] for r in (x1_ref, y1_ref, x2_ref, y2_ref, ss_ref)],
            axis=0)
        S = lax.dot_general(X, P, (((1,), (1,)), ((), ())),
                            precision=lax.Precision.HIGHEST,
                            preferred_element_type=jnp.float32)
        cx1_ref[sl, :] = S[0:1, :]
        cy1_ref[sl, :] = S[1:2, :]
        cx2_ref[sl, :] = S[2:3, :]
        cy2_ref[sl, :] = S[3:4, :]
        cs_ref[sl, :] = S[4:5, :]
        return 0
    lax.fori_loop(0, _N_CLASSES, chunk, 0)

    xs_ref[...] = jnp.transpose(cx1_ref[...])
    ys_ref[...] = jnp.transpose(cy1_ref[...])
    xe_ref[...] = jnp.transpose(cx2_ref[...])
    ye_ref[...] = jnp.transpose(cy2_ref[...])
    sc_ref[...] = jnp.transpose(cs_ref[...])

    ar_ref[...] = (xe_ref[...] - xs_ref[...]) * (ye_ref[...] - ys_ref[...])
    kp_ref[...] = (sc_ref[...] > _SCORE_THR).astype(jnp.float32)

    jrow = lax.broadcasted_iota(jnp.int32, (_TOP_K, _N_CLASSES), 0)
    _SC_T = 8

    def step8(tt, _):
        base = tt * _SC_T
        sl8 = pl.ds(base, _SC_T)
        xi1 = xs_ref[sl8, :][:, None, :]
        yi1 = ys_ref[sl8, :][:, None, :]
        xi2 = xe_ref[sl8, :][:, None, :]
        yi2 = ye_ref[sl8, :][:, None, :]
        ai = ar_ref[sl8, :][:, None, :]
        xall = xs_ref[...][None, :, :]
        yall = ys_ref[...][None, :, :]
        xeall = xe_ref[...][None, :, :]
        yeall = ye_ref[...][None, :, :]
        arall = ar_ref[...][None, :, :]
        x1m = jnp.maximum(xall, xi1)
        y1m = jnp.maximum(yall, yi1)
        x2m = jnp.minimum(xeall, xi2)
        y2m = jnp.minimum(yeall, yi2)
        inter = jnp.clip(x2m - x1m, 0.0) * jnp.clip(y2m - y1m, 0.0)
        union = ai + arall - inter
        iou = inter / jnp.maximum(union, 1e-9)
        m8 = (iou > _IOU_THR).astype(jnp.float32)
        for r in range(_SC_T):
            i = base + r
            ki = kp_ref[pl.ds(i, 1), :]
            sup = m8[r] * (jrow > i).astype(jnp.float32)
            kp_ref[...] = kp_ref[...] * (1.0 - sup * ki)
        return 0
    lax.fori_loop(0, _TOP_K // _SC_T, step8, 0)

    kp_ref[...] = jnp.where(kp_ref[...] > 0.5, sc_ref[...], -1.0)
    enc = (lax.broadcasted_iota(jnp.int32, (_TOP_K, _N_CLASSES), 1) * 256
           + lax.broadcasted_iota(jnp.int32, (_TOP_K, _N_CLASSES), 0)
           ).astype(jnp.float32)

    def outk(k, _):
        kept = kp_ref[...]
        m = jnp.max(kept)
        cand = jnp.where(kept == m, enc, jnp.float32(3.0e7))
        am = jnp.min(cand)
        onehot = (cand == am).astype(jnp.float32)
        x1v = jnp.sum(xs_ref[...] * onehot)
        y1v = jnp.sum(ys_ref[...] * onehot)
        x2v = jnp.sum(xe_ref[...] * onehot)
        y2v = jnp.sum(ye_ref[...] * onehot)
        cls = (am.astype(jnp.int32) // 256).astype(jnp.float32)
        row = jnp.concatenate(
            [jnp.reshape(v, (1, 1)) for v in (x1v, y1v, x2v, y2v, m, cls)],
            axis=1)
        out_ref[pl.ds(k, 1), :] = row
        kp_ref[...] = kept - onehot * (m + 3.0)
        return 0
    lax.fori_loop(0, _DET, outk, 0)


def _tc_nms(ss, ixf, bx1, by1, bx2, by2, interpret=False):
    return pl.pallas_call(
        _tc_body,
        out_shape=jax.ShapeDtypeStruct((_DET, 6), jnp.float32),
        scratch_shapes=(
            [pltpu.VMEM((_N_CLASSES, _TOP_K), jnp.float32)
             for _ in range(5)]
            + [pltpu.VMEM((_TOP_K, _N_CLASSES), jnp.float32)
               for _ in range(7)]),
        interpret=interpret,
    )(ss, ixf, bx1, by1, bx2, by2)



def kernel(boxes, scores):
    scores_t = scores.T
    boxes_t = boxes.T
    sel_s, sel_i, sel_b = _sc_select_fn()(scores_t, boxes_t)
    return _tc_nms(sel_s, sel_i.astype(jnp.float32),
                   sel_b[:, 0, :], sel_b[:, 1, :],
                   sel_b[:, 2, :], sel_b[:, 3, :])

# --- scband reference (transcript-rebuilt; emitter-appended) ---
"""Pipeline reference for scband-nms-79534204388019 (READ-ONLY COPY).

The authoritative reference and input builder live on the scoring server;
editing this copy changes nothing except your own understanding.
"""

import jax, jax.numpy as jnp
import numpy as np

SCORE_THRESHOLD = 0.05
IOU_THRESHOLD = 0.5
MAX_DETECTIONS = 100
PRE_NMS_TOP_K = 256
N_BOXES = 20000
N_CLASSES = 80


def setup_inputs(seed: int = 0) -> dict:
    key = jax.random.key(seed)
    k1, k2, k3 = jax.random.split(key, 3)
    xy = jax.random.uniform(k1, (N_BOXES, 2), minval=0.0, maxval=800.0, dtype=jnp.float32)
    wh = jax.random.uniform(k2, (N_BOXES, 2), minval=1.0, maxval=120.0, dtype=jnp.float32)
    boxes = jnp.concatenate([xy, xy + wh], axis=-1)
    scores = jax.random.uniform(k3, (N_BOXES, N_CLASSES), dtype=jnp.float32)
    return {"boxes": boxes, "scores": scores}


def _pairwise_iou(b):
    x1 = jnp.maximum(b[:, None, 0], b[None, :, 0])
    y1 = jnp.maximum(b[:, None, 1], b[None, :, 1])
    x2 = jnp.minimum(b[:, None, 2], b[None, :, 2])
    y2 = jnp.minimum(b[:, None, 3], b[None, :, 3])
    inter = jnp.clip(x2 - x1, 0.0) * jnp.clip(y2 - y1, 0.0)
    area = (b[:, 2] - b[:, 0]) * (b[:, 3] - b[:, 1])
    union = area[:, None] + area[None, :] - inter
    return inter / jnp.maximum(union, 1e-9)


def _nms_single_class(boxes, cls_scores):
    top_scores, top_idx = jax.lax.top_k(cls_scores, PRE_NMS_TOP_K)
    top_boxes = boxes[top_idx]
    valid = top_scores > SCORE_THRESHOLD
    iou = jax.lax.stop_gradient(_pairwise_iou(top_boxes))
    idxs = jnp.arange(PRE_NMS_TOP_K)

    def body(keep, i):
        suppress = (iou[i] > IOU_THRESHOLD) & (idxs > i) & keep[i]
        keep = keep & (~suppress)
        return keep, 0

    keep, _ = jax.lax.scan(body, valid, idxs)
    kept_scores = jnp.where(keep, top_scores, -1.0)
    return top_boxes, kept_scores


def _multiclass_nms(boxes, scores):
    C = scores.shape[1]
    cls_boxes, cls_scores = jax.vmap(_nms_single_class, in_axes=(None, 1))(boxes, scores)
    flat_scores = cls_scores.reshape(-1)
    flat_boxes = cls_boxes.reshape(-1, 4)
    class_ids = jnp.repeat(jnp.arange(C), PRE_NMS_TOP_K)
    final_scores, final_idx = jax.lax.top_k(flat_scores, MAX_DETECTIONS)
    final_boxes = flat_boxes[final_idx]
    final_classes = class_ids[final_idx].astype(jnp.float32)
    det = jnp.concatenate([final_boxes, final_scores[:, None], final_classes[:, None]], axis=-1)
    return det


def reference(boxes, scores):
    return _multiclass_nms(boxes, scores)

if __name__ == "__main__":
    import jax
    _d = setup_inputs()
    print(jax.jit(kernel)(*tuple(_d.values())))

</pallas_src>

<mosaic_0001>
#map = affine_map<(d0, d1) -> (0, 0)>
#map1 = affine_map<(d0, d1) -> (0, 0, 0)>
module attributes {stable_mosaic.version = 14 : i64} {
  func.func @_sc_body(%arg0: i32, %arg1: i32, %arg2: memref<80x20000xf32, #tpu.memory_space<hbm>>, %arg3: memref<4x20000xf32, #tpu.memory_space<hbm>>, %arg4: memref<80x384xf32, #tpu.memory_space<hbm>>, %arg5: memref<80x384xi32, #tpu.memory_space<hbm>>, %arg6: memref<80x4x384xf32, #tpu.memory_space<hbm>>, %arg7: memref<20000xf32, #tpu.memory_space<vmem>>, %arg8: memref<4x20000xf32, #tpu.memory_space<vmem>>, %arg9: memref<4096xi32, #tpu.memory_space<vmem>>, %arg10: memref<400xf32, #tpu.memory_space<vmem>>, %arg11: memref<400xi32, #tpu.memory_space<vmem>>, %arg12: memref<4x384xf32, #tpu.memory_space<vmem>>, %arg13: memref<!tpu.dma_semaphore, #tpu.memory_space<semaphore_mem>>) attributes {dimension_semantics = [#tpu.dimension_semantics<core_parallel>, #tpu.dimension_semantics<subcore_parallel>], iteration_bounds = array<i64: 2, 16>, scalar_prefetch = 0 : i64, scratch_operands = 7 : i64, tpu.core_type = #tpu.core_type<sc_vector_subcore>, window_params = [{transform_indices = #map}, {transform_indices = #map}, {transform_indices = #map}, {transform_indices = #map}, {transform_indices = #map1}]} {
    %mul3A = arith.constant 2 : i32
    %mul3A_0 = arith.muli %arg1, %mul3A : i32
    %add3A = arith.addi %mul3A_0, %arg0 : i32
    %iota3A = tpu.iota {dimensions = array<i32: 0>} : vector<16xi32>
    %broadcast_in_dim3A = arith.constant 0 : i32
    %broadcast_in_dim3A_1 = vector.broadcast %broadcast_in_dim3A : i32 to vector<16xi32>
    %broadcast_in_dim3A_2 = arith.constant 1 : i32
    %broadcast_in_dim3A_3 = vector.broadcast %broadcast_in_dim3A_2 : i32 to vector<16xi32>
    %broadcast_in_dim3A_4 = arith.constant -2.000000e+00 : f32
    %broadcast_in_dim3A_5 = vector.broadcast %broadcast_in_dim3A_4 : f32 to vector<16xf32>
    "tpu.region"() ({
      %run_scoped3A = tpu.sem_alloc : memref<!tpu.dma_semaphore, #tpu.memory_space<semaphore_mem>>
      tpu.enqueue_dma source(%arg3 : memref<4x20000xf32, #tpu.memory_space<hbm>>) target(%arg8 : memref<4x20000xf32, #tpu.memory_space<vmem>>) target_semaphore(%run_scoped3A : memref<!tpu.dma_semaphore, #tpu.memory_space<semaphore_mem>>)
      tpu.wait_dma2 semaphore(%run_scoped3A : memref<!tpu.dma_semaphore, #tpu.memory_space<semaphore_mem>>) src(%arg3 : memref<4x20000xf32, #tpu.memory_space<hbm>>) dst(%arg8 : memref<4x20000xf32, #tpu.memory_space<vmem>>)
      tpu.yield
    }) : () -> ()
    %add3A_6 = arith.constant 0 : i32
    %add3A_7 = arith.addi %add3A, %add3A_6 : i32
    %lt3A = arith.constant 80 : i32
    %lt3A_8 = arith.cmpi slt, %add3A_7, %lt3A : i32
    %convert_element_type3A = arith.extui %lt3A_8 : i1 to i32
    %cond3A = arith.constant 0 : i32
    %cond3A_9 = arith.cmpi ne, %convert_element_type3A, %cond3A : i32
    scf.if %cond3A_9 {
      "tpu.region"() ({
        %run_scoped3A = tpu.sem_alloc : memref<!tpu.dma_semaphore, #tpu.memory_space<semaphore_mem>>
        %dma_start3A = arith.constant 0 : i32
        %dma_start3A_65 = tpu.memref_slice %arg2[%add3A_7, %dma_start3A] : memref<80x20000xf32, #tpu.memory_space<hbm>> -> memref<1x20000xf32, #tpu.memory_space<hbm>>
        %dma_start3A_66 = tpu.memref_squeeze %dma_start3A_65 : memref<1x20000xf32, #tpu.memory_space<hbm>> -> memref<20000xf32, #tpu.memory_space<hbm>>
        %dma_start3A_67 = arith.constant 0 : i32
        %dma_start3A_68 = tpu.memref_slice %arg2[%add3A_7, %dma_start3A_67] : memref<80x20000xf32, #tpu.memory_space<hbm>> -> memref<1x20000xf32, #tpu.memory_space<hbm>>
        %dma_start3A_69 = tpu.memref_squeeze %dma_start3A_68 : memref<1x20000xf32, #tpu.memory_space<hbm>> -> memref<20000xf32, #tpu.memory_space<hbm>>
        tpu.enqueue_dma source(%dma_start3A_69 : memref<20000xf32, #tpu.memory_space<hbm>>) target(%arg7 : memref<20000xf32, #tpu.memory_space<vmem>>) target_semaphore(%run_scoped3A : memref<!tpu.dma_semaphore, #tpu.memory_space<semaphore_mem>>)
        %dma_wait3A = arith.constant 0 : i32
        %dma_wait3A_70 = tpu.memref_slice %arg2[%add3A_7, %dma_wait3A] : memref<80x20000xf32, #tpu.memory_space<hbm>> -> memref<1x20000xf32, #tpu.memory_space<hbm>>
        %dma_wait3A_71 = tpu.memref_squeeze %dma_wait3A_70 : memref<1x20000xf32, #tpu.memory_space<hbm>> -> memref<20000xf32, #tpu.memory_space<hbm>>
        %dma_wait3A_72 = arith.constant 0 : i32
        %dma_wait3A_73 = tpu.memref_slice %arg2[%add3A_7, %dma_wait3A_72] : memref<80x20000xf32, #tpu.memory_space<hbm>> -> memref<1x20000xf32, #tpu.memory_space<hbm>>
        %dma_wait3A_74 = tpu.memref_squeeze %dma_wait3A_73 : memref<1x20000xf32, #tpu.memory_space<hbm>> -> memref<20000xf32, #tpu.memory_space<hbm>>
        tpu.wait_dma2 semaphore(%run_scoped3A : memref<!tpu.dma_semaphore, #tpu.memory_space<semaphore_mem>>) src(%dma_wait3A_74 : memref<20000xf32, #tpu.memory_space<hbm>>) dst(%arg7 : memref<20000xf32, #tpu.memory_space<vmem>>)
        tpu.yield
      }) : () -> ()
      %scan3A = arith.constant 0 : i32
      %scan3A_24 = arith.constant 0 : i32
      %scan3A_25 = arith.constant 256 : i32
      %scan3A_26 = arith.addi %scan3A_24, %scan3A_25 : i32
      %scan3A_27 = arith.constant 1 : i32
      %scan3A_28 = scf.for %scan3A_65 = %scan3A_24 to %scan3A_26 step %scan3A_27 iter_args(%scan3A_66 = %scan3A) -> (i32)  : i32 {
        %mul3A_67 = arith.constant 16 : i32
        %mul3A_68 = arith.muli %scan3A_65, %mul3A_67 : i32
        %swap3A = arith.index_cast %mul3A_68 : i32 to index
        %swap3A_69 = tpu.vector_load %arg9[%swap3A] {strides = array<i32>} : memref<4096xi32, #tpu.memory_space<vmem>>, vector<16xi32>,
        tpu.vector_store %arg9[%swap3A], %broadcast_in_dim3A_1 {strides = array<i32>} : memref<4096xi32, #tpu.memory_space<vmem>>, vector<16xi32>,
        %scan3A_70 = arith.constant 0 : i32
        scf.yield %scan3A_70 : i32
      }
      %scan3A_29 = arith.constant 256 : i32
      %scan3A_30 = arith.constant 0 : i32
      %scan3A_31 = arith.constant 0 : i32
      %scan3A_32 = arith.constant 250 : i32
      %scan3A_33 = arith.addi %scan3A_31, %scan3A_32 : i32
      %scan3A_34 = arith.constant 1 : i32
      %scan3A_35 = scf.for %scan3A_65 = %scan3A_31 to %scan3A_33 step %scan3A_34 iter_args(%scan3A_66 = %scan3A_30) -> (i32)  : i32 {
        %mul3A_67 = arith.constant 80 : i32
        %mul3A_68 = arith.muli %scan3A_65, %mul3A_67 : i32
        %add3A_69 = arith.constant 0 : i32
        %add3A_70 = arith.addi %mul3A_68, %add3A_69 : i32
        %get3A = arith.index_cast %add3A_70 : i32 to index
        %get3A_71 = tpu.vector_load %arg7[%get3A] {strides = array<i32>} : memref<20000xf32, #tpu.memory_space<vmem>>, vector<16xf32>,
        %mul3A_72 = arith.constant 2.560000e+02 : f32
        %mul3A_73 = vector.broadcast %mul3A_72 : f32 to vector<16xf32>
        %mul3A_74 = arith.mulf %get3A_71, %mul3A_73 : vector<16xf32>
        %convert_element_type3A_75 = arith.fptosi %mul3A_74 : vector<16xf32> to vector<16xi32>
        %min3A = arith.constant 255 : i32
        %min3A_76 = vector.broadcast %min3A : i32 to vector<16xi32>
        %min3A_77 = arith.minsi %convert_element_type3A_75, %min3A_76 : vector<16xi32>
        %mul3A_78 = arith.constant 16 : i32
        %mul3A_79 = vector.broadcast %mul3A_78 : i32 to vector<16xi32>
        %mul3A_80 = arith.muli %min3A_77, %mul3A_79 : vector<16xi32>
        %add3A_81 = arith.addi %mul3A_80, %iota3A : vector<16xi32>
        tpu.vector_store_idx %arg9[%add3A_81], %broadcast_in_dim3A_3 {add = true} : memref<4096xi32, #tpu.memory_space<vmem>>[vector<16xi32>], vector<16xi32>,
        %mul3A_82 = arith.constant 80 : i32
        %mul3A_83 = arith.muli %scan3A_65, %mul3A_82 : i32
        %add3A_84 = arith.constant 16 : i32
        %add3A_85 = arith.addi %mul3A_83, %add3A_84 : i32
        %get3A_86 = arith.index_cast %add3A_85 : i32 to index
        %get3A_87 = tpu.vector_load %arg7[%get3A_86] {strides = array<i32>} : memref<20000xf32, #tpu.memory_space<vmem>>, vector<16xf32>,
        %mul3A_88 = arith.constant 2.560000e+02 : f32
        %mul3A_89 = vector.broadcast %mul3A_88 : f32 to vector<16xf32>
        %mul3A_90 = arith.mulf %get3A_87, %mul3A_89 : vector<16xf32>
        %convert_element_type3A_91 = arith.fptosi %mul3A_90 : vector<16xf32> to vector<16xi32>
        %min3A_92 = arith.constant 255 : i32
        %min3A_93 = vector.broadcast %min3A_92 : i32 to vector<16xi32>
        %min3A_94 = arith.minsi %convert_element_type3A_91, %min3A_93 : vector<16xi32>
        %mul3A_95 = arith.constant 16 : i32
        %mul3A_96 = vector.broadcast %mul3A_95 : i32 to vector<16xi32>
        %mul3A_97 = arith.muli %min3A_94, %mul3A_96 : vector<16xi32>
        %add3A_98 = arith.addi %mul3A_97, %iota3A : vector<16xi32>
        tpu.vector_store_idx %arg9[%add3A_98], %broadcast_in_dim3A_3 {add = true} : memref<4096xi32, #tpu.memory_space<vmem>>[vector<16xi32>], vector<16xi32>,
        %mul3A_99 = arith.constant 80 : i32
        %mul3A_100 = arith.muli %scan3A_65, %mul3A_99 : i32
        %add3A_101 = arith.constant 32 : i32
        %add3A_102 = arith.addi %mul3A_100, %add3A_101 : i32
        %get3A_103 = arith.index_cast %add3A_102 : i32 to index
        %get3A_104 = tpu.vector_load %arg7[%get3A_103] {strides = array<i32>} : memref<20000xf32, #tpu.memory_space<vmem>>, vector<16xf32>,
        %mul3A_105 = arith.constant 2.560000e+02 : f32
        %mul3A_106 = vector.broadcast %mul3A_105 : f32 to vector<16xf32>
        %mul3A_107 = arith.mulf %get3A_104, %mul3A_106 : vector<16xf32>
        %convert_element_type3A_108 = arith.fptosi %mul3A_107 : vector<16xf32> to vector<16xi32>
        %min3A_109 = arith.constant 255 : i32
        %min3A_110 = vector.broadcast %min3A_109 : i32 to vector<16xi32>
        %min3A_111 = arith.minsi %convert_element_type3A_108, %min3A_110 : vector<16xi32>
        %mul3A_112 = arith.constant 16 : i32
        %mul3A_113 = vector.broadcast %mul3A_112 : i32 to vector<16xi32>
        %mul3A_114 = arith.muli %min3A_111, %mul3A_113 : vector<16xi32>
        %add3A_115 = arith.addi %mul3A_114, %iota3A : vector<16xi32>
        tpu.vector_store_idx %arg9[%add3A_115], %broadcast_in_dim3A_3 {add = true} : memref<4096xi32, #tpu.memory_space<vmem>>[vector<16xi32>], vector<16xi32>,
        %mul3A_116 = arith.constant 80 : i32
        %mul3A_117 = arith.muli %scan3A_65, %mul3A_116 : i32
        %add3A_118 = arith.constant 48 : i32
        %add3A_119 = arith.addi %mul3A_117, %add3A_118 : i32
        %get3A_120 = arith.index_cast %add3A_119 : i32 to index
        %get3A_121 = tpu.vector_load %arg7[%get3A_120] {strides = array<i32>} : memref<20000xf32, #tpu.memory_space<vmem>>, vector<16xf32>,
        %mul3A_122 = arith.constant 2.560000e+02 : f32
        %mul3A_123 = vector.broadcast %mul3A_122 : f32 to vector<16xf32>
        %mul3A_124 = arith.mulf %get3A_121, %mul3A_123 : vector<16xf32>
        %convert_element_type3A_125 = arith.fptosi %mul3A_124 : vector<16xf32> to vector<16xi32>
        %min3A_126 = arith.constant 255 : i32
        %min3A_127 = vector.broadcast %min3A_126 : i32 to vector<16xi32>
        %min3A_128 = arith.minsi %convert_element_type3A_125, %min3A_127 : vector<16xi32>
        %mul3A_129 = arith.constant 16 : i32
        %mul3A_130 = vector.broadcast %mul3A_129 : i32 to vector<16xi32>
        %mul3A_131 = arith.muli %min3A_128, %mul3A_130 : vector<16xi32>
        %add3A_132 = arith.addi %mul3A_131, %iota3A : vector<16xi32>
        tpu.vector_store_idx %arg9[%add3A_132], %broadcast_in_dim3A_3 {add = true} : memref<4096xi32, #tpu.memory_space<vmem>>[vector<16xi32>], vector<16xi32>,
        %mul3A_133 = arith.constant 80 : i32
        %mul3A_134 = arith.muli %scan3A_65, %mul3A_133 : i32
        %add3A_135 = arith.constant 64 : i32
        %add3A_136 = arith.addi %mul3A_134, %add3A_135 : i32
        %get3A_137 = arith.index_cast %add3A_136 : i32 to index
        %get3A_138 = tpu.vector_load %arg7[%get3A_137] {strides = array<i32>} : memref<20000xf32, #tpu.memory_space<vmem>>, vector<16xf32>,
        %mul3A_139 = arith.constant 2.560000e+02 : f32
        %mul3A_140 = vector.broadcast %mul3A_139 : f32 to vector<16xf32>
        %mul3A_141 = arith.mulf %get3A_138, %mul3A_140 : vector<16xf32>
        %convert_element_type3A_142 = arith.fptosi %mul3A_141 : vector<16xf32> to vector<16xi32>
        %min3A_143 = arith.constant 255 : i32
        %min3A_144 = vector.broadcast %min3A_143 : i32 to vector<16xi32>
        %min3A_145 = arith.minsi %convert_element_type3A_142, %min3A_144 : vector<16xi32>
        %mul3A_146 = arith.constant 16 : i32
        %mul3A_147 = vector.broadcast %mul3A_146 : i32 to vector<16xi32>
        %mul3A_148 = arith.muli %min3A_145, %mul3A_147 : vector<16xi32>
        %add3A_149 = arith.addi %mul3A_148, %iota3A : vector<16xi32>
        tpu.vector_store_idx %arg9[%add3A_149], %broadcast_in_dim3A_3 {add = true} : memref<4096xi32, #tpu.memory_space<vmem>>[vector<16xi32>], vector<16xi32>,
        %scan3A_150 = arith.constant 0 : i32
        scf.yield %scan3A_150 : i32
      }
      %scan3A_36 = arith.constant 250 : i32
      %while3A = arith.constant 255 : i32
      %while3A_37 = arith.constant 0 : i32
      %while3A_38:2 = scf.while (%while3A_65 = %while3A, %while3A_66 = %while3A_37) : (i32, i32) -> (i32, i32) {
        %lt3A_67 = arith.constant 256 : i32
        %lt3A_68 = arith.cmpi slt, %while3A_66, %lt3A_67 : i32
        scf.condition(%lt3A_68) %while3A_65, %while3A_66 : i32, i32
      } do {
      ^bb0(%while3A_65: i32, %while3A_66: i32):
        %mul3A_67 = arith.constant 16 : i32
        %mul3A_68 = arith.muli %while3A_65, %mul3A_67 : i32
        %get3A = arith.index_cast %mul3A_68 : i32 to index
        %get3A_69 = tpu.vector_load %arg9[%get3A] {strides = array<i32>} : memref<4096xi32, #tpu.memory_space<vmem>>, vector<16xi32>,
        %sub3A = arith.constant 1 : i32
        %sub3A_70 = arith.subi %while3A_65, %sub3A : i32
        %reduce_sum3A = arith.constant true
        %reduce_sum3A_71 = vector.broadcast %reduce_sum3A : i1 to vector<16xi1>
        %reduce_sum3A_72 = tpu.scan <sum>, %get3A_69 masked %reduce_sum3A_71 : vector<16xi32>, vector<16xi1> -> vector<16xi32>
        %reduce_sum3A_73 = vector.extract %reduce_sum3A_72[15] : i32 from vector<16xi32>
        %add3A_74 = arith.addi %while3A_66, %reduce_sum3A_73 : i32
        scf.yield %sub3A_70, %add3A_74 : i32, i32
      }
      %add3A_39 = arith.constant 1 : i32
      %add3A_40 = arith.addi %while3A_38#0, %add3A_39 : i32
      %convert_element_type3A_41 = arith.sitofp %add3A_40 : i32 to f32
      %mul3A_42 = arith.constant 3.906250e-03 : f32
      %mul3A_43 = arith.mulf %convert_element_type3A_41, %mul3A_42 : f32
      %scan3A_44 = arith.constant 0 : i32
      %scan3A_45 = arith.constant 0 : i32
      %scan3A_46 = arith.constant 25 : i32
      %scan3A_47 = arith.addi %scan3A_45, %scan3A_46 : i32
      %scan3A_48 = arith.constant 1 : i32
      %scan3A_49 = scf.for %scan3A_65 = %scan3A_45 to %scan3A_47 step %scan3A_48 iter_args(%scan3A_66 = %scan3A_44) -> (i32)  : i32 {
        %mul3A_67 = arith.constant 384 : i32
        %mul3A_68 = arith.muli %add3A, %mul3A_67 : i32
        %mul3A_69 = arith.constant 16 : i32
        %mul3A_70 = arith.muli %scan3A_65, %mul3A_69 : i32
        %add3A_71 = arith.addi %mul3A_68, %mul3A_70 : i32
        %jit3A = arith.constant 19984 : i32
        %eq3A = arith.constant 0 : i32
        %eq3A_72 = arith.cmpi eq, %jit3A, %eq3A : i32
        %jit3A_73 = arith.constant 1 : i32
        %select_n3A = arith.select %eq3A_72, %jit3A_73, %jit3A : i32
        %rem3A = arith.remsi %add3A_71, %select_n3A : i32
        %ne3A = arith.constant 0 : i32
        %ne3A_74 = arith.cmpi ne, %rem3A, %ne3A : i32
        %lt3A_75 = arith.constant 0 : i32
        %lt3A_76 = arith.cmpi slt, %rem3A, %lt3A_75 : i32
        %lt3A_77 = arith.constant 0 : i32
        %lt3A_78 = arith.cmpi slt, %select_n3A, %lt3A_77 : i32
        %ne3A_79 = arith.xori %lt3A_76, %lt3A_78 : i1
        %and3A = arith.andi %ne3A_79, %ne3A_74 : i1
        %add3A_80 = arith.addi %rem3A, %select_n3A : i32
        %select_n3A_81 = arith.select %and3A, %add3A_80, %rem3A : i32
        %add3A_82 = vector.broadcast %select_n3A_81 : i32 to vector<16xi32>
        %add3A_83 = arith.addi %add3A_82, %iota3A : vector<16xi32>
        %mul3A_84 = arith.constant 16 : i32
        %mul3A_85 = arith.muli %scan3A_65, %mul3A_84 : i32
        %swap3A = arith.index_cast %mul3A_85 : i32 to index
        %swap3A_86 = tpu.vector_load %arg11[%swap3A] {strides = array<i32>} : memref<400xi32, #tpu.memory_space<vmem>>, vector<16xi32>,
        tpu.vector_store %arg11[%swap3A], %add3A_83 {strides = array<i32>} : memref<400xi32, #tpu.memory_space<vmem>>, vector<16xi32>,
        %mul3A_87 = arith.constant 16 : i32
        %mul3A_88 = arith.muli %scan3A_65, %mul3A_87 : i32
        %swap3A_89 = arith.index_cast %mul3A_88 : i32 to index
        %swap3A_90 = tpu.vector_load %arg10[%swap3A_89] {strides = array<i32>} : memref<400xf32, #tpu.memory_space<vmem>>, vector<16xf32>,
        tpu.vector_store %arg10[%swap3A_89], %broadcast_in_dim3A_5 {strides = array<i32>} : memref<400xf32, #tpu.memory_space<vmem>>, vector<16xf32>,
        %scan3A_91 = arith.constant 0 : i32
        scf.yield %scan3A_91 : i32
      }
      %scan3A_50 = arith.constant 25 : i32
      %scan3A_51 = arith.constant 0 : i32
      %scan3A_52 = arith.constant 0 : i32
      %scan3A_53 = arith.constant 250 : i32
      %scan3A_54 = arith.addi %scan3A_52, %scan3A_53 : i32
      %scan3A_55 = arith.constant 1 : i32
      %scan3A_56 = scf.for %scan3A_65 = %scan3A_52 to %scan3A_54 step %scan3A_55 iter_args(%scan3A_66 = %scan3A_51) -> (i32)  : i32 {
        %mul3A_67 = arith.constant 80 : i32
        %mul3A_68 = arith.muli %scan3A_65, %mul3A_67 : i32
        %add3A_69 = arith.constant 0 : i32
        %add3A_70 = arith.addi %mul3A_68, %add3A_69 : i32
        %get3A = arith.index_cast %add3A_70 : i32 to index
        %get3A_71 = tpu.vector_load %arg7[%get3A] {strides = array<i32>} : memref<20000xf32, #tpu.memory_space<vmem>>, vector<16xf32>,
        %ge3A = vector.broadcast %mul3A_43 : f32 to vector<16xf32>
        %ge3A_72 = arith.cmpf oge, %get3A_71, %ge3A : vector<16xf32>
        %lt3A_73 = arith.constant 384 : i32
        %lt3A_74 = arith.cmpi slt, %scan3A_66, %lt3A_73 : i32
        %and3A = vector.broadcast %lt3A_74 : i1 to vector<16xi1>
        %and3A_75 = arith.andi %ge3A_72, %and3A : vector<16xi1>
        %swap3A = arith.index_cast %scan3A_66 : i32 to index
        %swap3A_76 = tpu.vector_load %arg10[%swap3A] masked %and3A_75 {strides = array<i32>} : memref<400xf32, #tpu.memory_space<vmem>>, vector<16xf32>, vector<16xi1>
        tpu.vector_store %arg10[%swap3A], %get3A_71 masked %and3A_75 {strides = array<i32>} : memref<400xf32, #tpu.memory_space<vmem>>, vector<16xf32>, vector<16xi1>
        %add3A_77 = vector.broadcast %add3A_70 : i32 to vector<16xi32>
        %add3A_78 = arith.addi %add3A_77, %iota3A : vector<16xi32>
        %swap3A_79 = arith.index_cast %scan3A_66 : i32 to index
        %swap3A_80 = tpu.vector_load %arg11[%swap3A_79] masked %and3A_75 {strides = array<i32>} : memref<400xi32, #tpu.memory_space<vmem>>, vector<16xi32>, vector<16xi1>
        tpu.vector_store %arg11[%swap3A_79], %add3A_78 masked %and3A_75 {strides = array<i32>} : memref<400xi32, #tpu.memory_space<vmem>>, vector<16xi32>, vector<16xi1>
        %convert_element_type3A_81 = arith.extui %and3A_75 : vector<16xi1> to vector<16xi32>
        %reduce_sum3A = arith.constant true
        %reduce_sum3A_82 = vector.broadcast %reduce_sum3A : i1 to vector<16xi1>
        %reduce_sum3A_83 = tpu.scan <sum>, %convert_element_type3A_81 masked %reduce_sum3A_82 : vector<16xi32>, vector<16xi1> -> vector<16xi32>
        %reduce_sum3A_84 = vector.extract %reduce_sum3A_83[15] : i32 from vector<16xi32>
        %add3A_85 = arith.addi %scan3A_66, %reduce_sum3A_84 : i32
        %mul3A_86 = arith.constant 80 : i32
        %mul3A_87 = arith.muli %scan3A_65, %mul3A_86 : i32
        %add3A_88 = arith.constant 16 : i32
        %add3A_89 = arith.addi %mul3A_87, %add3A_88 : i32
        %get3A_90 = arith.index_cast %add3A_89 : i32 to index
        %get3A_91 = tpu.vector_load %arg7[%get3A_90] {strides = array<i32>} : memref<20000xf32, #tpu.memory_space<vmem>>, vector<16xf32>,
        %ge3A_92 = vector.broadcast %mul3A_43 : f32 to vector<16xf32>
        %ge3A_93 = arith.cmpf oge, %get3A_91, %ge3A_92 : vector<16xf32>
        %lt3A_94 = arith.constant 384 : i32
        %lt3A_95 = arith.cmpi slt, %add3A_85, %lt3A_94 : i32
        %and3A_96 = vector.broadcast %lt3A_95 : i1 to vector<16xi1>
        %and3A_97 = arith.andi %ge3A_93, %and3A_96 : vector<16xi1>
        %swap3A_98 = arith.index_cast %add3A_85 : i32 to index
        %swap3A_99 = tpu.vector_load %arg10[%swap3A_98] masked %and3A_97 {strides = array<i32>} : memref<400xf32, #tpu.memory_space<vmem>>, vector<16xf32>, vector<16xi1>
        tpu.vector_store %arg10[%swap3A_98], %get3A_91 masked %and3A_97 {strides = array<i32>} : memref<400xf32, #tpu.memory_space<vmem>>, vector<16xf32>, vector<16xi1>
        %add3A_100 = vector.broadcast %add3A_89 : i32 to vector<16xi32>
        %add3A_101 = arith.addi %add3A_100, %iota3A : vector<16xi32>
        %swap3A_102 = arith.index_cast %add3A_85 : i32 to index
        %swap3A_103 = tpu.vector_load %arg11[%swap3A_102] masked %and3A_97 {strides = array<i32>} : memref<400xi32, #tpu.memory_space<vmem>>, vector<16xi32>, vector<16xi1>
        tpu.vector_store %arg11[%swap3A_102], %add3A_101 masked %and3A_97 {strides = array<i32>} : memref<400xi32, #tpu.memory_space<vmem>>, vector<16xi32>, vector<16xi1>
        %convert_element_type3A_104 = arith.extui %and3A_97 : vector<16xi1> to vector<16xi32>
        %reduce_sum3A_105 = arith.constant true
        %reduce_sum3A_106 = vector.broadcast %reduce_sum3A_105 : i1 to vector<16xi1>
        %reduce_sum3A_107 = tpu.scan <sum>, %convert_element_type3A_104 masked %reduce_sum3A_106 : vector<16xi32>, vector<16xi1> -> vector<16xi32>
        %reduce_sum3A_108 = vector.extract %reduce_sum3A_107[15] : i32 from vector<16xi32>
        %add3A_109 = arith.addi %add3A_85, %reduce_sum3A_108 : i32
        %mul3A_110 = arith.constant 80 : i32
        %mul3A_111 = arith.muli %scan3A_65, %mul3A_110 : i32
        %add3A_112 = arith.constant 32 : i32
        %add3A_113 = arith.addi %mul3A_111, %add3A_112 : i32
        %get3A_114 = arith.index_cast %add3A_113 : i32 to index
        %get3A_115 = tpu.vector_load %arg7[%get3A_114] {strides = array<i32>} : memref<20000xf32, #tpu.memory_space<vmem>>, vector<16xf32>,
        %ge3A_116 = vector.broadcast %mul3A_43 : f32 to vector<16xf32>
        %ge3A_117 = arith.cmpf oge, %get3A_115, %ge3A_116 : vector<16xf32>
        %lt3A_118 = arith.constant 384 : i32
        %lt3A_119 = arith.cmpi slt, %add3A_109, %lt3A_118 : i32
        %and3A_120 = vector.broadcast %lt3A_119 : i1 to vector<16xi1>
        %and3A_121 = arith.andi %ge3A_117, %and3A_120 : vector<16xi1>
        %swap3A_122 = arith.index_cast %add3A_109 : i32 to index
        %swap3A_123 = tpu.vector_load %arg10[%swap3A_122] masked %and3A_121 {strides = array<i32>} : memref<400xf32, #tpu.memory_space<vmem>>, vector<16xf32>, vector<16xi1>
        tpu.vector_store %arg10[%swap3A_122], %get3A_115 masked %and3A_121 {strides = array<i32>} : memref<400xf32, #tpu.memory_space<vmem>>, vector<16xf32>, vector<16xi1>
        %add3A_124 = vector.broadcast %add3A_113 : i32 to vector<16xi32>
        %add3A_125 = arith.addi %add3A_124, %iota3A : vector<16xi32>
        %swap3A_126 = arith.index_cast %add3A_109 : i32 to index
        %swap3A_127 = tpu.vector_load %arg11[%swap3A_126] masked %and3A_121 {strides = array<i32>} : memref<400xi32, #tpu.memory_space<vmem>>, vector<16xi32>, vector<16xi1>
        tpu.vector_store %arg11[%swap3A_126], %add3A_125 masked %and3A_121 {strides = array<i32>} : memref<400xi32, #tpu.memory_space<vmem>>, vector<16xi32>, vector<16xi1>
        %convert_element_type3A_128 = arith.extui %and3A_121 : vector<16xi1> to vector<16xi32>
        %reduce_sum3A_129 = arith.constant true
        %reduce_sum3A_130 = vector.broadcast %reduce_sum3A_129 : i1 to vector<16xi1>
        %reduce_sum3A_131 = tpu.scan <sum>, %convert_element_type3A_128 masked %reduce_sum3A_130 : vector<16xi32>, vector<16xi1> -> vector<16xi32>
        %reduce_sum3A_132 = vector.extract %reduce_sum3A_131[15] : i32 from vector<16xi32>
        %add3A_133 = arith.addi %add3A_109, %reduce_sum3A_132 : i32
        %mul3A_134 = arith.constant 80 : i32
        %mul3A_135 = arith.muli %scan3A_65, %mul3A_134 : i32
        %add3A_136 = arith.constant 48 : i32
        %add3A_137 = arith.addi %mul3A_135, %add3A_136 : i32
        %get3A_138 = arith.index_cast %add3A_137 : i32 to index
        %get3A_139 = tpu.vector_load %arg7[%get3A_138] {strides = array<i32>} : memref<20000xf32, #tpu.memory_space<vmem>>, vector<16xf32>,
        %ge3A_140 = vector.broadcast %mul3A_43 : f32 to vector<16xf32>
        %ge3A_141 = arith.cmpf oge, %get3A_139, %ge3A_140 : vector<16xf32>
        %lt3A_142 = arith.constant 384 : i32
        %lt3A_143 = arith.cmpi slt, %add3A_133, %lt3A_142 : i32
        %and3A_144 = vector.broadcast %lt3A_143 : i1 to vector<16xi1>
        %and3A_145 = arith.andi %ge3A_141, %and3A_144 : vector<16xi1>
        %swap3A_146 = arith.index_cast %add3A_133 : i32 to index
        %swap3A_147 = tpu.vector_load %arg10[%swap3A_146] masked %and3A_145 {strides = array<i32>} : memref<400xf32, #tpu.memory_space<vmem>>, vector<16xf32>, vector<16xi1>
        tpu.vector_store %arg10[%swap3A_146], %get3A_139 masked %and3A_145 {strides = array<i32>} : memref<400xf32, #tpu.memory_space<vmem>>, vector<16xf32>, vector<16xi1>
        %add3A_148 = vector.broadcast %add3A_137 : i32 to vector<16xi32>
        %add3A_149 = arith.addi %add3A_148, %iota3A : vector<16xi32>
        %swap3A_150 = arith.index_cast %add3A_133 : i32 to index
        %swap3A_151 = tpu.vector_load %arg11[%swap3A_150] masked %and3A_145 {strides = array<i32>} : memref<400xi32, #tpu.memory_space<vmem>>, vector<16xi32>, vector<16xi1>
        tpu.vector_store %arg11[%swap3A_150], %add3A_149 masked %and3A_145 {strides = array<i32>} : memref<400xi32, #tpu.memory_space<vmem>>, vector<16xi32>, vector<16xi1>
        %convert_element_type3A_152 = arith.extui %and3A_145 : vector<16xi1> to vector<16xi32>
        %reduce_sum3A_153 = arith.constant true
        %reduce_sum3A_154 = vector.broadcast %reduce_sum3A_153 : i1 to vector<16xi1>
        %reduce_sum3A_155 = tpu.scan <sum>, %convert_element_type3A_152 masked %reduce_sum3A_154 : vector<16xi32>, vector<16xi1> -> vector<16xi32>
        %reduce_sum3A_156 = vector.extract %reduce_sum3A_155[15] : i32 from vector<16xi32>
        %add3A_157 = arith.addi %add3A_133, %reduce_sum3A_156 : i32
        %mul3A_158 = arith.constant 80 : i32
        %mul3A_159 = arith.muli %scan3A_65, %mul3A_158 : i32
        %add3A_160 = arith.constant 64 : i32
        %add3A_161 = arith.addi %mul3A_159, %add3A_160 : i32
        %get3A_162 = arith.index_cast %add3A_161 : i32 to index
        %get3A_163 = tpu.vector_load %arg7[%get3A_162] {strides = array<i32>} : memref<20000xf32, #tpu.memory_space<vmem>>, vector<16xf32>,
        %ge3A_164 = vector.broadcast %mul3A_43 : f32 to vector<16xf32>
        %ge3A_165 = arith.cmpf oge, %get3A_163, %ge3A_164 : vector<16xf32>
        %lt3A_166 = arith.constant 384 : i32
        %lt3A_167 = arith.cmpi slt, %add3A_157, %lt3A_166 : i32
        %and3A_168 = vector.broadcast %lt3A_167 : i1 to vector<16xi1>
        %and3A_169 = arith.andi %ge3A_165, %and3A_168 : vector<16xi1>
        %swap3A_170 = arith.index_cast %add3A_157 : i32 to index
        %swap3A_171 = tpu.vector_load %arg10[%swap3A_170] masked %and3A_169 {strides = array<i32>} : memref<400xf32, #tpu.memory_space<vmem>>, vector<16xf32>, vector<16xi1>
        tpu.vector_store %arg10[%swap3A_170], %get3A_163 masked %and3A_169 {strides = array<i32>} : memref<400xf32, #tpu.memory_space<vmem>>, vector<16xf32>, vector<16xi1>
        %add3A_172 = vector.broadcast %add3A_161 : i32 to vector<16xi32>
        %add3A_173 = arith.addi %add3A_172, %iota3A : vector<16xi32>
        %swap3A_174 = arith.index_cast %add3A_157 : i32 to index
        %swap3A_175 = tpu.vector_load %arg11[%swap3A_174] masked %and3A_169 {strides = array<i32>} : memref<400xi32, #tpu.memory_space<vmem>>, vector<16xi32>, vector<16xi1>
        tpu.vector_store %arg11[%swap3A_174], %add3A_173 masked %and3A_169 {strides = array<i32>} : memref<400xi32, #tpu.memory_space<vmem>>, vector<16xi32>, vector<16xi1>
        %convert_element_type3A_176 = arith.extui %and3A_169 : vector<16xi1> to vector<16xi32>
        %reduce_sum3A_177 = arith.constant true
        %reduce_sum3A_178 = vector.broadcast %reduce_sum3A_177 : i1 to vector<16xi1>
        %reduce_sum3A_179 = tpu.scan <sum>, %convert_element_type3A_176 masked %reduce_sum3A_178 : vector<16xi32>, vector<16xi1> -> vector<16xi32>
        %reduce_sum3A_180 = vector.extract %reduce_sum3A_179[15] : i32 from vector<16xi32>
        %add3A_181 = arith.addi %add3A_157, %reduce_sum3A_180 : i32
        scf.yield %add3A_181 : i32
      }
      %scan3A_57 = arith.constant 250 : i32
      %scan3A_58 = arith.constant 0 : i32
      %scan3A_59 = arith.constant 0 : i32
      %scan3A_60 = arith.constant 24 : i32
      %scan3A_61 = arith.addi %scan3A_59, %scan3A_60 : i32
      %scan3A_62 = arith.constant 1 : i32
      %scan3A_63 = scf.for %scan3A_65 = %scan3A_59 to %scan3A_61 step %scan3A_62 iter_args(%scan3A_66 = %scan3A_58) -> (i32)  : i32 {
        %mul3A_67 = arith.constant 16 : i32
        %mul3A_68 = arith.muli %scan3A_65, %mul3A_67 : i32
        %get3A = arith.index_cast %mul3A_68 : i32 to index
        %get3A_69 = tpu.vector_load %arg11[%get3A] {strides = array<i32>} : memref<400xi32, #tpu.memory_space<vmem>>, vector<16xi32>,
        %broadcast_in_dim3A_70 = arith.constant 0 : i32
        %broadcast_in_dim3A_71 = vector.broadcast %broadcast_in_dim3A_70 : i32 to vector<16xi32>
        %gather3A = tpu.vector_load_idx %arg8[%broadcast_in_dim3A_71, %get3A_69] : memref<4x20000xf32, #tpu.memory_space<vmem>>[vector<16xi32>, vector<16xi32>], vector<16xf32>,
        %mul3A_72 = arith.constant 16 : i32
        %mul3A_73 = arith.muli %scan3A_65, %mul3A_72 : i32
        %swap3A = arith.constant 0 : i32
        %swap3A_74 = arith.index_cast %swap3A : i32 to index
        %swap3A_75 = arith.index_cast %mul3A_73 : i32 to index
        %swap3A_76 = tpu.vector_load %arg12[%swap3A_74, %swap3A_75] {strides = array<i32>} : memref<4x384xf32, #tpu.memory_space<vmem>>, vector<16xf32>,
        tpu.vector_store %arg12[%swap3A_74, %swap3A_75], %gather3A {strides = array<i32>} : memref<4x384xf32, #tpu.memory_space<vmem>>, vector<16xf32>,
        %broadcast_in_dim3A_77 = arith.constant 1 : i32
        %broadcast_in_dim3A_78 = vector.broadcast %broadcast_in_dim3A_77 : i32 to vector<16xi32>
        %gather3A_79 = tpu.vector_load_idx %arg8[%broadcast_in_dim3A_78, %get3A_69] : memref<4x20000xf32, #tpu.memory_space<vmem>>[vector<16xi32>, vector<16xi32>], vector<16xf32>,
        %mul3A_80 = arith.constant 16 : i32
        %mul3A_81 = arith.muli %scan3A_65, %mul3A_80 : i32
        %swap3A_82 = arith.constant 1 : i32
        %swap3A_83 = arith.index_cast %swap3A_82 : i32 to index
        %swap3A_84 = arith.index_cast %mul3A_81 : i32 to index
        %swap3A_85 = tpu.vector_load %arg12[%swap3A_83, %swap3A_84] {strides = array<i32>} : memref<4x384xf32, #tpu.memory_space<vmem>>, vector<16xf32>,
        tpu.vector_store %arg12[%swap3A_83, %swap3A_84], %gather3A_79 {strides = array<i32>} : memref<4x384xf32, #tpu.memory_space<vmem>>, vector<16xf32>,
        %broadcast_in_dim3A_86 = arith.constant 2 : i32
        %broadcast_in_dim3A_87 = vector.broadcast %broadcast_in_dim3A_86 : i32 to vector<16xi32>
        %gather3A_88 = tpu.vector_load_idx %arg8[%broadcast_in_dim3A_87, %get3A_69] : memref<4x20000xf32, #tpu.memory_space<vmem>>[vector<16xi32>, vector<16xi32>], vector<16xf32>,
        %mul3A_89 = arith.constant 16 : i32
        %mul3A_90 = arith.muli %scan3A_65, %mul3A_89 : i32
        %swap3A_91 = arith.constant 2 : i32
        %swap3A_92 = arith.index_cast %swap3A_91 : i32 to index
        %swap3A_93 = arith.index_cast %mul3A_90 : i32 to index
        %swap3A_94 = tpu.vector_load %arg12[%swap3A_92, %swap3A_93] {strides = array<i32>} : memref<4x384xf32, #tpu.memory_space<vmem>>, vector<16xf32>,
        tpu.vector_store %arg12[%swap3A_92, %swap3A_93], %gather3A_88 {strides = array<i32>} : memref<4x384xf32, #tpu.memory_space<vmem>>, vector<16xf32>,
        %broadcast_in_dim3A_95 = arith.constant 3 : i32
        %broadcast_in_dim3A_96 = vector.broadcast %broadcast_in_dim3A_95 : i32 to vector<16xi32>
        %gather3A_97 = tpu.vector_load_idx %arg8[%broadcast_in_dim3A_96, %get3A_69] : memref<4x20000xf32, #tpu.memory_space<vmem>>[vector<16xi32>, vector<16xi32>], vector<16xf32>,
        %mul3A_98 = arith.constant 16 : i32
        %mul3A_99 = arith.muli %scan3A_65, %mul3A_98 : i32
        %swap3A_100 = arith.constant 3 : i32
        %swap3A_101 = arith.index_cast %swap3A_100 : i32 to index
        %swap3A_102 = arith.index_cast %mul3A_99 : i32 to index
        %swap3A_103 = tpu.vector_load %arg12[%swap3A_101, %swap3A_102] {strides = array<i32>} : memref<4x384xf32, #tpu.memory_space<vmem>>, vector<16xf32>,
        tpu.vector_store %arg12[%swap3A_101, %swap3A_102], %gather3A_97 {strides = array<i32>} : memref<4x384xf32, #tpu.memory_space<vmem>>, vector<16xf32>,
        %scan3A_104 = arith.constant 0 : i32
        scf.yield %scan3A_104 : i32
      }
      %scan3A_64 = arith.constant 24 : i32
      "tpu.region"() ({
        %run_scoped3A = tpu.sem_alloc : memref<!tpu.dma_semaphore, #tpu.memory_space<semaphore_mem>>
        %dma_start3A = arith.constant 0 : i32
        %dma_start3A_65 = tpu.memref_slice %arg10[%dma_start3A] : memref<400xf32, #tpu.memory_space<vmem>> -> memref<384xf32, #tpu.memory_space<vmem>>
        %dma_start3A_66 = arith.constant 0 : i32
        %dma_start3A_67 = tpu.memref_slice %arg4[%add3A_7, %dma_start3A_66] : memref<80x384xf32, #tpu.memory_space<hbm>> -> memref<1x384xf32, #tpu.memory_space<hbm>>
        %dma_start3A_68 = tpu.memref_squeeze %dma_start3A_67 : memref<1x384xf32, #tpu.memory_space<hbm>> -> memref<384xf32, #tpu.memory_space<hbm>>
        %dma_start3A_69 = arith.constant 0 : i32
        %dma_start3A_70 = tpu.memref_slice %arg4[%add3A_7, %dma_start3A_69] : memref<80x384xf32, #tpu.memory_space<hbm>> -> memref<1x384xf32, #tpu.memory_space<hbm>>
        %dma_start3A_71 = tpu.memref_squeeze %dma_start3A_70 : memref<1x384xf32, #tpu.memory_space<hbm>> -> memref<384xf32, #tpu.memory_space<hbm>>
        %dma_start3A_72 = arith.constant 0 : i32
        %dma_start3A_73 = tpu.memref_slice %arg10[%dma_start3A_72] : memref<400xf32, #tpu.memory_space<vmem>> -> memref<384xf32, #tpu.memory_space<vmem>>
        tpu.enqueue_dma source(%dma_start3A_73 : memref<384xf32, #tpu.memory_space<vmem>>) target(%dma_start3A_71 : memref<384xf32, #tpu.memory_space<hbm>>) target_semaphore(%run_scoped3A : memref<!tpu.dma_semaphore, #tpu.memory_space<semaphore_mem>>)
        %dma_wait3A = arith.constant 0 : i32
        %dma_wait3A_74 = tpu.memref_slice %arg10[%dma_wait3A] : memref<400xf32, #tpu.memory_space<vmem>> -> memref<384xf32, #tpu.memory_space<vmem>>
        %dma_wait3A_75 = arith.constant 0 : i32
        %dma_wait3A_76 = tpu.memref_slice %arg4[%add3A_7, %dma_wait3A_75] : memref<80x384xf32, #tpu.memory_space<hbm>> -> memref<1x384xf32, #tpu.memory_space<hbm>>
        %dma_wait3A_77 = tpu.memref_squeeze %dma_wait3A_76 : memref<1x384xf32, #tpu.memory_space<hbm>> -> memref<384xf32, #tpu.memory_space<hbm>>
        %dma_wait3A_78 = arith.constant 0 : i32
        %dma_wait3A_79 = tpu.memref_slice %arg4[%add3A_7, %dma_wait3A_78] : memref<80x384xf32, #tpu.memory_space<hbm>> -> memref<1x384xf32, #tpu.memory_space<hbm>>
        %dma_wait3A_80 = tpu.memref_squeeze %dma_wait3A_79 : memref<1x384xf32, #tpu.memory_space<hbm>> -> memref<384xf32, #tpu.memory_space<hbm>>
        %dma_wait3A_81 = arith.constant 0 : i32
        %dma_wait3A_82 = tpu.memref_slice %arg10[%dma_wait3A_81] : memref<400xf32, #tpu.memory_space<vmem>> -> memref<384xf32, #tpu.memory_space<vmem>>
        tpu.wait_dma2 semaphore(%run_scoped3A : memref<!tpu.dma_semaphore, #tpu.memory_space<semaphore_mem>>) src(%dma_wait3A_82 : memref<384xf32, #tpu.memory_space<vmem>>) dst(%dma_wait3A_80 : memref<384xf32, #tpu.memory_space<hbm>>)
        tpu.yield
      }) : () -> ()
      "tpu.region"() ({
        %run_scoped3A = tpu.sem_alloc : memref<!tpu.dma_semaphore, #tpu.memory_space<semaphore_mem>>
        %dma_start3A = arith.constant 0 : i32
        %dma_start3A_65 = tpu.memref_slice %arg11[%dma_start3A] : memref<400xi32, #tpu.memory_space<vmem>> -> memref<384xi32, #tpu.memory_space<vmem>>
        %dma_start3A_66 = arith.constant 0 : i32
        %dma_start3A_67 = tpu.memref_slice %arg5[%add3A_7, %dma_start3A_66] : memref<80x384xi32, #tpu.memory_space<hbm>> -> memref<1x384xi32, #tpu.memory_space<hbm>>
        %dma_start3A_68 = tpu.memref_squeeze %dma_start3A_67 : memref<1x384xi32, #tpu.memory_space<hbm>> -> memref<384xi32, #tpu.memory_space<hbm>>
        %dma_start3A_69 = arith.constant 0 : i32
        %dma_start3A_70 = tpu.memref_slice %arg5[%add3A_7, %dma_start3A_69] : memref<80x384xi32, #tpu.memory_space<hbm>> -> memref<1x384xi32, #tpu.memory_space<hbm>>
        %dma_start3A_71 = tpu.memref_squeeze %dma_start3A_70 : memref<1x384xi32, #tpu.memory_space<hbm>> -> memref<384xi32, #tpu.memory_space<hbm>>
        %dma_start3A_72 = arith.constant 0 : i32
        %dma_start3A_73 = tpu.memref_slice %arg11[%dma_start3A_72] : memref<400xi32, #tpu.memory_space<vmem>> -> memref<384xi32, #tpu.memory_space<vmem>>
        tpu.enqueue_dma source(%dma_start3A_73 : memref<384xi32, #tpu.memory_space<vmem>>) target(%dma_start3A_71 : memref<384xi32, #tpu.memory_space<hbm>>) target_semaphore(%run_scoped3A : memref<!tpu.dma_semaphore, #tpu.memory_space<semaphore_mem>>)
        %dma_wait3A = arith.constant 0 : i32
        %dma_wait3A_74 = tpu.memref_slice %arg11[%dma_wait3A] : memref<400xi32, #tpu.memory_space<vmem>> -> memref<384xi32, #tpu.memory_space<vmem>>
        %dma_wait3A_75 = arith.constant 0 : i32
        %dma_wait3A_76 = tpu.memref_slice %arg5[%add3A_7, %dma_wait3A_75] : memref<80x384xi32, #tpu.memory_space<hbm>> -> memref<1x384xi32, #tpu.memory_space<hbm>>
        %dma_wait3A_77 = tpu.memref_squeeze %dma_wait3A_76 : memref<1x384xi32, #tpu.memory_space<hbm>> -> memref<384xi32, #tpu.memory_space<hbm>>
        %dma_wait3A_78 = arith.constant 0 : i32
        %dma_wait3A_79 = tpu.memref_slice %arg5[%add3A_7, %dma_wait3A_78] : memref<80x384xi32, #tpu.memory_space<hbm>> -> memref<1x384xi32, #tpu.memory_space<hbm>>
        %dma_wait3A_80 = tpu.memref_squeeze %dma_wait3A_79 : memref<1x384xi32, #tpu.memory_space<hbm>> -> memref<384xi32, #tpu.memory_space<hbm>>
        %dma_wait3A_81 = arith.constant 0 : i32
        %dma_wait3A_82 = tpu.memref_slice %arg11[%dma_wait3A_81] : memref<400xi32, #tpu.memory_space<vmem>> -> memref<384xi32, #tpu.memory_space<vmem>>
        tpu.wait_dma2 semaphore(%run_scoped3A : memref<!tpu.dma_semaphore, #tpu.memory_space<semaphore_mem>>) src(%dma_wait3A_82 : memref<384xi32, #tpu.memory_space<vmem>>) dst(%dma_wait3A_80 : memref<384xi32, #tpu.memory_space<hbm>>)
        tpu.yield
      }) : () -> ()
      "tpu.region"() ({
        %run_scoped3A = tpu.sem_alloc : memref<!tpu.dma_semaphore, #tpu.memory_space<semaphore_mem>>
        %dma_start3A = arith.constant 0 : i32
        %dma_start3A_65 = arith.constant 0 : i32
        %dma_start3A_66 = tpu.memref_slice %arg6[%add3A_7, %dma_start3A, %dma_start3A_65] : memref<80x4x384xf32, #tpu.memory_space<hbm>> -> memref<1x4x384xf32, #tpu.memory_space<hbm>>
        %dma_start3A_67 = tpu.memref_squeeze %dma_start3A_66 : memref<1x4x384xf32, #tpu.memory_space<hbm>> -> memref<4x384xf32, #tpu.memory_space<hbm>>
        %dma_start3A_68 = arith.constant 0 : i32
        %dma_start3A_69 = arith.constant 0 : i32
        %dma_start3A_70 = tpu.memref_slice %arg6[%add3A_7, %dma_start3A_68, %dma_start3A_69] : memref<80x4x384xf32, #tpu.memory_space<hbm>> -> memref<1x4x384xf32, #tpu.memory_space<hbm>>
        %dma_start3A_71 = tpu.memref_squeeze %dma_start3A_70 : memref<1x4x384xf32, #tpu.memory_space<hbm>> -> memref<4x384xf32, #tpu.memory_space<hbm>>
        tpu.enqueue_dma source(%arg12 : memref<4x384xf32, #tpu.memory_space<vmem>>) target(%dma_start3A_71 : memref<4x384xf32, #tpu.memory_space<hbm>>) target_semaphore(%run_scoped3A : memref<!tpu.dma_semaphore, #tpu.memory_space<semaphore_mem>>)
        %dma_wait3A = arith.constant 0 : i32
        %dma_wait3A_72 = arith.constant 0 : i32
        %dma_wait3A_73 = tpu.memref_slice %arg6[%add3A_7, %dma_wait3A, %dma_wait3A_72] : memref<80x4x384xf32, #tpu.memory_space<hbm>> -> memref<1x4x384xf32, #tpu.memory_space<hbm>>
        %dma_wait3A_74 = tpu.memref_squeeze %dma_wait3A_73 : memref<1x4x384xf32, #tpu.memory_space<hbm>> -> memref<4x384xf32, #tpu.memory_space<hbm>>
        %dma_wait3A_75 = arith.constant 0 : i32
        %dma_wait3A_76 = arith.constant 0 : i32
        %dma_wait3A_77 = tpu.memref_slice %arg6[%add3A_7, %dma_wait3A_75, %dma_wait3A_76] : memref<80x4x384xf32, #tpu.memory_space<hbm>> -> memref<1x4x384xf32, #tpu.memory_space<hbm>>
        %dma_wait3A_78 = tpu.memref_squeeze %dma_wait3A_77 : memref<1x4x384xf32, #tpu.memory_space<hbm>> -> memref<4x384xf32, #tpu.memory_space<hbm>>
        tpu.wait_dma2 semaphore(%run_scoped3A : memref<!tpu.dma_semaphore, #tpu.memory_space<semaphore_mem>>) src(%arg12 : memref<4x384xf32, #tpu.memory_space<vmem>>) dst(%dma_wait3A_78 : memref<4x384xf32, #tpu.memory_space<hbm>>)
        tpu.yield
      }) : () -> ()
    } else {
    }
    %add3A_10 = arith.constant 32 : i32
    %add3A_11 = arith.addi %add3A, %add3A_10 : i32
    %lt3A_12 = arith.constant 80 : i32
    %lt3A_13 = arith.cmpi slt, %add3A_11, %lt3A_12 : i32
    %convert_element_type3A_14 = arith.extui %lt3A_13 : i1 to i32
    %cond3A_15 = arith.constant 0 : i32
    %cond3A_16 = arith.cmpi ne, %convert_element_type3A_14, %cond3A_15 : i32
    scf.if %cond3A_16 {
      "tpu.region"() ({
        %run_scoped3A = tpu.sem_alloc : memref<!tpu.dma_semaphore, #tpu.memory_space<semaphore_mem>>
        %dma_start3A = arith.constant 0 : i32
        %dma_start3A_65 = tpu.memref_slice %arg2[%add3A_11, %dma_start3A] : memref<80x20000xf32, #tpu.memory_space<hbm>> -> memref<1x20000xf32, #tpu.memory_space<hbm>>
        %dma_start3A_66 = tpu.memref_squeeze %dma_start3A_65 : memref<1x20000xf32, #tpu.memory_space<hbm>> -> memref<20000xf32, #tpu.memory_space<hbm>>
        %dma_start3A_67 = arith.constant 0 : i32
        %dma_start3A_68 = tpu.memref_slice %arg2[%add3A_11, %dma_start3A_67] : memref<80x20000xf32, #tpu.memory_space<hbm>> -> memref<1x20000xf32, #tpu.memory_space<hbm>>
        %dma_start3A_69 = tpu.memref_squeeze %dma_start3A_68 : memref<1x20000xf32, #tpu.memory_space<hbm>> -> memref<20000xf32, #tpu.memory_space<hbm>>
        tpu.enqueue_dma source(%dma_start3A_69 : memref<20000xf32, #tpu.memory_space<hbm>>) target(%arg7 : memref<20000xf32, #tpu.memory_space<vmem>>) target_semaphore(%run_scoped3A : memref<!tpu.dma_semaphore, #tpu.memory_space<semaphore_mem>>)
        %dma_wait3A = arith.constant 0 : i32
        %dma_wait3A_70 = tpu.memref_slice %arg2[%add3A_11, %dma_wait3A] : memref<80x20000xf32, #tpu.memory_space<hbm>> -> memref<1x20000xf32, #tpu.memory_space<hbm>>
        %dma_wait3A_71 = tpu.memref_squeeze %dma_wait3A_70 : memref<1x20000xf32, #tpu.memory_space<hbm>> -> memref<20000xf32, #tpu.memory_space<hbm>>
        %dma_wait3A_72 = arith.constant 0 : i32
        %dma_wait3A_73 = tpu.memref_slice %arg2[%add3A_11, %dma_wait3A_72] : memref<80x20000xf32, #tpu.memory_space<hbm>> -> memref<1x20000xf32, #tpu.memory_space<hbm>>
        %dma_wait3A_74 = tpu.memref_squeeze %dma_wait3A_73 : memref<1x20000xf32, #tpu.memory_space<hbm>> -> memref<20000xf32, #tpu.memory_space<hbm>>
        tpu.wait_dma2 semaphore(%run_scoped3A : memref<!tpu.dma_semaphore, #tpu.memory_space<semaphore_mem>>) src(%dma_wait3A_74 : memref<20000xf32, #tpu.memory_space<hbm>>) dst(%arg7 : memref<20000xf32, #tpu.memory_space<vmem>>)
        tpu.yield
      }) : () -> ()
      %scan3A = arith.constant 0 : i32
      %scan3A_24 = arith.constant 0 : i32
      %scan3A_25 = arith.constant 256 : i32
      %scan3A_26 = arith.addi %scan3A_24, %scan3A_25 : i32
      %scan3A_27 = arith.constant 1 : i32
      %scan3A_28 = scf.for %scan3A_65 = %scan3A_24 to %scan3A_26 step %scan3A_27 iter_args(%scan3A_66 = %scan3A) -> (i32)  : i32 {
        %mul3A_67 = arith.constant 16 : i32
        %mul3A_68 = arith.muli %scan3A_65, %mul3A_67 : i32
        %swap3A = arith.index_cast %mul3A_68 : i32 to index
        %swap3A_69 = tpu.vector_load %arg9[%swap3A] {strides = array<i32>} : memref<4096xi32, #tpu.memory_space<vmem>>, vector<16xi32>,
        tpu.vector_store %arg9[%swap3A], %broadcast_in_dim3A_1 {strides = array<i32>} : memref<4096xi32, #tpu.memory_space<vmem>>, vector<16xi32>,
        %scan3A_70 = arith.constant 0 : i32
        scf.yield %scan3A_70 : i32
      }
      %scan3A_29 = arith.constant 256 : i32
      %scan3A_30 = arith.constant 0 : i32
      %scan3A_31 = arith.constant 0 : i32
      %scan3A_32 = arith.constant 250 : i32
      %scan3A_33 = arith.addi %scan3A_31, %scan3A_32 : i32
      %scan3A_34 = arith.constant 1 : i32
      %scan3A_35 = scf.for %scan3A_65 = %scan3A_31 to %scan3A_33 step %scan3A_34 iter_args(%scan3A_66 = %scan3A_30) -> (i32)  : i32 {
        %mul3A_67 = arith.constant 80 : i32
        %mul3A_68 = arith.muli %scan3A_65, %mul3A_67 : i32
        %add3A_69 = arith.constant 0 : i32
        %add3A_70 = arith.addi %mul3A_68, %add3A_69 : i32
        %get3A = arith.index_cast %add3A_70 : i32 to index
        %get3A_71 = tpu.vector_load %arg7[%get3A] {strides = array<i32>} : memref<20000xf32, #tpu.memory_space<vmem>>, vector<16xf32>,
        %mul3A_72 = arith.constant 2.560000e+02 : f32
        %mul3A_73 = vector.broadcast %mul3A_72 : f32 to vector<16xf32>
        %mul3A_74 = arith.mulf %get3A_71, %mul3A_73 : vector<16xf32>
        %convert_element_type3A_75 = arith.fptosi %mul3A_74 : vector<16xf32> to vector<16xi32>
        %min3A = arith.constant 255 : i32
        %min3A_76 = vector.broadcast %min3A : i32 to vector<16xi32>
        %min3A_77 = arith.minsi %convert_element_type3A_75, %min3A_76 : vector<16xi32>
        %mul3A_78 = arith.constant 16 : i32
        %mul3A_79 = vector.broadcast %mul3A_78 : i32 to vector<16xi32>
        %mul3A_80 = arith.muli %min3A_77, %mul3A_79 : vector<16xi32>
        %add3A_81 = arith.addi %mul3A_80, %iota3A : vector<16xi32>
        tpu.vector_store_idx %arg9[%add3A_81], %broadcast_in_dim3A_3 {add = true} : memref<4096xi32, #tpu.memory_space<vmem>>[vector<16xi32>], vector<16xi32>,
        %mul3A_82 = arith.constant 80 : i32
        %mul3A_83 = arith.muli %scan3A_65, %mul3A_82 : i32
        %add3A_84 = arith.constant 16 : i32
        %add3A_85 = arith.addi %mul3A_83, %add3A_84 : i32
        %get3A_86 = arith.index_cast %add3A_85 : i32 to index
        %get3A_87 = tpu.vector_load %arg7[%get3A_86] {strides = array<i32>} : memref<20000xf32, #tpu.memory_space<vmem>>, vector<16xf32>,
        %mul3A_88 = arith.constant 2.560000e+02 : f32
        %mul3A_89 = vector.broadcast %mul3A_88 : f32 to vector<16xf32>
        %mul3A_90 = arith.mulf %get3A_87, %mul3A_89 : vector<16xf32>
        %convert_element_type3A_91 = arith.fptosi %mul3A_90 : vector<16xf32> to vector<16xi32>
        %min3A_92 = arith.constant 255 : i32
        %min3A_93 = vector.broadcast %min3A_92 : i32 to vector<16xi32>
        %min3A_94 = arith.minsi %convert_element_type3A_91, %min3A_93 : vector<16xi32>
        %mul3A_95 = arith.constant 16 : i32
        %mul3A_96 = vector.broadcast %mul3A_95 : i32 to vector<16xi32>
        %mul3A_97 = arith.muli %min3A_94, %mul3A_96 : vector<16xi32>
        %add3A_98 = arith.addi %mul3A_97, %iota3A : vector<16xi32>
        tpu.vector_store_idx %arg9[%add3A_98], %broadcast_in_dim3A_3 {add = true} : memref<4096xi32, #tpu.memory_space<vmem>>[vector<16xi32>], vector<16xi32>,
        %mul3A_99 = arith.constant 80 : i32
        %mul3A_100 = arith.muli %scan3A_65, %mul3A_99 : i32
        %add3A_101 = arith.constant 32 : i32
        %add3A_102 = arith.addi %mul3A_100, %add3A_101 : i32
        %get3A_103 = arith.index_cast %add3A_102 : i32 to index
        %get3A_104 = tpu.vector_load %arg7[%get3A_103] {strides = array<i32>} : memref<20000xf32, #tpu.memory_space<vmem>>, vector<16xf32>,
        %mul3A_105 = arith.constant 2.560000e+02 : f32
        %mul3A_106 = vector.broadcast %mul3A_105 : f32 to vector<16xf32>
        %mul3A_107 = arith.mulf %get3A_104, %mul3A_106 : vector<16xf32>
        %convert_element_type3A_108 = arith.fptosi %mul3A_107 : vector<16xf32> to vector<16xi32>
        %min3A_109 = arith.constant 255 : i32
        %min3A_110 = vector.broadcast %min3A_109 : i32 to vector<16xi32>
        %min3A_111 = arith.minsi %convert_element_type3A_108, %min3A_110 : vector<16xi32>
        %mul3A_112 = arith.constant 16 : i32
        %mul3A_113 = vector.broadcast %mul3A_112 : i32 to vector<16xi32>
        %mul3A_114 = arith.muli %min3A_111, %mul3A_113 : vector<16xi32>
        %add3A_115 = arith.addi %mul3A_114, %iota3A : vector<16xi32>
        tpu.vector_store_idx %arg9[%add3A_115], %broadcast_in_dim3A_3 {add = true} : memref<4096xi32, #tpu.memory_space<vmem>>[vector<16xi32>], vector<16xi32>,
        %mul3A_116 = arith.constant 80 : i32
        %mul3A_117 = arith.muli %scan3A_65, %mul3A_116 : i32
        %add3A_118 = arith.constant 48 : i32
        %add3A_119 = arith.addi %mul3A_117, %add3A_118 : i32
        %get3A_120 = arith.index_cast %add3A_119 : i32 to index
        %get3A_121 = tpu.vector_load %arg7[%get3A_120] {strides = array<i32>} : memref<20000xf32, #tpu.memory_space<vmem>>, vector<16xf32>,
        %mul3A_122 = arith.constant 2.560000e+02 : f32
        %mul3A_123 = vector.broadcast %mul3A_122 : f32 to vector<16xf32>
        %mul3A_124 = arith.mulf %get3A_121, %mul3A_123 : vector<16xf32>
        %convert_element_type3A_125 = arith.fptosi %mul3A_124 : vector<16xf32> to vector<16xi32>
        %min3A_126 = arith.constant 255 : i32
        %min3A_127 = vector.broadcast %min3A_126 : i32 to vector<16xi32>
        %min3A_128 = arith.minsi %convert_element_type3A_125, %min3A_127 : vector<16xi32>
        %mul3A_129 = arith.constant 16 : i32
        %mul3A_130 = vector.broadcast %mul3A_129 : i32 to vector<16xi32>
        %mul3A_131 = arith.muli %min3A_128, %mul3A_130 : vector<16xi32>
        %add3A_132 = arith.addi %mul3A_131, %iota3A : vector<16xi32>
        tpu.vector_store_idx %arg9[%add3A_132], %broadcast_in_dim3A_3 {add = true} : memref<4096xi32, #tpu.memory_space<vmem>>[vector<16xi32>], vector<16xi32>,
        %mul3A_133 = arith.constant 80 : i32
        %mul3A_134 = arith.muli %scan3A_65, %mul3A_133 : i32
        %add3A_135 = arith.constant 64 : i32
        %add3A_136 = arith.addi %mul3A_134, %add3A_135 : i32
        %get3A_137 = arith.index_cast %add3A_136 : i32 to index
        %get3A_138 = tpu.vector_load %arg7[%get3A_137] {strides = array<i32>} : memref<20000xf32, #tpu.memory_space<vmem>>, vector<16xf32>,
        %mul3A_139 = arith.constant 2.560000e+02 : f32
        %mul3A_140 = vector.broadcast %mul3A_139 : f32 to vector<16xf32>
        %mul3A_141 = arith.mulf %get3A_138, %mul3A_140 : vector<16xf32>
        %convert_element_type3A_142 = arith.fptosi %mul3A_141 : vector<16xf32> to vector<16xi32>
        %min3A_143 = arith.constant 255 : i32
        %min3A_144 = vector.broadcast %min3A_143 : i32 to vector<16xi32>
        %min3A_145 = arith.minsi %convert_element_type3A_142, %min3A_144 : vector<16xi32>
        %mul3A_146 = arith.constant 16 : i32
        %mul3A_147 = vector.broadcast %mul3A_146 : i32 to vector<16xi32>
        %mul3A_148 = arith.muli %min3A_145, %mul3A_147 : vector<16xi32>
        %add3A_149 = arith.addi %mul3A_148, %iota3A : vector<16xi32>
        tpu.vector_store_idx %arg9[%add3A_149], %broadcast_in_dim3A_3 {add = true} : memref<4096xi32, #tpu.memory_space<vmem>>[vector<16xi32>], vector<16xi32>,
        %scan3A_150 = arith.constant 0 : i32
        scf.yield %scan3A_150 : i32
      }
      %scan3A_36 = arith.constant 250 : i32
      %while3A = arith.constant 255 : i32
      %while3A_37 = arith.constant 0 : i32
      %while3A_38:2 = scf.while (%while3A_65 = %while3A, %while3A_66 = %while3A_37) : (i32, i32) -> (i32, i32) {
        %lt3A_67 = arith.constant 256 : i32
        %lt3A_68 = arith.cmpi slt, %while3A_66, %lt3A_67 : i32
        scf.condition(%lt3A_68) %while3A_65, %while3A_66 : i32, i32
      } do {
      ^bb0(%while3A_65: i32, %while3A_66: i32):
        %mul3A_67 = arith.constant 16 : i32
        %mul3A_68 = arith.muli %while3A_65, %mul3A_67 : i32
        %get3A = arith.index_cast %mul3A_68 : i32 to index
        %get3A_69 = tpu.vector_load %arg9[%get3A] {strides = array<i32>} : memref<4096xi32, #tpu.memory_space<vmem>>, vector<16xi32>,
        %sub3A = arith.constant 1 : i32
        %sub3A_70 = arith.subi %while3A_65, %sub3A : i32
        %reduce_sum3A = arith.constant true
        %reduce_sum3A_71 = vector.broadcast %reduce_sum3A : i1 to vector<16xi1>
        %reduce_sum3A_72 = tpu.scan <sum>, %get3A_69 masked %reduce_sum3A_71 : vector<16xi32>, vector<16xi1> -> vector<16xi32>
        %reduce_sum3A_73 = vector.extract %reduce_sum3A_72[15] : i32 from vector<16xi32>
        %add3A_74 = arith.addi %while3A_66, %reduce_sum3A_73 : i32
        scf.yield %sub3A_70, %add3A_74 : i32, i32
      }
      %add3A_39 = arith.constant 1 : i32
      %add3A_40 = arith.addi %while3A_38#0, %add3A_39 : i32
      %convert_element_type3A_41 = arith.sitofp %add3A_40 : i32 to f32
      %mul3A_42 = arith.constant 3.906250e-03 : f32
      %mul3A_43 = arith.mulf %convert_element_type3A_41, %mul3A_42 : f32
      %scan3A_44 = arith.constant 0 : i32
      %scan3A_45 = arith.constant 0 : i32
      %scan3A_46 = arith.constant 25 : i32
      %scan3A_47 = arith.addi %scan3A_45, %scan3A_46 : i32
      %scan3A_48 = arith.constant 1 : i32
      %scan3A_49 = scf.for %scan3A_65 = %scan3A_45 to %scan3A_47 step %scan3A_48 iter_args(%scan3A_66 = %scan3A_44) -> (i32)  : i32 {
        %mul3A_67 = arith.constant 384 : i32
        %mul3A_68 = arith.muli %add3A, %mul3A_67 : i32
        %mul3A_69 = arith.constant 16 : i32
        %mul3A_70 = arith.muli %scan3A_65, %mul3A_69 : i32
        %add3A_71 = arith.addi %mul3A_68, %mul3A_70 : i32
        %jit3A = arith.constant 19984 : i32
        %eq3A = arith.constant 0 : i32
        %eq3A_72 = arith.cmpi eq, %jit3A, %eq3A : i32
        %jit3A_73 = arith.constant 1 : i32
        %select_n3A = arith.select %eq3A_72, %jit3A_73, %jit3A : i32
        %rem3A = arith.remsi %add3A_71, %select_n3A : i32
        %ne3A = arith.constant 0 : i32
        %ne3A_74 = arith.cmpi ne, %rem3A, %ne3A : i32
        %lt3A_75 = arith.constant 0 : i32
        %lt3A_76 = arith.cmpi slt, %rem3A, %lt3A_75 : i32
        %lt3A_77 = arith.constant 0 : i32
        %lt3A_78 = arith.cmpi slt, %select_n3A, %lt3A_77 : i32
        %ne3A_79 = arith.xori %lt3A_76, %lt3A_78 : i1
        %and3A = arith.andi %ne3A_79, %ne3A_74 : i1
        %add3A_80 = arith.addi %rem3A, %select_n3A : i32
        %select_n3A_81 = arith.select %and3A, %add3A_80, %rem3A : i32
        %add3A_82 = vector.broadcast %select_n3A_81 : i32 to vector<16xi32>
        %add3A_83 = arith.addi %add3A_82, %iota3A : vector<16xi32>
        %mul3A_84 = arith.constant 16 : i32
        %mul3A_85 = arith.muli %scan3A_65, %mul3A_84 : i32
        %swap3A = arith.index_cast %mul3A_85 : i32 to index
        %swap3A_86 = tpu.vector_load %arg11[%swap3A] {strides = array<i32>} : memref<400xi32, #tpu.memory_space<vmem>>, vector<16xi32>,
        tpu.vector_store %arg11[%swap3A], %add3A_83 {strides = array<i32>} : memref<400xi32, #tpu.memory_space<vmem>>, vector<16xi32>,
        %mul3A_87 = arith.constant 16 : i32
        %mul3A_88 = arith.muli %scan3A_65, %mul3A_87 : i32
        %swap3A_89 = arith.index_cast %mul3A_88 : i32 to index
        %swap3A_90 = tpu.vector_load %arg10[%swap3A_89] {strides = array<i32>} : memref<400xf32, #tpu.memory_space<vmem>>, vector<16xf32>,
        tpu.vector_store %arg10[%swap3A_89], %broadcast_in_dim3A_5 {strides = array<i32>} : memref<400xf32, #tpu.memory_space<vmem>>, vector<16xf32>,
        %scan3A_91 = arith.constant 0 : i32
        scf.yield %scan3A_91 : i32
      }
      %scan3A_50 = arith.constant 25 : i32
      %scan3A_51 = arith.constant 0 : i32
      %scan3A_52 = arith.constant 0 : i32
      %scan3A_53 = arith.constant 250 : i32
      %scan3A_54 = arith.addi %scan3A_52, %scan3A_53 : i32
      %scan3A_55 = arith.constant 1 : i32
      %scan3A_56 = scf.for %scan3A_65 = %scan3A_52 to %scan3A_54 step %scan3A_55 iter_args(%scan3A_66 = %scan3A_51) -> (i32)  : i32 {
        %mul3A_67 = arith.constant 80 : i32
        %mul3A_68 = arith.muli %scan3A_65, %mul3A_67 : i32
        %add3A_69 = arith.constant 0 : i32
        %add3A_70 = arith.addi %mul3A_68, %add3A_69 : i32
        %get3A = arith.index_cast %add3A_70 : i32 to index
        %get3A_71 = tpu.vector_load %arg7[%get3A] {strides = array<i32>} : memref<20000xf32, #tpu.memory_space<vmem>>, vector<16xf32>,
        %ge3A = vector.broadcast %mul3A_43 : f32 to vector<16xf32>
        %ge3A_72 = arith.cmpf oge, %get3A_71, %ge3A : vector<16xf32>
        %lt3A_73 = arith.constant 384 : i32
        %lt3A_74 = arith.cmpi slt, %scan3A_66, %lt3A_73 : i32
        %and3A = vector.broadcast %lt3A_74 : i1 to vector<16xi1>
        %and3A_75 = arith.andi %ge3A_72, %and3A : vector<16xi1>
        %swap3A = arith.index_cast %scan3A_66 : i32 to index
        %swap3A_76 = tpu.vector_load %arg10[%swap3A] masked %and3A_75 {strides = array<i32>} : memref<400xf32, #tpu.memory_space<vmem>>, vector<16xf32>, vector<16xi1>
        tpu.vector_store %arg10[%swap3A], %get3A_71 masked %and3A_75 {strides = array<i32>} : memref<400xf32, #tpu.memory_space<vmem>>, vector<16xf32>, vector<16xi1>
        %add3A_77 = vector.broadcast %add3A_70 : i32 to vector<16xi32>
        %add3A_78 = arith.addi %add3A_77, %iota3A : vector<16xi32>
        %swap3A_79 = arith.index_cast %scan3A_66 : i32 to index
        %swap3A_80 = tpu.vector_load %arg11[%swap3A_79] masked %and3A_75 {strides = array<i32>} : memref<400xi32, #tpu.memory_space<vmem>>, vector<16xi32>, vector<16xi1>
        tpu.vector_store %arg11[%swap3A_79], %add3A_78 masked %and3A_75 {strides = array<i32>} : memref<400xi32, #tpu.memory_space<vmem>>, vector<16xi32>, vector<16xi1>
        %convert_element_type3A_81 = arith.extui %and3A_75 : vector<16xi1> to vector<16xi32>
        %reduce_sum3A = arith.constant true
        %reduce_sum3A_82 = vector.broadcast %reduce_sum3A : i1 to vector<16xi1>
        %reduce_sum3A_83 = tpu.scan <sum>, %convert_element_type3A_81 masked %reduce_sum3A_82 : vector<16xi32>, vector<16xi1> -> vector<16xi32>
        %reduce_sum3A_84 = vector.extract %reduce_sum3A_83[15] : i32 from vector<16xi32>
        %add3A_85 = arith.addi %scan3A_66, %reduce_sum3A_84 : i32
        %mul3A_86 = arith.constant 80 : i32
        %mul3A_87 = arith.muli %scan3A_65, %mul3A_86 : i32
        %add3A_88 = arith.constant 16 : i32
        %add3A_89 = arith.addi %mul3A_87, %add3A_88 : i32
        %get3A_90 = arith.index_cast %add3A_89 : i32 to index
        %get3A_91 = tpu.vector_load %arg7[%get3A_90] {strides = array<i32>} : memref<20000xf32, #tpu.memory_space<vmem>>, vector<16xf32>,
        %ge3A_92 = vector.broadcast %mul3A_43 : f32 to vector<16xf32>
        %ge3A_93 = arith.cmpf oge, %get3A_91, %ge3A_92 : vector<16xf32>
        %lt3A_94 = arith.constant 384 : i32
        %lt3A_95 = arith.cmpi slt, %add3A_85, %lt3A_94 : i32
        %and3A_96 = vector.broadcast %lt3A_95 : i1 to vector<16xi1>
        %and3A_97 = arith.andi %ge3A_93, %and3A_96 : vector<16xi1>
        %swap3A_98 = arith.index_cast %add3A_85 : i32 to index
        %swap3A_99 = tpu.vector_load %arg10[%swap3A_98] masked %and3A_97 {strides = array<i32>} : memref<400xf32, #tpu.memory_space<vmem>>, vector<16xf32>, vector<16xi1>
        tpu.vector_store %arg10[%swap3A_98], %get3A_91 masked %and3A_97 {strides = array<i32>} : memref<400xf32, #tpu.memory_space<vmem>>, vector<16xf32>, vector<16xi1>
        %add3A_100 = vector.broadcast %add3A_89 : i32 to vector<16xi32>
        %add3A_101 = arith.addi %add3A_100, %iota3A : vector<16xi32>
        %swap3A_102 = arith.index_cast %add3A_85 : i32 to index
        %swap3A_103 = tpu.vector_load %arg11[%swap3A_102] masked %and3A_97 {strides = array<i32>} : memref<400xi32, #tpu.memory_space<vmem>>, vector<16xi32>, vector<16xi1>
        tpu.vector_store %arg11[%swap3A_102], %add3A_101 masked %and3A_97 {strides = array<i32>} : memref<400xi32, #tpu.memory_space<vmem>>, vector<16xi32>, vector<16xi1>
        %convert_element_type3A_104 = arith.extui %and3A_97 : vector<16xi1> to vector<16xi32>
        %reduce_sum3A_105 = arith.constant true
        %reduce_sum3A_106 = vector.broadcast %reduce_sum3A_105 : i1 to vector<16xi1>
        %reduce_sum3A_107 = tpu.scan <sum>, %convert_element_type3A_104 masked %reduce_sum3A_106 : vector<16xi32>, vector<16xi1> -> vector<16xi32>
        %reduce_sum3A_108 = vector.extract %reduce_sum3A_107[15] : i32 from vector<16xi32>
        %add3A_109 = arith.addi %add3A_85, %reduce_sum3A_108 : i32
        %mul3A_110 = arith.constant 80 : i32
        %mul3A_111 = arith.muli %scan3A_65, %mul3A_110 : i32
        %add3A_112 = arith.constant 32 : i32
        %add3A_113 = arith.addi %mul3A_111, %add3A_112 : i32
        %get3A_114 = arith.index_cast %add3A_113 : i32 to index
        %get3A_115 = tpu.vector_load %arg7[%get3A_114] {strides = array<i32>} : memref<20000xf32, #tpu.memory_space<vmem>>, vector<16xf32>,
        %ge3A_116 = vector.broadcast %mul3A_43 : f32 to vector<16xf32>
        %ge3A_117 = arith.cmpf oge, %get3A_115, %ge3A_116 : vector<16xf32>
        %lt3A_118 = arith.constant 384 : i32
        %lt3A_119 = arith.cmpi slt, %add3A_109, %lt3A_118 : i32
        %and3A_120 = vector.broadcast %lt3A_119 : i1 to vector<16xi1>
        %and3A_121 = arith.andi %ge3A_117, %and3A_120 : vector<16xi1>
        %swap3A_122 = arith.index_cast %add3A_109 : i32 to index
        %swap3A_123 = tpu.vector_load %arg10[%swap3A_122] masked %and3A_121 {strides = array<i32>} : memref<400xf32, #tpu.memory_space<vmem>>, vector<16xf32>, vector<16xi1>
        tpu.vector_store %arg10[%swap3A_122], %get3A_115 masked %and3A_121 {strides = array<i32>} : memref<400xf32, #tpu.memory_space<vmem>>, vector<16xf32>, vector<16xi1>
        %add3A_124 = vector.broadcast %add3A_113 : i32 to vector<16xi32>
        %add3A_125 = arith.addi %add3A_124, %iota3A : vector<16xi32>
        %swap3A_126 = arith.index_cast %add3A_109 : i32 to index
        %swap3A_127 = tpu.vector_load %arg11[%swap3A_126] masked %and3A_121 {strides = array<i32>} : memref<400xi32, #tpu.memory_space<vmem>>, vector<16xi32>, vector<16xi1>
        tpu.vector_store %arg11[%swap3A_126], %add3A_125 masked %and3A_121 {strides = array<i32>} : memref<400xi32, #tpu.memory_space<vmem>>, vector<16xi32>, vector<16xi1>
        %convert_element_type3A_128 = arith.extui %and3A_121 : vector<16xi1> to vector<16xi32>
        %reduce_sum3A_129 = arith.constant true
        %reduce_sum3A_130 = vector.broadcast %reduce_sum3A_129 : i1 to vector<16xi1>
        %reduce_sum3A_131 = tpu.scan <sum>, %convert_element_type3A_128 masked %reduce_sum3A_130 : vector<16xi32>, vector<16xi1> -> vector<16xi32>
        %reduce_sum3A_132 = vector.extract %reduce_sum3A_131[15] : i32 from vector<16xi32>
        %add3A_133 = arith.addi %add3A_109, %reduce_sum3A_132 : i32
        %mul3A_134 = arith.constant 80 : i32
        %mul3A_135 = arith.muli %scan3A_65, %mul3A_134 : i32
        %add3A_136 = arith.constant 48 : i32
        %add3A_137 = arith.addi %mul3A_135, %add3A_136 : i32
        %get3A_138 = arith.index_cast %add3A_137 : i32 to index
        %get3A_139 = tpu.vector_load %arg7[%get3A_138] {strides = array<i32>} : memref<20000xf32, #tpu.memory_space<vmem>>, vector<16xf32>,
        %ge3A_140 = vector.broadcast %mul3A_43 : f32 to vector<16xf32>
        %ge3A_141 = arith.cmpf oge, %get3A_139, %ge3A_140 : vector<16xf32>
        %lt3A_142 = arith.constant 384 : i32
        %lt3A_143 = arith.cmpi slt, %add3A_133, %lt3A_142 : i32
        %and3A_144 = vector.broadcast %lt3A_143 : i1 to vector<16xi1>
        %and3A_145 = arith.andi %ge3A_141, %and3A_144 : vector<16xi1>
        %swap3A_146 = arith.index_cast %add3A_133 : i32 to index
        %swap3A_147 = tpu.vector_load %arg10[%swap3A_146] masked %and3A_145 {strides = array<i32>} : memref<400xf32, #tpu.memory_space<vmem>>, vector<16xf32>, vector<16xi1>
        tpu.vector_store %arg10[%swap3A_146], %get3A_139 masked %and3A_145 {strides = array<i32>} : memref<400xf32, #tpu.memory_space<vmem>>, vector<16xf32>, vector<16xi1>
        %add3A_148 = vector.broadcast %add3A_137 : i32 to vector<16xi32>
        %add3A_149 = arith.addi %add3A_148, %iota3A : vector<16xi32>
        %swap3A_150 = arith.index_cast %add3A_133 : i32 to index
        %swap3A_151 = tpu.vector_load %arg11[%swap3A_150] masked %and3A_145 {strides = array<i32>} : memref<400xi32, #tpu.memory_space<vmem>>, vector<16xi32>, vector<16xi1>
        tpu.vector_store %arg11[%swap3A_150], %add3A_149 masked %and3A_145 {strides = array<i32>} : memref<400xi32, #tpu.memory_space<vmem>>, vector<16xi32>, vector<16xi1>
        %convert_element_type3A_152 = arith.extui %and3A_145 : vector<16xi1> to vector<16xi32>
        %reduce_sum3A_153 = arith.constant true
        %reduce_sum3A_154 = vector.broadcast %reduce_sum3A_153 : i1 to vector<16xi1>
        %reduce_sum3A_155 = tpu.scan <sum>, %convert_element_type3A_152 masked %reduce_sum3A_154 : vector<16xi32>, vector<16xi1> -> vector<16xi32>
        %reduce_sum3A_156 = vector.extract %reduce_sum3A_155[15] : i32 from vector<16xi32>
        %add3A_157 = arith.addi %add3A_133, %reduce_sum3A_156 : i32
        %mul3A_158 = arith.constant 80 : i32
        %mul3A_159 = arith.muli %scan3A_65, %mul3A_158 : i32
        %add3A_160 = arith.constant 64 : i32
        %add3A_161 = arith.addi %mul3A_159, %add3A_160 : i32
        %get3A_162 = arith.index_cast %add3A_161 : i32 to index
        %get3A_163 = tpu.vector_load %arg7[%get3A_162] {strides = array<i32>} : memref<20000xf32, #tpu.memory_space<vmem>>, vector<16xf32>,
        %ge3A_164 = vector.broadcast %mul3A_43 : f32 to vector<16xf32>
        %ge3A_165 = arith.cmpf oge, %get3A_163, %ge3A_164 : vector<16xf32>
        %lt3A_166 = arith.constant 384 : i32
        %lt3A_167 = arith.cmpi slt, %add3A_157, %lt3A_166 : i32
        %and3A_168 = vector.broadcast %lt3A_167 : i1 to vector<16xi1>
        %and3A_169 = arith.andi %ge3A_165, %and3A_168 : vector<16xi1>
        %swap3A_170 = arith.index_cast %add3A_157 : i32 to index
        %swap3A_171 = tpu.vector_load %arg10[%swap3A_170] masked %and3A_169 {strides = array<i32>} : memref<400xf32, #tpu.memory_space<vmem>>, vector<16xf32>, vector<16xi1>
        tpu.vector_store %arg10[%swap3A_170], %get3A_163 masked %and3A_169 {strides = array<i32>} : memref<400xf32, #tpu.memory_space<vmem>>, vector<16xf32>, vector<16xi1>
        %add3A_172 = vector.broadcast %add3A_161 : i32 to vector<16xi32>
        %add3A_173 = arith.addi %add3A_172, %iota3A : vector<16xi32>
        %swap3A_174 = arith.index_cast %add3A_157 : i32 to index
        %swap3A_175 = tpu.vector_load %arg11[%swap3A_174] masked %and3A_169 {strides = array<i32>} : memref<400xi32, #tpu.memory_space<vmem>>, vector<16xi32>, vector<16xi1>
        tpu.vector_store %arg11[%swap3A_174], %add3A_173 masked %and3A_169 {strides = array<i32>} : memref<400xi32, #tpu.memory_space<vmem>>, vector<16xi32>, vector<16xi1>
        %convert_element_type3A_176 = arith.extui %and3A_169 : vector<16xi1> to vector<16xi32>
        %reduce_sum3A_177 = arith.constant true
        %reduce_sum3A_178 = vector.broadcast %reduce_sum3A_177 : i1 to vector<16xi1>
        %reduce_sum3A_179 = tpu.scan <sum>, %convert_element_type3A_176 masked %reduce_sum3A_178 : vector<16xi32>, vector<16xi1> -> vector<16xi32>
        %reduce_sum3A_180 = vector.extract %reduce_sum3A_179[15] : i32 from vector<16xi32>
        %add3A_181 = arith.addi %add3A_157, %reduce_sum3A_180 : i32
        scf.yield %add3A_181 : i32
      }
      %scan3A_57 = arith.constant 250 : i32
      %scan3A_58 = arith.constant 0 : i32
      %scan3A_59 = arith.constant 0 : i32
      %scan3A_60 = arith.constant 24 : i32
      %scan3A_61 = arith.addi %scan3A_59, %scan3A_60 : i32
      %scan3A_62 = arith.constant 1 : i32
      %scan3A_63 = scf.for %scan3A_65 = %scan3A_59 to %scan3A_61 step %scan3A_62 iter_args(%scan3A_66 = %scan3A_58) -> (i32)  : i32 {
        %mul3A_67 = arith.constant 16 : i32
        %mul3A_68 = arith.muli %scan3A_65, %mul3A_67 : i32
        %get3A = arith.index_cast %mul3A_68 : i32 to index
        %get3A_69 = tpu.vector_load %arg11[%get3A] {strides = array<i32>} : memref<400xi32, #tpu.memory_space<vmem>>, vector<16xi32>,
        %broadcast_in_dim3A_70 = arith.constant 0 : i32
        %broadcast_in_dim3A_71 = vector.broadcast %broadcast_in_dim3A_70 : i32 to vector<16xi32>
        %gather3A = tpu.vector_load_idx %arg8[%broadcast_in_dim3A_71, %get3A_69] : memref<4x20000xf32, #tpu.memory_space<vmem>>[vector<16xi32>, vector<16xi32>], vector<16xf32>,
        %mul3A_72 = arith.constant 16 : i32
        %mul3A_73 = arith.muli %scan3A_65, %mul3A_72 : i32
        %swap3A = arith.constant 0 : i32
        %swap3A_74 = arith.index_cast %swap3A : i32 to index
        %swap3A_75 = arith.index_cast %mul3A_73 : i32 to index
        %swap3A_76 = tpu.vector_load %arg12[%swap3A_74, %swap3A_75] {strides = array<i32>} : memref<4x384xf32, #tpu.memory_space<vmem>>, vector<16xf32>,
        tpu.vector_store %arg12[%swap3A_74, %swap3A_75], %gather3A {strides = array<i32>} : memref<4x384xf32, #tpu.memory_space<vmem>>, vector<16xf32>,
        %broadcast_in_dim3A_77 = arith.constant 1 : i32
        %broadcast_in_dim3A_78 = vector.broadcast %broadcast_in_dim3A_77 : i32 to vector<16xi32>
        %gather3A_79 = tpu.vector_load_idx %arg8[%broadcast_in_dim3A_78, %get3A_69] : memref<4x20000xf32, #tpu.memory_space<vmem>>[vector<16xi32>, vector<16xi32>], vector<16xf32>,
        %mul3A_80 = arith.constant 16 : i32
        %mul3A_81 = arith.muli %scan3A_65, %mul3A_80 : i32
        %swap3A_82 = arith.constant 1 : i32
        %swap3A_83 = arith.index_cast %swap3A_82 : i32 to index
        %swap3A_84 = arith.index_cast %mul3A_81 : i32 to index
        %swap3A_85 = tpu.vector_load %arg12[%swap3A_83, %swap3A_84] {strides = array<i32>} : memref<4x384xf32, #tpu.memory_space<vmem>>, vector<16xf32>,
        tpu.vector_store %arg12[%swap3A_83, %swap3A_84], %gather3A_79 {strides = array<i32>} : memref<4x384xf32, #tpu.memory_space<vmem>>, vector<16xf32>,
        %broadcast_in_dim3A_86 = arith.constant 2 : i32
        %broadcast_in_dim3A_87 = vector.broadcast %broadcast_in_dim3A_86 : i32 to vector<16xi32>
        %gather3A_88 = tpu.vector_load_idx %arg8[%broadcast_in_dim3A_87, %get3A_69] : memref<4x20000xf32, #tpu.memory_space<vmem>>[vector<16xi32>, vector<16xi32>], vector<16xf32>,
        %mul3A_89 = arith.constant 16 : i32
        %mul3A_90 = arith.muli %scan3A_65, %mul3A_89 : i32
        %swap3A_91 = arith.constant 2 : i32
        %swap3A_92 = arith.index_cast %swap3A_91 : i32 to index
        %swap3A_93 = arith.index_cast %mul3A_90 : i32 to index
        %swap3A_94 = tpu.vector_load %arg12[%swap3A_92, %swap3A_93] {strides = array<i32>} : memref<4x384xf32, #tpu.memory_space<vmem>>, vector<16xf32>,
        tpu.vector_store %arg12[%swap3A_92, %swap3A_93], %gather3A_88 {strides = array<i32>} : memref<4x384xf32, #tpu.memory_space<vmem>>, vector<16xf32>,
        %broadcast_in_dim3A_95 = arith.constant 3 : i32
        %broadcast_in_dim3A_96 = vector.broadcast %broadcast_in_dim3A_95 : i32 to vector<16xi32>
        %gather3A_97 = tpu.vector_load_idx %arg8[%broadcast_in_dim3A_96, %get3A_69] : memref<4x20000xf32, #tpu.memory_space<vmem>>[vector<16xi32>, vector<16xi32>], vector<16xf32>,
        %mul3A_98 = arith.constant 16 : i32
        %mul3A_99 = arith.muli %scan3A_65, %mul3A_98 : i32
        %swap3A_100 = arith.constant 3 : i32
        %swap3A_101 = arith.index_cast %swap3A_100 : i32 to index
        %swap3A_102 = arith.index_cast %mul3A_99 : i32 to index
        %swap3A_103 = tpu.vector_load %arg12[%swap3A_101, %swap3A_102] {strides = array<i32>} : memref<4x384xf32, #tpu.memory_space<vmem>>, vector<16xf32>,
        tpu.vector_store %arg12[%swap3A_101, %swap3A_102], %gather3A_97 {strides = array<i32>} : memref<4x384xf32, #tpu.memory_space<vmem>>, vector<16xf32>,
        %scan3A_104 = arith.constant 0 : i32
        scf.yield %scan3A_104 : i32
      }
      %scan3A_64 = arith.constant 24 : i32
      "tpu.region"() ({
        %run_scoped3A = tpu.sem_alloc : memref<!tpu.dma_semaphore, #tpu.memory_space<semaphore_mem>>
        %dma_start3A = arith.constant 0 : i32
        %dma_start3A_65 = tpu.memref_slice %arg10[%dma_start3A] : memref<400xf32, #tpu.memory_space<vmem>> -> memref<384xf32, #tpu.memory_space<vmem>>
        %dma_start3A_66 = arith.constant 0 : i32
        %dma_start3A_67 = tpu.memref_slice %arg4[%add3A_11, %dma_start3A_66] : memref<80x384xf32, #tpu.memory_space<hbm>> -> memref<1x384xf32, #tpu.memory_space<hbm>>
        %dma_start3A_68 = tpu.memref_squeeze %dma_start3A_67 : memref<1x384xf32, #tpu.memory_space<hbm>> -> memref<384xf32, #tpu.memory_space<hbm>>
        %dma_start3A_69 = arith.constant 0 : i32
        %dma_start3A_70 = tpu.memref_slice %arg4[%add3A_11, %dma_start3A_69] : memref<80x384xf32, #tpu.memory_space<hbm>> -> memref<1x384xf32, #tpu.memory_space<hbm>>
        %dma_start3A_71 = tpu.memref_squeeze %dma_start3A_70 : memref<1x384xf32, #tpu.memory_space<hbm>> -> memref<384xf32, #tpu.memory_space<hbm>>
        %dma_start3A_72 = arith.constant 0 : i32
        %dma_start3A_73 = tpu.memref_slice %arg10[%dma_start3A_72] : memref<400xf32, #tpu.memory_space<vmem>> -> memref<384xf32, #tpu.memory_space<vmem>>
        tpu.enqueue_dma source(%dma_start3A_73 : memref<384xf32, #tpu.memory_space<vmem>>) target(%dma_start3A_71 : memref<384xf32, #tpu.memory_space<hbm>>) target_semaphore(%run_scoped3A : memref<!tpu.dma_semaphore, #tpu.memory_space<semaphore_mem>>)
        %dma_wait3A = arith.constant 0 : i32
        %dma_wait3A_74 = tpu.memref_slice %arg10[%dma_wait3A] : memref<400xf32, #tpu.memory_space<vmem>> -> memref<384xf32, #tpu.memory_space<vmem>>
        %dma_wait3A_75 = arith.constant 0 : i32
        %dma_wait3A_76 = tpu.memref_slice %arg4[%add3A_11, %dma_wait3A_75] : memref<80x384xf32, #tpu.memory_space<hbm>> -> memref<1x384xf32, #tpu.memory_space<hbm>>
        %dma_wait3A_77 = tpu.memref_squeeze %dma_wait3A_76 : memref<1x384xf32, #tpu.memory_space<hbm>> -> memref<384xf32, #tpu.memory_space<hbm>>
        %dma_wait3A_78 = arith.constant 0 : i32
        %dma_wait3A_79 = tpu.memref_slice %arg4[%add3A_11, %dma_wait3A_78] : memref<80x384xf32, #tpu.memory_space<hbm>> -> memref<1x384xf32, #tpu.memory_space<hbm>>
        %dma_wait3A_80 = tpu.memref_squeeze %dma_wait3A_79 : memref<1x384xf32, #tpu.memory_space<hbm>> -> memref<384xf32, #tpu.memory_space<hbm>>
        %dma_wait3A_81 = arith.constant 0 : i32
        %dma_wait3A_82 = tpu.memref_slice %arg10[%dma_wait3A_81] : memref<400xf32, #tpu.memory_space<vmem>> -> memref<384xf32, #tpu.memory_space<vmem>>
        tpu.wait_dma2 semaphore(%run_scoped3A : memref<!tpu.dma_semaphore, #tpu.memory_space<semaphore_mem>>) src(%dma_wait3A_82 : memref<384xf32, #tpu.memory_space<vmem>>) dst(%dma_wait3A_80 : memref<384xf32, #tpu.memory_space<hbm>>)
        tpu.yield
      }) : () -> ()
      "tpu.region"() ({
        %run_scoped3A = tpu.sem_alloc : memref<!tpu.dma_semaphore, #tpu.memory_space<semaphore_mem>>
        %dma_start3A = arith.constant 0 : i32
        %dma_start3A_65 = tpu.memref_slice %arg11[%dma_start3A] : memref<400xi32, #tpu.memory_space<vmem>> -> memref<384xi32, #tpu.memory_space<vmem>>
        %dma_start3A_66 = arith.constant 0 : i32
        %dma_start3A_67 = tpu.memref_slice %arg5[%add3A_11, %dma_start3A_66] : memref<80x384xi32, #tpu.memory_space<hbm>> -> memref<1x384xi32, #tpu.memory_space<hbm>>
        %dma_start3A_68 = tpu.memref_squeeze %dma_start3A_67 : memref<1x384xi32, #tpu.memory_space<hbm>> -> memref<384xi32, #tpu.memory_space<hbm>>
        %dma_start3A_69 = arith.constant 0 : i32
        %dma_start3A_70 = tpu.memref_slice %arg5[%add3A_11, %dma_start3A_69] : memref<80x384xi32, #tpu.memory_space<hbm>> -> memref<1x384xi32, #tpu.memory_space<hbm>>
        %dma_start3A_71 = tpu.memref_squeeze %dma_start3A_70 : memref<1x384xi32, #tpu.memory_space<hbm>> -> memref<384xi32, #tpu.memory_space<hbm>>
        %dma_start3A_72 = arith.constant 0 : i32
        %dma_start3A_73 = tpu.memref_slice %arg11[%dma_start3A_72] : memref<400xi32, #tpu.memory_space<vmem>> -> memref<384xi32, #tpu.memory_space<vmem>>
        tpu.enqueue_dma source(%dma_start3A_73 : memref<384xi32, #tpu.memory_space<vmem>>) target(%dma_start3A_71 : memref<384xi32, #tpu.memory_space<hbm>>) target_semaphore(%run_scoped3A : memref<!tpu.dma_semaphore, #tpu.memory_space<semaphore_mem>>)
        %dma_wait3A = arith.constant 0 : i32
        %dma_wait3A_74 = tpu.memref_slice %arg11[%dma_wait3A] : memref<400xi32, #tpu.memory_space<vmem>> -> memref<384xi32, #tpu.memory_space<vmem>>
        %dma_wait3A_75 = arith.constant 0 : i32
        %dma_wait3A_76 = tpu.memref_slice %arg5[%add3A_11, %dma_wait3A_75] : memref<80x384xi32, #tpu.memory_space<hbm>> -> memref<1x384xi32, #tpu.memory_space<hbm>>
        %dma_wait3A_77 = tpu.memref_squeeze %dma_wait3A_76 : memref<1x384xi32, #tpu.memory_space<hbm>> -> memref<384xi32, #tpu.memory_space<hbm>>
        %dma_wait3A_78 = arith.constant 0 : i32
        %dma_wait3A_79 = tpu.memref_slice %arg5[%add3A_11, %dma_wait3A_78] : memref<80x384xi32, #tpu.memory_space<hbm>> -> memref<1x384xi32, #tpu.memory_space<hbm>>
        %dma_wait3A_80 = tpu.memref_squeeze %dma_wait3A_79 : memref<1x384xi32, #tpu.memory_space<hbm>> -> memref<384xi32, #tpu.memory_space<hbm>>
        %dma_wait3A_81 = arith.constant 0 : i32
        %dma_wait3A_82 = tpu.memref_slice %arg11[%dma_wait3A_81] : memref<400xi32, #tpu.memory_space<vmem>> -> memref<384xi32, #tpu.memory_space<vmem>>
        tpu.wait_dma2 semaphore(%run_scoped3A : memref<!tpu.dma_semaphore, #tpu.memory_space<semaphore_mem>>) src(%dma_wait3A_82 : memref<384xi32, #tpu.memory_space<vmem>>) dst(%dma_wait3A_80 : memref<384xi32, #tpu.memory_space<hbm>>)
        tpu.yield
      }) : () -> ()
      "tpu.region"() ({
        %run_scoped3A = tpu.sem_alloc : memref<!tpu.dma_semaphore, #tpu.memory_space<semaphore_mem>>
        %dma_start3A = arith.constant 0 : i32
        %dma_start3A_65 = arith.constant 0 : i32
        %dma_start3A_66 = tpu.memref_slice %arg6[%add3A_11, %dma_start3A, %dma_start3A_65] : memref<80x4x384xf32, #tpu.memory_space<hbm>> -> memref<1x4x384xf32, #tpu.memory_space<hbm>>
        %dma_start3A_67 = tpu.memref_squeeze %dma_start3A_66 : memref<1x4x384xf32, #tpu.memory_space<hbm>> -> memref<4x384xf32, #tpu.memory_space<hbm>>
        %dma_start3A_68 = arith.constant 0 : i32
        %dma_start3A_69 = arith.constant 0 : i32
        %dma_start3A_70 = tpu.memref_slice %arg6[%add3A_11, %dma_start3A_68, %dma_start3A_69] : memref<80x4x384xf32, #tpu.memory_space<hbm>> -> memref<1x4x384xf32, #tpu.memory_space<hbm>>
        %dma_start3A_71 = tpu.memref_squeeze %dma_start3A_70 : memref<1x4x384xf32, #tpu.memory_space<hbm>> -> memref<4x384xf32, #tpu.memory_space<hbm>>
        tpu.enqueue_dma source(%arg12 : memref<4x384xf32, #tpu.memory_space<vmem>>) target(%dma_start3A_71 : memref<4x384xf32, #tpu.memory_space<hbm>>) target_semaphore(%run_scoped3A : memref<!tpu.dma_semaphore, #tpu.memory_space<semaphore_mem>>)
        %dma_wait3A = arith.constant 0 : i32
        %dma_wait3A_72 = arith.constant 0 : i32
        %dma_wait3A_73 = tpu.memref_slice %arg6[%add3A_11, %dma_wait3A, %dma_wait3A_72] : memref<80x4x384xf32, #tpu.memory_space<hbm>> -> memref<1x4x384xf32, #tpu.memory_space<hbm>>
        %dma_wait3A_74 = tpu.memref_squeeze %dma_wait3A_73 : memref<1x4x384xf32, #tpu.memory_space<hbm>> -> memref<4x384xf32, #tpu.memory_space<hbm>>
        %dma_wait3A_75 = arith.constant 0 : i32
        %dma_wait3A_76 = arith.constant 0 : i32
        %dma_wait3A_77 = tpu.memref_slice %arg6[%add3A_11, %dma_wait3A_75, %dma_wait3A_76] : memref<80x4x384xf32, #tpu.memory_space<hbm>> -> memref<1x4x384xf32, #tpu.memory_space<hbm>>
        %dma_wait3A_78 = tpu.memref_squeeze %dma_wait3A_77 : memref<1x4x384xf32, #tpu.memory_space<hbm>> -> memref<4x384xf32, #tpu.memory_space<hbm>>
        tpu.wait_dma2 semaphore(%run_scoped3A : memref<!tpu.dma_semaphore, #tpu.memory_space<semaphore_mem>>) src(%arg12 : memref<4x384xf32, #tpu.memory_space<vmem>>) dst(%dma_wait3A_78 : memref<4x384xf32, #tpu.memory_space<hbm>>)
        tpu.yield
      }) : () -> ()
    } else {
    }
    %add3A_17 = arith.constant 64 : i32
    %add3A_18 = arith.addi %add3A, %add3A_17 : i32
    %lt3A_19 = arith.constant 80 : i32
    %lt3A_20 = arith.cmpi slt, %add3A_18, %lt3A_19 : i32
    %convert_element_type3A_21 = arith.extui %lt3A_20 : i1 to i32
    %cond3A_22 = arith.constant 0 : i32
    %cond3A_23 = arith.cmpi ne, %convert_element_type3A_21, %cond3A_22 : i32
    scf.if %cond3A_23 {
      "tpu.region"() ({
        %run_scoped3A = tpu.sem_alloc : memref<!tpu.dma_semaphore, #tpu.memory_space<semaphore_mem>>
        %dma_start3A = arith.constant 0 : i32
        %dma_start3A_65 = tpu.memref_slice %arg2[%add3A_18, %dma_start3A] : memref<80x20000xf32, #tpu.memory_space<hbm>> -> memref<1x20000xf32, #tpu.memory_space<hbm>>
        %dma_start3A_66 = tpu.memref_squeeze %dma_start3A_65 : memref<1x20000xf32, #tpu.memory_space<hbm>> -> memref<20000xf32, #tpu.memory_space<hbm>>
        %dma_start3A_67 = arith.constant 0 : i32
        %dma_start3A_68 = tpu.memref_slice %arg2[%add3A_18, %dma_start3A_67] : memref<80x20000xf32, #tpu.memory_space<hbm>> -> memref<1x20000xf32, #tpu.memory_space<hbm>>
        %dma_start3A_69 = tpu.memref_squeeze %dma_start3A_68 : memref<1x20000xf32, #tpu.memory_space<hbm>> -> memref<20000xf32, #tpu.memory_space<hbm>>
        tpu.enqueue_dma source(%dma_start3A_69 : memref<20000xf32, #tpu.memory_space<hbm>>) target(%arg7 : memref<20000xf32, #tpu.memory_space<vmem>>) target_semaphore(%run_scoped3A : memref<!tpu.dma_semaphore, #tpu.memory_space<semaphore_mem>>)
        %dma_wait3A = arith.constant 0 : i32
        %dma_wait3A_70 = tpu.memref_slice %arg2[%add3A_18, %dma_wait3A] : memref<80x20000xf32, #tpu.memory_space<hbm>> -> memref<1x20000xf32, #tpu.memory_space<hbm>>
        %dma_wait3A_71 = tpu.memref_squeeze %dma_wait3A_70 : memref<1x20000xf32, #tpu.memory_space<hbm>> -> memref<20000xf32, #tpu.memory_space<hbm>>
        %dma_wait3A_72 = arith.constant 0 : i32
        %dma_wait3A_73 = tpu.memref_slice %arg2[%add3A_18, %dma_wait3A_72] : memref<80x20000xf32, #tpu.memory_space<hbm>> -> memref<1x20000xf32, #tpu.memory_space<hbm>>
        %dma_wait3A_74 = tpu.memref_squeeze %dma_wait3A_73 : memref<1x20000xf32, #tpu.memory_space<hbm>> -> memref<20000xf32, #tpu.memory_space<hbm>>
        tpu.wait_dma2 semaphore(%run_scoped3A : memref<!tpu.dma_semaphore, #tpu.memory_space<semaphore_mem>>) src(%dma_wait3A_74 : memref<20000xf32, #tpu.memory_space<hbm>>) dst(%arg7 : memref<20000xf32, #tpu.memory_space<vmem>>)
        tpu.yield
      }) : () -> ()
      %scan3A = arith.constant 0 : i32
      %scan3A_24 = arith.constant 0 : i32
      %scan3A_25 = arith.constant 256 : i32
      %scan3A_26 = arith.addi %scan3A_24, %scan3A_25 : i32
      %scan3A_27 = arith.constant 1 : i32
      %scan3A_28 = scf.for %scan3A_65 = %scan3A_24 to %scan3A_26 step %scan3A_27 iter_args(%scan3A_66 = %scan3A) -> (i32)  : i32 {
        %mul3A_67 = arith.constant 16 : i32
        %mul3A_68 = arith.muli %scan3A_65, %mul3A_67 : i32
        %swap3A = arith.index_cast %mul3A_68 : i32 to index
        %swap3A_69 = tpu.vector_load %arg9[%swap3A] {strides = array<i32>} : memref<4096xi32, #tpu.memory_space<vmem>>, vector<16xi32>,
        tpu.vector_store %arg9[%swap3A], %broadcast_in_dim3A_1 {strides = array<i32>} : memref<4096xi32, #tpu.memory_space<vmem>>, vector<16xi32>,
        %scan3A_70 = arith.constant 0 : i32
        scf.yield %scan3A_70 : i32
      }
      %scan3A_29 = arith.constant 256 : i32
      %scan3A_30 = arith.constant 0 : i32
      %scan3A_31 = arith.constant 0 : i32
      %scan3A_32 = arith.constant 250 : i32
      %scan3A_33 = arith.addi %scan3A_31, %scan3A_32 : i32
      %scan3A_34 = arith.constant 1 : i32
      %scan3A_35 = scf.for %scan3A_65 = %scan3A_31 to %scan3A_33 step %scan3A_34 iter_args(%scan3A_66 = %scan3A_30) -> (i32)  : i32 {
        %mul3A_67 = arith.constant 80 : i32
        %mul3A_68 = arith.muli %scan3A_65, %mul3A_67 : i32
        %add3A_69 = arith.constant 0 : i32
        %add3A_70 = arith.addi %mul3A_68, %add3A_69 : i32
        %get3A = arith.index_cast %add3A_70 : i32 to index
        %get3A_71 = tpu.vector_load %arg7[%get3A] {strides = array<i32>} : memref<20000xf32, #tpu.memory_space<vmem>>, vector<16xf32>,
        %mul3A_72 = arith.constant 2.560000e+02 : f32
        %mul3A_73 = vector.broadcast %mul3A_72 : f32 to vector<16xf32>
        %mul3A_74 = arith.mulf %get3A_71, %mul3A_73 : vector<16xf32>
        %convert_element_type3A_75 = arith.fptosi %mul3A_74 : vector<16xf32> to vector<16xi32>
        %min3A = arith.constant 255 : i32
        %min3A_76 = vector.broadcast %min3A : i32 to vector<16xi32>
        %min3A_77 = arith.minsi %convert_element_type3A_75, %min3A_76 : vector<16xi32>
        %mul3A_78 = arith.constant 16 : i32
        %mul3A_79 = vector.broadcast %mul3A_78 : i32 to vector<16xi32>
        %mul3A_80 = arith.muli %min3A_77, %mul3A_79 : vector<16xi32>
        %add3A_81 = arith.addi %mul3A_80, %iota3A : vector<16xi32>
        tpu.vector_store_idx %arg9[%add3A_81], %broadcast_in_dim3A_3 {add = true} : memref<4096xi32, #tpu.memory_space<vmem>>[vector<16xi32>], vector<16xi32>,
        %mul3A_82 = arith.constant 80 : i32
        %mul3A_83 = arith.muli %scan3A_65, %mul3A_82 : i32
        %add3A_84 = arith.constant 16 : i32
        %add3A_85 = arith.addi %mul3A_83, %add3A_84 : i32
        %get3A_86 = arith.index_cast %add3A_85 : i32 to index
        %get3A_87 = tpu.vector_load %arg7[%get3A_86] {strides = array<i32>} : memref<20000xf32, #tpu.memory_space<vmem>>, vector<16xf32>,
        %mul3A_88 = arith.constant 2.560000e+02 : f32
        %mul3A_89 = vector.broadcast %mul3A_88 : f32 to vector<16xf32>
        %mul3A_90 = arith.mulf %get3A_87, %mul3A_89 : vector<16xf32>
        %convert_element_type3A_91 = arith.fptosi %mul3A_90 : vector<16xf32> to vector<16xi32>
        %min3A_92 = arith.constant 255 : i32
        %min3A_93 = vector.broadcast %min3A_92 : i32 to vector<16xi32>
        %min3A_94 = arith.minsi %convert_element_type3A_91, %min3A_93 : vector<16xi32>
        %mul3A_95 = arith.constant 16 : i32
        %mul3A_96 = vector.broadcast %mul3A_95 : i32 to vector<16xi32>
        %mul3A_97 = arith.muli %min3A_94, %mul3A_96 : vector<16xi32>
        %add3A_98 = arith.addi %mul3A_97, %iota3A : vector<16xi32>
        tpu.vector_store_idx %arg9[%add3A_98], %broadcast_in_dim3A_3 {add = true} : memref<4096xi32, #tpu.memory_space<vmem>>[vector<16xi32>], vector<16xi32>,
        %mul3A_99 = arith.constant 80 : i32
        %mul3A_100 = arith.muli %scan3A_65, %mul3A_99 : i32
        %add3A_101 = arith.constant 32 : i32
        %add3A_102 = arith.addi %mul3A_100, %add3A_101 : i32
        %get3A_103 = arith.index_cast %add3A_102 : i32 to index
        %get3A_104 = tpu.vector_load %arg7[%get3A_103] {strides = array<i32>} : memref<20000xf32, #tpu.memory_space<vmem>>, vector<16xf32>,
        %mul3A_105 = arith.constant 2.560000e+02 : f32
        %mul3A_106 = vector.broadcast %mul3A_105 : f32 to vector<16xf32>
        %mul3A_107 = arith.mulf %get3A_104, %mul3A_106 : vector<16xf32>
        %convert_element_type3A_108 = arith.fptosi %mul3A_107 : vector<16xf32> to vector<16xi32>
        %min3A_109 = arith.constant 255 : i32
        %min3A_110 = vector.broadcast %min3A_109 : i32 to vector<16xi32>
        %min3A_111 = arith.minsi %convert_element_type3A_108, %min3A_110 : vector<16xi32>
        %mul3A_112 = arith.constant 16 : i32
        %mul3A_113 = vector.broadcast %mul3A_112 : i32 to vector<16xi32>
        %mul3A_114 = arith.muli %min3A_111, %mul3A_113 : vector<16xi32>
        %add3A_115 = arith.addi %mul3A_114, %iota3A : vector<16xi32>
        tpu.vector_store_idx %arg9[%add3A_115], %broadcast_in_dim3A_3 {add = true} : memref<4096xi32, #tpu.memory_space<vmem>>[vector<16xi32>], vector<16xi32>,
        %mul3A_116 = arith.constant 80 : i32
        %mul3A_117 = arith.muli %scan3A_65, %mul3A_116 : i32
        %add3A_118 = arith.constant 48 : i32
        %add3A_119 = arith.addi %mul3A_117, %add3A_118 : i32
        %get3A_120 = arith.index_cast %add3A_119 : i32 to index
        %get3A_121 = tpu.vector_load %arg7[%get3A_120] {strides = array<i32>} : memref<20000xf32, #tpu.memory_space<vmem>>, vector<16xf32>,
        %mul3A_122 = arith.constant 2.560000e+02 : f32
        %mul3A_123 = vector.broadcast %mul3A_122 : f32 to vector<16xf32>
        %mul3A_124 = arith.mulf %get3A_121, %mul3A_123 : vector<16xf32>
        %convert_element_type3A_125 = arith.fptosi %mul3A_124 : vector<16xf32> to vector<16xi32>
        %min3A_126 = arith.constant 255 : i32
        %min3A_127 = vector.broadcast %min3A_126 : i32 to vector<16xi32>
        %min3A_128 = arith.minsi %convert_element_type3A_125, %min3A_127 : vector<16xi32>
        %mul3A_129 = arith.constant 16 : i32
        %mul3A_130 = vector.broadcast %mul3A_129 : i32 to vector<16xi32>
        %mul3A_131 = arith.muli %min3A_128, %mul3A_130 : vector<16xi32>
        %add3A_132 = arith.addi %mul3A_131, %iota3A : vector<16xi32>
        tpu.vector_store_idx %arg9[%add3A_132], %broadcast_in_dim3A_3 {add = true} : memref<4096xi32, #tpu.memory_space<vmem>>[vector<16xi32>], vector<16xi32>,
        %mul3A_133 = arith.constant 80 : i32
        %mul3A_134 = arith.muli %scan3A_65, %mul3A_133 : i32
        %add3A_135 = arith.constant 64 : i32
        %add3A_136 = arith.addi %mul3A_134, %add3A_135 : i32
        %get3A_137 = arith.index_cast %add3A_136 : i32 to index
        %get3A_138 = tpu.vector_load %arg7[%get3A_137] {strides = array<i32>} : memref<20000xf32, #tpu.memory_space<vmem>>, vector<16xf32>,
        %mul3A_139 = arith.constant 2.560000e+02 : f32
        %mul3A_140 = vector.broadcast %mul3A_139 : f32 to vector<16xf32>
        %mul3A_141 = arith.mulf %get3A_138, %mul3A_140 : vector<16xf32>
        %convert_element_type3A_142 = arith.fptosi %mul3A_141 : vector<16xf32> to vector<16xi32>
        %min3A_143 = arith.constant 255 : i32
        %min3A_144 = vector.broadcast %min3A_143 : i32 to vector<16xi32>
        %min3A_145 = arith.minsi %convert_element_type3A_142, %min3A_144 : vector<16xi32>
        %mul3A_146 = arith.constant 16 : i32
        %mul3A_147 = vector.broadcast %mul3A_146 : i32 to vector<16xi32>
        %mul3A_148 = arith.muli %min3A_145, %mul3A_147 : vector<16xi32>
        %add3A_149 = arith.addi %mul3A_148, %iota3A : vector<16xi32>
        tpu.vector_store_idx %arg9[%add3A_149], %broadcast_in_dim3A_3 {add = true} : memref<4096xi32, #tpu.memory_space<vmem>>[vector<16xi32>], vector<16xi32>,
        %scan3A_150 = arith.constant 0 : i32
        scf.yield %scan3A_150 : i32
      }
      %scan3A_36 = arith.constant 250 : i32
      %while3A = arith.constant 255 : i32
      %while3A_37 = arith.constant 0 : i32
      %while3A_38:2 = scf.while (%while3A_65 = %while3A, %while3A_66 = %while3A_37) : (i32, i32) -> (i32, i32) {
        %lt3A_67 = arith.constant 256 : i32
        %lt3A_68 = arith.cmpi slt, %while3A_66, %lt3A_67 : i32
        scf.condition(%lt3A_68) %while3A_65, %while3A_66 : i32, i32
      } do {
      ^bb0(%while3A_65: i32, %while3A_66: i32):
        %mul3A_67 = arith.constant 16 : i32
        %mul3A_68 = arith.muli %while3A_65, %mul3A_67 : i32
        %get3A = arith.index_cast %mul3A_68 : i32 to index
        %get3A_69 = tpu.vector_load %arg9[%get3A] {strides = array<i32>} : memref<4096xi32, #tpu.memory_space<vmem>>, vector<16xi32>,
        %sub3A = arith.constant 1 : i32
        %sub3A_70 = arith.subi %while3A_65, %sub3A : i32
        %reduce_sum3A = arith.constant true
        %reduce_sum3A_71 = vector.broadcast %reduce_sum3A : i1 to vector<16xi1>
        %reduce_sum3A_72 = tpu.scan <sum>, %get3A_69 masked %reduce_sum3A_71 : vector<16xi32>, vector<16xi1> -> vector<16xi32>
        %reduce_sum3A_73 = vector.extract %reduce_sum3A_72[15] : i32 from vector<16xi32>
        %add3A_74 = arith.addi %while3A_66, %reduce_sum3A_73 : i32
        scf.yield %sub3A_70, %add3A_74 : i32, i32
      }
      %add3A_39 = arith.constant 1 : i32
      %add3A_40 = arith.addi %while3A_38#0, %add3A_39 : i32
      %convert_element_type3A_41 = arith.sitofp %add3A_40 : i32 to f32
      %mul3A_42 = arith.constant 3.906250e-03 : f32
      %mul3A_43 = arith.mulf %convert_element_type3A_41, %mul3A_42 : f32
      %scan3A_44 = arith.constant 0 : i32
      %scan3A_45 = arith.constant 0 : i32
      %scan3A_46 = arith.constant 25 : i32
      %scan3A_47 = arith.addi %scan3A_45, %scan3A_46 : i32
      %scan3A_48 = arith.constant 1 : i32
      %scan3A_49 = scf.for %scan3A_65 = %scan3A_45 to %scan3A_47 step %scan3A_48 iter_args(%scan3A_66 = %scan3A_44) -> (i32)  : i32 {
        %mul3A_67 = arith.constant 384 : i32
        %mul3A_68 = arith.muli %add3A, %mul3A_67 : i32
        %mul3A_69 = arith.constant 16 : i32
        %mul3A_70 = arith.muli %scan3A_65, %mul3A_69 : i32
        %add3A_71 = arith.addi %mul3A_68, %mul3A_70 : i32
        %jit3A = arith.constant 19984 : i32
        %eq3A = arith.constant 0 : i32
        %eq3A_72 = arith.cmpi eq, %jit3A, %eq3A : i32
        %jit3A_73 = arith.constant 1 : i32
        %select_n3A = arith.select %eq3A_72, %jit3A_73, %jit3A : i32
        %rem3A = arith.remsi %add3A_71, %select_n3A : i32
        %ne3A = arith.constant 0 : i32
        %ne3A_74 = arith.cmpi ne, %rem3A, %ne3A : i32
        %lt3A_75 = arith.constant 0 : i32
        %lt3A_76 = arith.cmpi slt, %rem3A, %lt3A_75 : i32
        %lt3A_77 = arith.constant 0 : i32
        %lt3A_78 = arith.cmpi slt, %select_n3A, %lt3A_77 : i32
        %ne3A_79 = arith.xori %lt3A_76, %lt3A_78 : i1
        %and3A = arith.andi %ne3A_79, %ne3A_74 : i1
        %add3A_80 = arith.addi %rem3A, %select_n3A : i32
        %select_n3A_81 = arith.select %and3A, %add3A_80, %rem3A : i32
        %add3A_82 = vector.broadcast %select_n3A_81 : i32 to vector<16xi32>
        %add3A_83 = arith.addi %add3A_82, %iota3A : vector<16xi32>
        %mul3A_84 = arith.constant 16 : i32
        %mul3A_85 = arith.muli %scan3A_65, %mul3A_84 : i32
        %swap3A = arith.index_cast %mul3A_85 : i32 to index
        %swap3A_86 = tpu.vector_load %arg11[%swap3A] {strides = array<i32>} : memref<400xi32, #tpu.memory_space<vmem>>, vector<16xi32>,
        tpu.vector_store %arg11[%swap3A], %add3A_83 {strides = array<i32>} : memref<400xi32, #tpu.memory_space<vmem>>, vector<16xi32>,
        %mul3A_87 = arith.constant 16 : i32
        %mul3A_88 = arith.muli %scan3A_65, %mul3A_87 : i32
        %swap3A_89 = arith.index_cast %mul3A_88 : i32 to index
        %swap3A_90 = tpu.vector_load %arg10[%swap3A_89] {strides = array<i32>} : memref<400xf32, #tpu.memory_space<vmem>>, vector<16xf32>,
        tpu.vector_store %arg10[%swap3A_89], %broadcast_in_dim3A_5 {strides = array<i32>} : memref<400xf32, #tpu.memory_space<vmem>>, vector<16xf32>,
        %scan3A_91 = arith.constant 0 : i32
        scf.yield %scan3A_91 : i32
      }
      %scan3A_50 = arith.constant 25 : i32
      %scan3A_51 = arith.constant 0 : i32
      %scan3A_52 = arith.constant 0 : i32
      %scan3A_53 = arith.constant 250 : i32
      %scan3A_54 = arith.addi %scan3A_52, %scan3A_53 : i32
      %scan3A_55 = arith.constant 1 : i32
      %scan3A_56 = scf.for %scan3A_65 = %scan3A_52 to %scan3A_54 step %scan3A_55 iter_args(%scan3A_66 = %scan3A_51) -> (i32)  : i32 {
        %mul3A_67 = arith.constant 80 : i32
        %mul3A_68 = arith.muli %scan3A_65, %mul3A_67 : i32
        %add3A_69 = arith.constant 0 : i32
        %add3A_70 = arith.addi %mul3A_68, %add3A_69 : i32
        %get3A = arith.index_cast %add3A_70 : i32 to index
        %get3A_71 = tpu.vector_load %arg7[%get3A] {strides = array<i32>} : memref<20000xf32, #tpu.memory_space<vmem>>, vector<16xf32>,
        %ge3A = vector.broadcast %mul3A_43 : f32 to vector<16xf32>
        %ge3A_72 = arith.cmpf oge, %get3A_71, %ge3A : vector<16xf32>
        %lt3A_73 = arith.constant 384 : i32
        %lt3A_74 = arith.cmpi slt, %scan3A_66, %lt3A_73 : i32
        %and3A = vector.broadcast %lt3A_74 : i1 to vector<16xi1>
        %and3A_75 = arith.andi %ge3A_72, %and3A : vector<16xi1>
        %swap3A = arith.index_cast %scan3A_66 : i32 to index
        %swap3A_76 = tpu.vector_load %arg10[%swap3A] masked %and3A_75 {strides = array<i32>} : memref<400xf32, #tpu.memory_space<vmem>>, vector<16xf32>, vector<16xi1>
        tpu.vector_store %arg10[%swap3A], %get3A_71 masked %and3A_75 {strides = array<i32>} : memref<400xf32, #tpu.memory_space<vmem>>, vector<16xf32>, vector<16xi1>
        %add3A_77 = vector.broadcast %add3A_70 : i32 to vector<16xi32>
        %add3A_78 = arith.addi %add3A_77, %iota3A : vector<16xi32>
        %swap3A_79 = arith.index_cast %scan3A_66 : i32 to index
        %swap3A_80 = tpu.vector_load %arg11[%swap3A_79] masked %and3A_75 {strides = array<i32>} : memref<400xi32, #tpu.memory_space<vmem>>, vector<16xi32>, vector<16xi1>
        tpu.vector_store %arg11[%swap3A_79], %add3A_78 masked %and3A_75 {strides = array<i32>} : memref<400xi32, #tpu.memory_space<vmem>>, vector<16xi32>, vector<16xi1>
        %convert_element_type3A_81 = arith.extui %and3A_75 : vector<16xi1> to vector<16xi32>
        %reduce_sum3A = arith.constant true
        %reduce_sum3A_82 = vector.broadcast %reduce_sum3A : i1 to vector<16xi1>
        %reduce_sum3A_83 = tpu.scan <sum>, %convert_element_type3A_81 masked %reduce_sum3A_82 : vector<16xi32>, vector<16xi1> -> vector<16xi32>
        %reduce_sum3A_84 = vector.extract %reduce_sum3A_83[15] : i32 from vector<16xi32>
        %add3A_85 = arith.addi %scan3A_66, %reduce_sum3A_84 : i32
        %mul3A_86 = arith.constant 80 : i32
        %mul3A_87 = arith.muli %scan3A_65, %mul3A_86 : i32
        %add3A_88 = arith.constant 16 : i32
        %add3A_89 = arith.addi %mul3A_87, %add3A_88 : i32
        %get3A_90 = arith.index_cast %add3A_89 : i32 to index
        %get3A_91 = tpu.vector_load %arg7[%get3A_90] {strides = array<i32>} : memref<20000xf32, #tpu.memory_space<vmem>>, vector<16xf32>,
        %ge3A_92 = vector.broadcast %mul3A_43 : f32 to vector<16xf32>
        %ge3A_93 = arith.cmpf oge, %get3A_91, %ge3A_92 : vector<16xf32>
        %lt3A_94 = arith.constant 384 : i32
        %lt3A_95 = arith.cmpi slt, %add3A_85, %lt3A_94 : i32
        %and3A_96 = vector.broadcast %lt3A_95 : i1 to vector<16xi1>
        %and3A_97 = arith.andi %ge3A_93, %and3A_96 : vector<16xi1>
        %swap3A_98 = arith.index_cast %add3A_85 : i32 to index
        %swap3A_99 = tpu.vector_load %arg10[%swap3A_98] masked %and3A_97 {strides = array<i32>} : memref<400xf32, #tpu.memory_space<vmem>>, vector<16xf32>, vector<16xi1>
        tpu.vector_store %arg10[%swap3A_98], %get3A_91 masked %and3A_97 {strides = array<i32>} : memref<400xf32, #tpu.memory_space<vmem>>, vector<16xf32>, vector<16xi1>
        %add3A_100 = vector.broadcast %add3A_89 : i32 to vector<16xi32>
        %add3A_101 = arith.addi %add3A_100, %iota3A : vector<16xi32>
        %swap3A_102 = arith.index_cast %add3A_85 : i32 to index
        %swap3A_103 = tpu.vector_load %arg11[%swap3A_102] masked %and3A_97 {strides = array<i32>} : memref<400xi32, #tpu.memory_space<vmem>>, vector<16xi32>, vector<16xi1>
        tpu.vector_store %arg11[%swap3A_102], %add3A_101 masked %and3A_97 {strides = array<i32>} : memref<400xi32, #tpu.memory_space<vmem>>, vector<16xi32>, vector<16xi1>
        %convert_element_type3A_104 = arith.extui %and3A_97 : vector<16xi1> to vector<16xi32>
        %reduce_sum3A_105 = arith.constant true
        %reduce_sum3A_106 = vector.broadcast %reduce_sum3A_105 : i1 to vector<16xi1>
        %reduce_sum3A_107 = tpu.scan <sum>, %convert_element_type3A_104 masked %reduce_sum3A_106 : vector<16xi32>, vector<16xi1> -> vector<16xi32>
        %reduce_sum3A_108 = vector.extract %reduce_sum3A_107[15] : i32 from vector<16xi32>
        %add3A_109 = arith.addi %add3A_85, %reduce_sum3A_108 : i32
        %mul3A_110 = arith.constant 80 : i32
        %mul3A_111 = arith.muli %scan3A_65, %mul3A_110 : i32
        %add3A_112 = arith.constant 32 : i32
        %add3A_113 = arith.addi %mul3A_111, %add3A_112 : i32
        %get3A_114 = arith.index_cast %add3A_113 : i32 to index
        %get3A_115 = tpu.vector_load %arg7[%get3A_114] {strides = array<i32>} : memref<20000xf32, #tpu.memory_space<vmem>>, vector<16xf32>,
        %ge3A_116 = vector.broadcast %mul3A_43 : f32 to vector<16xf32>
        %ge3A_117 = arith.cmpf oge, %get3A_115, %ge3A_116 : vector<16xf32>
        %lt3A_118 = arith.constant 384 : i32
        %lt3A_119 = arith.cmpi slt, %add3A_109, %lt3A_118 : i32
        %and3A_120 = vector.broadcast %lt3A_119 : i1 to vector<16xi1>
        %and3A_121 = arith.andi %ge3A_117, %and3A_120 : vector<16xi1>
        %swap3A_122 = arith.index_cast %add3A_109 : i32 to index
        %swap3A_123 = tpu.vector_load %arg10[%swap3A_122] masked %and3A_121 {strides = array<i32>} : memref<400xf32, #tpu.memory_space<vmem>>, vector<16xf32>, vector<16xi1>
        tpu.vector_store %arg10[%swap3A_122], %get3A_115 masked %and3A_121 {strides = array<i32>} : memref<400xf32, #tpu.memory_space<vmem>>, vector<16xf32>, vector<16xi1>
        %add3A_124 = vector.broadcast %add3A_113 : i32 to vector<16xi32>
        %add3A_125 = arith.addi %add3A_124, %iota3A : vector<16xi32>
        %swap3A_126 = arith.index_cast %add3A_109 : i32 to index
        %swap3A_127 = tpu.vector_load %arg11[%swap3A_126] masked %and3A_121 {strides = array<i32>} : memref<400xi32, #tpu.memory_space<vmem>>, vector<16xi32>, vector<16xi1>
        tpu.vector_store %arg11[%swap3A_126], %add3A_125 masked %and3A_121 {strides = array<i32>} : memref<400xi32, #tpu.memory_space<vmem>>, vector<16xi32>, vector<16xi1>
        %convert_element_type3A_128 = arith.extui %and3A_121 : vector<16xi1> to vector<16xi32>
        %reduce_sum3A_129 = arith.constant true
        %reduce_sum3A_130 = vector.broadcast %reduce_sum3A_129 : i1 to vector<16xi1>
        %reduce_sum3A_131 = tpu.scan <sum>, %convert_element_type3A_128 masked %reduce_sum3A_130 : vector<16xi32>, vector<16xi1> -> vector<16xi32>
        %reduce_sum3A_132 = vector.extract %reduce_sum3A_131[15] : i32 from vector<16xi32>
        %add3A_133 = arith.addi %add3A_109, %reduce_sum3A_132 : i32
        %mul3A_134 = arith.constant 80 : i32
        %mul3A_135 = arith.muli %scan3A_65, %mul3A_134 : i32
        %add3A_136 = arith.constant 48 : i32
        %add3A_137 = arith.addi %mul3A_135, %add3A_136 : i32
        %get3A_138 = arith.index_cast %add3A_137 : i32 to index
        %get3A_139 = tpu.vector_load %arg7[%get3A_138] {strides = array<i32>} : memref<20000xf32, #tpu.memory_space<vmem>>, vector<16xf32>,
        %ge3A_140 = vector.broadcast %mul3A_43 : f32 to vector<16xf32>
        %ge3A_141 = arith.cmpf oge, %get3A_139, %ge3A_140 : vector<16xf32>
        %lt3A_142 = arith.constant 384 : i32
        %lt3A_143 = arith.cmpi slt, %add3A_133, %lt3A_142 : i32
        %and3A_144 = vector.broadcast %lt3A_143 : i1 to vector<16xi1>
        %and3A_145 = arith.andi %ge3A_141, %and3A_144 : vector<16xi1>
        %swap3A_146 = arith.index_cast %add3A_133 : i32 to index
        %swap3A_147 = tpu.vector_load %arg10[%swap3A_146] masked %and3A_145 {strides = array<i32>} : memref<400xf32, #tpu.memory_space<vmem>>, vector<16xf32>, vector<16xi1>
        tpu.vector_store %arg10[%swap3A_146], %get3A_139 masked %and3A_145 {strides = array<i32>} : memref<400xf32, #tpu.memory_space<vmem>>, vector<16xf32>, vector<16xi1>
        %add3A_148 = vector.broadcast %add3A_137 : i32 to vector<16xi32>
        %add3A_149 = arith.addi %add3A_148, %iota3A : vector<16xi32>
        %swap3A_150 = arith.index_cast %add3A_133 : i32 to index
        %swap3A_151 = tpu.vector_load %arg11[%swap3A_150] masked %and3A_145 {strides = array<i32>} : memref<400xi32, #tpu.memory_space<vmem>>, vector<16xi32>, vector<16xi1>
        tpu.vector_store %arg11[%swap3A_150], %add3A_149 masked %and3A_145 {strides = array<i32>} : memref<400xi32, #tpu.memory_space<vmem>>, vector<16xi32>, vector<16xi1>
        %convert_element_type3A_152 = arith.extui %and3A_145 : vector<16xi1> to vector<16xi32>
        %reduce_sum3A_153 = arith.constant true
        %reduce_sum3A_154 = vector.broadcast %reduce_sum3A_153 : i1 to vector<16xi1>
        %reduce_sum3A_155 = tpu.scan <sum>, %convert_element_type3A_152 masked %reduce_sum3A_154 : vector<16xi32>, vector<16xi1> -> vector<16xi32>
        %reduce_sum3A_156 = vector.extract %reduce_sum3A_155[15] : i32 from vector<16xi32>
        %add3A_157 = arith.addi %add3A_133, %reduce_sum3A_156 : i32
        %mul3A_158 = arith.constant 80 : i32
        %mul3A_159 = arith.muli %scan3A_65, %mul3A_158 : i32
        %add3A_160 = arith.constant 64 : i32
        %add3A_161 = arith.addi %mul3A_159, %add3A_160 : i32
        %get3A_162 = arith.index_cast %add3A_161 : i32 to index
        %get3A_163 = tpu.vector_load %arg7[%get3A_162] {strides = array<i32>} : memref<20000xf32, #tpu.memory_space<vmem>>, vector<16xf32>,
        %ge3A_164 = vector.broadcast %mul3A_43 : f32 to vector<16xf32>
        %ge3A_165 = arith.cmpf oge, %get3A_163, %ge3A_164 : vector<16xf32>
        %lt3A_166 = arith.constant 384 : i32
        %lt3A_167 = arith.cmpi slt, %add3A_157, %lt3A_166 : i32
        %and3A_168 = vector.broadcast %lt3A_167 : i1 to vector<16xi1>
        %and3A_169 = arith.andi %ge3A_165, %and3A_168 : vector<16xi1>
        %swap3A_170 = arith.index_cast %add3A_157 : i32 to index
        %swap3A_171 = tpu.vector_load %arg10[%swap3A_170] masked %and3A_169 {strides = array<i32>} : memref<400xf32, #tpu.memory_space<vmem>>, vector<16xf32>, vector<16xi1>
        tpu.vector_store %arg10[%swap3A_170], %get3A_163 masked %and3A_169 {strides = array<i32>} : memref<400xf32, #tpu.memory_space<vmem>>, vector<16xf32>, vector<16xi1>
        %add3A_172 = vector.broadcast %add3A_161 : i32 to vector<16xi32>
        %add3A_173 = arith.addi %add3A_172, %iota3A : vector<16xi32>
        %swap3A_174 = arith.index_cast %add3A_157 : i32 to index
        %swap3A_175 = tpu.vector_load %arg11[%swap3A_174] masked %and3A_169 {strides = array<i32>} : memref<400xi32, #tpu.memory_space<vmem>>, vector<16xi32>, vector<16xi1>
        tpu.vector_store %arg11[%swap3A_174], %add3A_173 masked %and3A_169 {strides = array<i32>} : memref<400xi32, #tpu.memory_space<vmem>>, vector<16xi32>, vector<16xi1>
        %convert_element_type3A_176 = arith.extui %and3A_169 : vector<16xi1> to vector<16xi32>
        %reduce_sum3A_177 = arith.constant true
        %reduce_sum3A_178 = vector.broadcast %reduce_sum3A_177 : i1 to vector<16xi1>
        %reduce_sum3A_179 = tpu.scan <sum>, %convert_element_type3A_176 masked %reduce_sum3A_178 : vector<16xi32>, vector<16xi1> -> vector<16xi32>
        %reduce_sum3A_180 = vector.extract %reduce_sum3A_179[15] : i32 from vector<16xi32>
        %add3A_181 = arith.addi %add3A_157, %reduce_sum3A_180 : i32
        scf.yield %add3A_181 : i32
      }
      %scan3A_57 = arith.constant 250 : i32
      %scan3A_58 = arith.constant 0 : i32
      %scan3A_59 = arith.constant 0 : i32
      %scan3A_60 = arith.constant 24 : i32
      %scan3A_61 = arith.addi %scan3A_59, %scan3A_60 : i32
      %scan3A_62 = arith.constant 1 : i32
      %scan3A_63 = scf.for %scan3A_65 = %scan3A_59 to %scan3A_61 step %scan3A_62 iter_args(%scan3A_66 = %scan3A_58) -> (i32)  : i32 {
        %mul3A_67 = arith.constant 16 : i32
        %mul3A_68 = arith.muli %scan3A_65, %mul3A_67 : i32
        %get3A = arith.index_cast %mul3A_68 : i32 to index
        %get3A_69 = tpu.vector_load %arg11[%get3A] {strides = array<i32>} : memref<400xi32, #tpu.memory_space<vmem>>, vector<16xi32>,
        %broadcast_in_dim3A_70 = arith.constant 0 : i32
        %broadcast_in_dim3A_71 = vector.broadcast %broadcast_in_dim3A_70 : i32 to vector<16xi32>
        %gather3A = tpu.vector_load_idx %arg8[%broadcast_in_dim3A_71, %get3A_69] : memref<4x20000xf32, #tpu.memory_space<vmem>>[vector<16xi32>, vector<16xi32>], vector<16xf32>,
        %mul3A_72 = arith.constant 16 : i32
        %mul3A_73 = arith.muli %scan3A_65, %mul3A_72 : i32
        %swap3A = arith.constant 0 : i32
        %swap3A_74 = arith.index_cast %swap3A : i32 to index
        %swap3A_75 = arith.index_cast %mul3A_73 : i32 to index
        %swap3A_76 = tpu.vector_load %arg12[%swap3A_74, %swap3A_75] {strides = array<i32>} : memref<4x384xf32, #tpu.memory_space<vmem>>, vector<16xf32>,
        tpu.vector_store %arg12[%swap3A_74, %swap3A_75], %gather3A {strides = array<i32>} : memref<4x384xf32, #tpu.memory_space<vmem>>, vector<16xf32>,
        %broadcast_in_dim3A_77 = arith.constant 1 : i32
        %broadcast_in_dim3A_78 = vector.broadcast %broadcast_in_dim3A_77 : i32 to vector<16xi32>
        %gather3A_79 = tpu.vector_load_idx %arg8[%broadcast_in_dim3A_78, %get3A_69] : memref<4x20000xf32, #tpu.memory_space<vmem>>[vector<16xi32>, vector<16xi32>], vector<16xf32>,
        %mul3A_80 = arith.constant 16 : i32
        %mul3A_81 = arith.muli %scan3A_65, %mul3A_80 : i32
        %swap3A_82 = arith.constant 1 : i32
        %swap3A_83 = arith.index_cast %swap3A_82 : i32 to index
        %swap3A_84 = arith.index_cast %mul3A_81 : i32 to index
        %swap3A_85 = tpu.vector_load %arg12[%swap3A_83, %swap3A_84] {strides = array<i32>} : memref<4x384xf32, #tpu.memory_space<vmem>>, vector<16xf32>,
        tpu.vector_store %arg12[%swap3A_83, %swap3A_84], %gather3A_79 {strides = array<i32>} : memref<4x384xf32, #tpu.memory_space<vmem>>, vector<16xf32>,
        %broadcast_in_dim3A_86 = arith.constant 2 : i32
        %broadcast_in_dim3A_87 = vector.broadcast %broadcast_in_dim3A_86 : i32 to vector<16xi32>
        %gather3A_88 = tpu.vector_load_idx %arg8[%broadcast_in_dim3A_87, %get3A_69] : memref<4x20000xf32, #tpu.memory_space<vmem>>[vector<16xi32>, vector<16xi32>], vector<16xf32>,
        %mul3A_89 = arith.constant 16 : i32
        %mul3A_90 = arith.muli %scan3A_65, %mul3A_89 : i32
        %swap3A_91 = arith.constant 2 : i32
        %swap3A_92 = arith.index_cast %swap3A_91 : i32 to index
        %swap3A_93 = arith.index_cast %mul3A_90 : i32 to index
        %swap3A_94 = tpu.vector_load %arg12[%swap3A_92, %swap3A_93] {strides = array<i32>} : memref<4x384xf32, #tpu.memory_space<vmem>>, vector<16xf32>,
        tpu.vector_store %arg12[%swap3A_92, %swap3A_93], %gather3A_88 {strides = array<i32>} : memref<4x384xf32, #tpu.memory_space<vmem>>, vector<16xf32>,
        %broadcast_in_dim3A_95 = arith.constant 3 : i32
        %broadcast_in_dim3A_96 = vector.broadcast %broadcast_in_dim3A_95 : i32 to vector<16xi32>
        %gather3A_97 = tpu.vector_load_idx %arg8[%broadcast_in_dim3A_96, %get3A_69] : memref<4x20000xf32, #tpu.memory_space<vmem>>[vector<16xi32>, vector<16xi32>], vector<16xf32>,
        %mul3A_98 = arith.constant 16 : i32
        %mul3A_99 = arith.muli %scan3A_65, %mul3A_98 : i32
        %swap3A_100 = arith.constant 3 : i32
        %swap3A_101 = arith.index_cast %swap3A_100 : i32 to index
        %swap3A_102 = arith.index_cast %mul3A_99 : i32 to index
        %swap3A_103 = tpu.vector_load %arg12[%swap3A_101, %swap3A_102] {strides = array<i32>} : memref<4x384xf32, #tpu.memory_space<vmem>>, vector<16xf32>,
        tpu.vector_store %arg12[%swap3A_101, %swap3A_102], %gather3A_97 {strides = array<i32>} : memref<4x384xf32, #tpu.memory_space<vmem>>, vector<16xf32>,
        %scan3A_104 = arith.constant 0 : i32
        scf.yield %scan3A_104 : i32
      }
      %scan3A_64 = arith.constant 24 : i32
      "tpu.region"() ({
        %run_scoped3A = tpu.sem_alloc : memref<!tpu.dma_semaphore, #tpu.memory_space<semaphore_mem>>
        %dma_start3A = arith.constant 0 : i32
        %dma_start3A_65 = tpu.memref_slice %arg10[%dma_start3A] : memref<400xf32, #tpu.memory_space<vmem>> -> memref<384xf32, #tpu.memory_space<vmem>>
        %dma_start3A_66 = arith.constant 0 : i32
        %dma_start3A_67 = tpu.memref_slice %arg4[%add3A_18, %dma_start3A_66] : memref<80x384xf32, #tpu.memory_space<hbm>> -> memref<1x384xf32, #tpu.memory_space<hbm>>
        %dma_start3A_68 = tpu.memref_squeeze %dma_start3A_67 : memref<1x384xf32, #tpu.memory_space<hbm>> -> memref<384xf32, #tpu.memory_space<hbm>>
        %dma_start3A_69 = arith.constant 0 : i32
        %dma_start3A_70 = tpu.memref_slice %arg4[%add3A_18, %dma_start3A_69] : memref<80x384xf32, #tpu.memory_space<hbm>> -> memref<1x384xf32, #tpu.memory_space<hbm>>
        %dma_start3A_71 = tpu.memref_squeeze %dma_start3A_70 : memref<1x384xf32, #tpu.memory_space<hbm>> -> memref<384xf32, #tpu.memory_space<hbm>>
        %dma_start3A_72 = arith.constant 0 : i32
        %dma_start3A_73 = tpu.memref_slice %arg10[%dma_start3A_72] : memref<400xf32, #tpu.memory_space<vmem>> -> memref<384xf32, #tpu.memory_space<vmem>>
        tpu.enqueue_dma source(%dma_start3A_73 : memref<384xf32, #tpu.memory_space<vmem>>) target(%dma_start3A_71 : memref<384xf32, #tpu.memory_space<hbm>>) target_semaphore(%run_scoped3A : memref<!tpu.dma_semaphore, #tpu.memory_space<semaphore_mem>>)
        %dma_wait3A = arith.constant 0 : i32
        %dma_wait3A_74 = tpu.memref_slice %arg10[%dma_wait3A] : memref<400xf32, #tpu.memory_space<vmem>> -> memref<384xf32, #tpu.memory_space<vmem>>
        %dma_wait3A_75 = arith.constant 0 : i32
        %dma_wait3A_76 = tpu.memref_slice %arg4[%add3A_18, %dma_wait3A_75] : memref<80x384xf32, #tpu.memory_space<hbm>> -> memref<1x384xf32, #tpu.memory_space<hbm>>
        %dma_wait3A_77 = tpu.memref_squeeze %dma_wait3A_76 : memref<1x384xf32, #tpu.memory_space<hbm>> -> memref<384xf32, #tpu.memory_space<hbm>>
        %dma_wait3A_78 = arith.constant 0 : i32
        %dma_wait3A_79 = tpu.memref_slice %arg4[%add3A_18, %dma_wait3A_78] : memref<80x384xf32, #tpu.memory_space<hbm>> -> memref<1x384xf32, #tpu.memory_space<hbm>>
        %dma_wait3A_80 = tpu.memref_squeeze %dma_wait3A_79 : memref<1x384xf32, #tpu.memory_space<hbm>> -> memref<384xf32, #tpu.memory_space<hbm>>
        %dma_wait3A_81 = arith.constant 0 : i32
        %dma_wait3A_82 = tpu.memref_slice %arg10[%dma_wait3A_81] : memref<400xf32, #tpu.memory_space<vmem>> -> memref<384xf32, #tpu.memory_space<vmem>>
        tpu.wait_dma2 semaphore(%run_scoped3A : memref<!tpu.dma_semaphore, #tpu.memory_space<semaphore_mem>>) src(%dma_wait3A_82 : memref<384xf32, #tpu.memory_space<vmem>>) dst(%dma_wait3A_80 : memref<384xf32, #tpu.memory_space<hbm>>)
        tpu.yield
      }) : () -> ()
      "tpu.region"() ({
        %run_scoped3A = tpu.sem_alloc : memref<!tpu.dma_semaphore, #tpu.memory_space<semaphore_mem>>
        %dma_start3A = arith.constant 0 : i32
        %dma_start3A_65 = tpu.memref_slice %arg11[%dma_start3A] : memref<400xi32, #tpu.memory_space<vmem>> -> memref<384xi32, #tpu.memory_space<vmem>>
        %dma_start3A_66 = arith.constant 0 : i32
        %dma_start3A_67 = tpu.memref_slice %arg5[%add3A_18, %dma_start3A_66] : memref<80x384xi32, #tpu.memory_space<hbm>> -> memref<1x384xi32, #tpu.memory_space<hbm>>
        %dma_start3A_68 = tpu.memref_squeeze %dma_start3A_67 : memref<1x384xi32, #tpu.memory_space<hbm>> -> memref<384xi32, #tpu.memory_space<hbm>>
        %dma_start3A_69 = arith.constant 0 : i32
        %dma_start3A_70 = tpu.memref_slice %arg5[%add3A_18, %dma_start3A_69] : memref<80x384xi32, #tpu.memory_space<hbm>> -> memref<1x384xi32, #tpu.memory_space<hbm>>
        %dma_start3A_71 = tpu.memref_squeeze %dma_start3A_70 : memref<1x384xi32, #tpu.memory_space<hbm>> -> memref<384xi32, #tpu.memory_space<hbm>>
        %dma_start3A_72 = arith.constant 0 : i32
        %dma_start3A_73 = tpu.memref_slice %arg11[%dma_start3A_72] : memref<400xi32, #tpu.memory_space<vmem>> -> memref<384xi32, #tpu.memory_space<vmem>>
        tpu.enqueue_dma source(%dma_start3A_73 : memref<384xi32, #tpu.memory_space<vmem>>) target(%dma_start3A_71 : memref<384xi32, #tpu.memory_space<hbm>>) target_semaphore(%run_scoped3A : memref<!tpu.dma_semaphore, #tpu.memory_space<semaphore_mem>>)
        %dma_wait3A = arith.constant 0 : i32
        %dma_wait3A_74 = tpu.memref_slice %arg11[%dma_wait3A] : memref<400xi32, #tpu.memory_space<vmem>> -> memref<384xi32, #tpu.memory_space<vmem>>
        %dma_wait3A_75 = arith.constant 0 : i32
        %dma_wait3A_76 = tpu.memref_slice %arg5[%add3A_18, %dma_wait3A_75] : memref<80x384xi32, #tpu.memory_space<hbm>> -> memref<1x384xi32, #tpu.memory_space<hbm>>
        %dma_wait3A_77 = tpu.memref_squeeze %dma_wait3A_76 : memref<1x384xi32, #tpu.memory_space<hbm>> -> memref<384xi32, #tpu.memory_space<hbm>>
        %dma_wait3A_78 = arith.constant 0 : i32
        %dma_wait3A_79 = tpu.memref_slice %arg5[%add3A_18, %dma_wait3A_78] : memref<80x384xi32, #tpu.memory_space<hbm>> -> memref<1x384xi32, #tpu.memory_space<hbm>>
        %dma_wait3A_80 = tpu.memref_squeeze %dma_wait3A_79 : memref<1x384xi32, #tpu.memory_space<hbm>> -> memref<384xi32, #tpu.memory_space<hbm>>
        %dma_wait3A_81 = arith.constant 0 : i32
        %dma_wait3A_82 = tpu.memref_slice %arg11[%dma_wait3A_81] : memref<400xi32, #tpu.memory_space<vmem>> -> memref<384xi32, #tpu.memory_space<vmem>>
        tpu.wait_dma2 semaphore(%run_scoped3A : memref<!tpu.dma_semaphore, #tpu.memory_space<semaphore_mem>>) src(%dma_wait3A_82 : memref<384xi32, #tpu.memory_space<vmem>>) dst(%dma_wait3A_80 : memref<384xi32, #tpu.memory_space<hbm>>)
        tpu.yield
      }) : () -> ()
      "tpu.region"() ({
        %run_scoped3A = tpu.sem_alloc : memref<!tpu.dma_semaphore, #tpu.memory_space<semaphore_mem>>
        %dma_start3A = arith.constant 0 : i32
        %dma_start3A_65 = arith.constant 0 : i32
        %dma_start3A_66 = tpu.memref_slice %arg6[%add3A_18, %dma_start3A, %dma_start3A_65] : memref<80x4x384xf32, #tpu.memory_space<hbm>> -> memref<1x4x384xf32, #tpu.memory_space<hbm>>
        %dma_start3A_67 = tpu.memref_squeeze %dma_start3A_66 : memref<1x4x384xf32, #tpu.memory_space<hbm>> -> memref<4x384xf32, #tpu.memory_space<hbm>>
        %dma_start3A_68 = arith.constant 0 : i32
        %dma_start3A_69 = arith.constant 0 : i32
        %dma_start3A_70 = tpu.memref_slice %arg6[%add3A_18, %dma_start3A_68, %dma_start3A_69] : memref<80x4x384xf32, #tpu.memory_space<hbm>> -> memref<1x4x384xf32, #tpu.memory_space<hbm>>
        %dma_start3A_71 = tpu.memref_squeeze %dma_start3A_70 : memref<1x4x384xf32, #tpu.memory_space<hbm>> -> memref<4x384xf32, #tpu.memory_space<hbm>>
        tpu.enqueue_dma source(%arg12 : memref<4x384xf32, #tpu.memory_space<vmem>>) target(%dma_start3A_71 : memref<4x384xf32, #tpu.memory_space<hbm>>) target_semaphore(%run_scoped3A : memref<!tpu.dma_semaphore, #tpu.memory_space<semaphore_mem>>)
        %dma_wait3A = arith.constant 0 : i32
        %dma_wait3A_72 = arith.constant 0 : i32
        %dma_wait3A_73 = tpu.memref_slice %arg6[%add3A_18, %dma_wait3A, %dma_wait3A_72] : memref<80x4x384xf32, #tpu.memory_space<hbm>> -> memref<1x4x384xf32, #tpu.memory_space<hbm>>
        %dma_wait3A_74 = tpu.memref_squeeze %dma_wait3A_73 : memref<1x4x384xf32, #tpu.memory_space<hbm>> -> memref<4x384xf32, #tpu.memory_space<hbm>>
        %dma_wait3A_75 = arith.constant 0 : i32
        %dma_wait3A_76 = arith.constant 0 : i32
        %dma_wait3A_77 = tpu.memref_slice %arg6[%add3A_18, %dma_wait3A_75, %dma_wait3A_76] : memref<80x4x384xf32, #tpu.memory_space<hbm>> -> memref<1x4x384xf32, #tpu.memory_space<hbm>>
        %dma_wait3A_78 = tpu.memref_squeeze %dma_wait3A_77 : memref<1x4x384xf32, #tpu.memory_space<hbm>> -> memref<4x384xf32, #tpu.memory_space<hbm>>
        tpu.wait_dma2 semaphore(%run_scoped3A : memref<!tpu.dma_semaphore, #tpu.memory_space<semaphore_mem>>) src(%arg12 : memref<4x384xf32, #tpu.memory_space<vmem>>) dst(%dma_wait3A_78 : memref<4x384xf32, #tpu.memory_space<hbm>>)
        tpu.yield
      }) : () -> ()
    } else {
    }
    return
  }
}

module attributes {stable_mosaic.version = 14 : i64} {
  func.func @_tc_body(%arg0: memref<80x384xf32, #tpu.memory_space<vmem>>, %arg1: memref<80x384xf32, #tpu.memory_space<vmem>>, %arg2: memref<80x384xf32, #tpu.memory_space<vmem>>, %arg3: memref<80x384xf32, #tpu.memory_space<vmem>>, %arg4: memref<80x384xf32, #tpu.memory_space<vmem>>, %arg5: memref<80x384xf32, #tpu.memory_space<vmem>>, %arg6: memref<100x6xf32, #tpu.memory_space<vmem>>, %arg7: memref<80x256xf32, #tpu.memory_space<vmem>>, %arg8: memref<80x256xf32, #tpu.memory_space<vmem>>, %arg9: memref<80x256xf32, #tpu.memory_space<vmem>>, %arg10: memref<80x256xf32, #tpu.memory_space<vmem>>, %arg11: memref<80x256xf32, #tpu.memory_space<vmem>>, %arg12: memref<256x80xf32, #tpu.memory_space<vmem>>, %arg13: memref<256x80xf32, #tpu.memory_space<vmem>>, %arg14: memref<256x80xf32, #tpu.memory_space<vmem>>, %arg15: memref<256x80xf32, #tpu.memory_space<vmem>>, %arg16: memref<256x80xf32, #tpu.memory_space<vmem>>, %arg17: memref<256x80xf32, #tpu.memory_space<vmem>>, %arg18: memref<256x80xf32, #tpu.memory_space<vmem>>) attributes {dimension_semantics = [], scalar_prefetch = 0 : i64, scratch_operands = 12 : i64, tpu.core_type = #tpu.core_type<tc>} {
    %iota3A = tpu.iota {dimensions = array<i32: 0>} : vector<256x1xi32>
    %convert_element_type3A = arith.sitofp %iota3A : vector<256x1xi32> to vector<256x1xf32>
    %scan3A = arith.constant 0 : i32
    %scan3A_0 = arith.constant 80 : i32
    %scan3A_1 = arith.addi %scan3A, %scan3A_0 : i32
    %scan3A_2 = arith.constant 1 : i32
    scf.for %scan3A_91 = %scan3A to %scan3A_1 step %scan3A_2  : i32 {
      %get3A_92 = arith.index_cast %scan3A_91 : i32 to index
      %get3A_93 = arith.constant 0 : index
      %get3A_94 = vector.load %arg0[%get3A_92, %get3A_93] : memref<80x384xf32, #tpu.memory_space<vmem>>, vector<1x384xf32>
      %get3A_95 = arith.index_cast %scan3A_91 : i32 to index
      %get3A_96 = arith.constant 0 : index
      %get3A_97 = vector.load %arg1[%get3A_95, %get3A_96] : memref<80x384xf32, #tpu.memory_space<vmem>>, vector<1x384xf32>
      %transpose3A_98 = tpu.transpose %get3A_94, [1, 0] : vector<1x384xf32> -> vector<384x1xf32>
      %transpose3A_99 = tpu.transpose %get3A_97, [1, 0] : vector<1x384xf32> -> vector<384x1xf32>
      %gt3A_100 = vector.broadcast %get3A_94 : vector<1x384xf32> to vector<384x384xf32>
      %gt3A_101 = vector.broadcast %transpose3A_98 : vector<384x1xf32> to vector<384x384xf32>
      %gt3A_102 = arith.cmpf ogt, %gt3A_100, %gt3A_101 : vector<384x384xf32>
      %eq3A = vector.broadcast %get3A_94 : vector<1x384xf32> to vector<384x384xf32>
      %eq3A_103 = vector.broadcast %transpose3A_98 : vector<384x1xf32> to vector<384x384xf32>
      %eq3A_104 = arith.cmpf oeq, %eq3A, %eq3A_103 : vector<384x384xf32>
      %lt3A = vector.broadcast %get3A_97 : vector<1x384xf32> to vector<384x384xf32>
      %lt3A_105 = vector.broadcast %transpose3A_99 : vector<384x1xf32> to vector<384x384xf32>
      %lt3A_106 = arith.cmpf olt, %lt3A, %lt3A_105 : vector<384x384xf32>
      %and3A = arith.andi %eq3A_104, %lt3A_106 : vector<384x384xi1>
      %or3A = arith.ori %gt3A_102, %and3A : vector<384x384xi1>
      %convert_element_type3A_107 = arith.extui %or3A : vector<384x384xi1> to vector<384x384xi32>
      %convert_element_type3A_108 = arith.sitofp %convert_element_type3A_107 : vector<384x384xi32> to vector<384x384xf32>
      %reduce_sum3A = arith.constant dense<0.000000e+00> : vector<384xf32>
      %reduce_sum3A_109 = vector.multi_reduction <add>, %convert_element_type3A_108, %reduce_sum3A [1] : vector<384x384xf32> to vector<384xf32>
      %broadcast_in_dim3A_110 = vector.shape_cast %reduce_sum3A_109 : vector<384xf32> to vector<384x1xf32>
      %transpose3A_111 = tpu.transpose %broadcast_in_dim3A_110, [1, 0] : vector<384x1xf32> -> vector<1x384xf32>
      %eq3A_112 = vector.broadcast %transpose3A_111 : vector<1x384xf32> to vector<256x384xf32>
      %eq3A_113 = vector.broadcast %convert_element_type3A : vector<256x1xf32> to vector<256x384xf32>
      %eq3A_114 = arith.cmpf oeq, %eq3A_112, %eq3A_113 : vector<256x384xf32>
      %convert_element_type3A_115 = arith.extui %eq3A_114 : vector<256x384xi1> to vector<256x384xi32>
      %convert_element_type3A_116 = arith.sitofp %convert_element_type3A_115 : vector<256x384xi32> to vector<256x384xf32>
      %get3A_117 = arith.index_cast %scan3A_91 : i32 to index
      %get3A_118 = arith.constant 0 : index
      %get3A_119 = vector.load %arg2[%get3A_117, %get3A_118] : memref<80x384xf32, #tpu.memory_space<vmem>>, vector<1x384xf32>
      %get3A_120 = arith.index_cast %scan3A_91 : i32 to index
      %get3A_121 = arith.constant 0 : index
      %get3A_122 = vector.load %arg3[%get3A_120, %get3A_121] : memref<80x384xf32, #tpu.memory_space<vmem>>, vector<1x384xf32>
      %get3A_123 = arith.index_cast %scan3A_91 : i32 to index
      %get3A_124 = arith.constant 0 : index
      %get3A_125 = vector.load %arg4[%get3A_123, %get3A_124] : memref<80x384xf32, #tpu.memory_space<vmem>>, vector<1x384xf32>
      %get3A_126 = arith.index_cast %scan3A_91 : i32 to index
      %get3A_127 = arith.constant 0 : index
      %get3A_128 = vector.load %arg5[%get3A_126, %get3A_127] : memref<80x384xf32, #tpu.memory_space<vmem>>, vector<1x384xf32>
      %get3A_129 = arith.index_cast %scan3A_91 : i32 to index
      %get3A_130 = arith.constant 0 : index
      %get3A_131 = vector.load %arg0[%get3A_129, %get3A_130] : memref<80x384xf32, #tpu.memory_space<vmem>>, vector<1x384xf32>
      %concatenate3A = tpu.concatenate %get3A_119, %get3A_122, %get3A_125, %get3A_128, %get3A_131 in 0 : vector<1x384xf32>, vector<1x384xf32>, vector<1x384xf32>, vector<1x384xf32>, vector<1x384xf32> -> vector<5x384xf32>
      %dot_general3A = arith.constant dense<0.000000e+00> : vector<5x256xf32>
      %dot_general3A_132 = tpu.matmul %concatenate3A, %convert_element_type3A_116, %dot_general3A {dimension_numbers = #tpu.dot_dimension_numbers<[1], [1], [0], [0], [0, 0, 1, 0], [], []>, precision = #tpu.contract_precision<fp32>, transpose_lhs_hint = false} : vector<5x384xf32>, vector<256x384xf32>, vector<5x256xf32> -> vector<5x256xf32>
      %slice3A = vector.extract_strided_slice %dot_general3A_132 {offsets = [0, 0], sizes = [1, 256], strides = [1, 1]} : vector<5x256xf32> to vector<1x256xf32>
      %swap3A_133 = arith.index_cast %scan3A_91 : i32 to index
      %swap3A_134 = arith.constant 0 : index
      %swap3A_135 = vector.load %arg7[%swap3A_133, %swap3A_134] : memref<80x256xf32, #tpu.memory_space<vmem>>, vector<1x256xf32>
      tpu.vector_store %arg7[%swap3A_133, %swap3A_134], %slice3A {strides = array<i32>} : memref<80x256xf32, #tpu.memory_space<vmem>>, vector<1x256xf32>,
      %slice3A_136 = vector.extract_strided_slice %dot_general3A_132 {offsets = [1, 0], sizes = [1, 256], strides = [1, 1]} : vector<5x256xf32> to vector<1x256xf32>
      %swap3A_137 = arith.index_cast %scan3A_91 : i32 to index
      %swap3A_138 = arith.constant 0 : index
      %swap3A_139 = vector.load %arg8[%swap3A_137, %swap3A_138] : memref<80x256xf32, #tpu.memory_space<vmem>>, vector<1x256xf32>
      tpu.vector_store %arg8[%swap3A_137, %swap3A_138], %slice3A_136 {strides = array<i32>} : memref<80x256xf32, #tpu.memory_space<vmem>>, vector<1x256xf32>,
      %slice3A_140 = vector.extract_strided_slice %dot_general3A_132 {offsets = [2, 0], sizes = [1, 256], strides = [1, 1]} : vector<5x256xf32> to vector<1x256xf32>
      %swap3A_141 = arith.index_cast %scan3A_91 : i32 to index
      %swap3A_142 = arith.constant 0 : index
      %swap3A_143 = vector.load %arg9[%swap3A_141, %swap3A_142] : memref<80x256xf32, #tpu.memory_space<vmem>>, vector<1x256xf32>
      tpu.vector_store %arg9[%swap3A_141, %swap3A_142], %slice3A_140 {strides = array<i32>} : memref<80x256xf32, #tpu.memory_space<vmem>>, vector<1x256xf32>,
      %slice3A_144 = vector.extract_strided_slice %dot_general3A_132 {offsets = [3, 0], sizes = [1, 256], strides = [1, 1]} : vector<5x256xf32> to vector<1x256xf32>
      %swap3A_145 = arith.index_cast %scan3A_91 : i32 to index
      %swap3A_146 = arith.constant 0 : index
      %swap3A_147 = vector.load %arg10[%swap3A_145, %swap3A_146] : memref<80x256xf32, #tpu.memory_space<vmem>>, vector<1x256xf32>
      tpu.vector_store %arg10[%swap3A_145, %swap3A_146], %slice3A_144 {strides = array<i32>} : memref<80x256xf32, #tpu.memory_space<vmem>>, vector<1x256xf32>,
      %slice3A_148 = vector.extract_strided_slice %dot_general3A_132 {offsets = [4, 0], sizes = [1, 256], strides = [1, 1]} : vector<5x256xf32> to vector<1x256xf32>
      %swap3A_149 = arith.index_cast %scan3A_91 : i32 to index
      %swap3A_150 = arith.constant 0 : index
      %swap3A_151 = vector.load %arg11[%swap3A_149, %swap3A_150] : memref<80x256xf32, #tpu.memory_space<vmem>>, vector<1x256xf32>
      tpu.vector_store %arg11[%swap3A_149, %swap3A_150], %slice3A_148 {strides = array<i32>} : memref<80x256xf32, #tpu.memory_space<vmem>>, vector<1x256xf32>,
    }
    %scan3A_3 = arith.constant 80 : i32
    %get3A = arith.constant 0 : index
    %get3A_4 = arith.constant 0 : index
    %get3A_5 = vector.load %arg7[%get3A, %get3A_4] : memref<80x256xf32, #tpu.memory_space<vmem>>, vector<80x256xf32>
    %transpose3A = tpu.transpose %get3A_5, [1, 0] : vector<80x256xf32> -> vector<256x80xf32>
    %swap3A = arith.constant 0 : index
    %swap3A_6 = arith.constant 0 : index
    %swap3A_7 = vector.load %arg12[%swap3A, %swap3A_6] : memref<256x80xf32, #tpu.memory_space<vmem>>, vector<256x80xf32>
    tpu.vector_store %arg12[%swap3A, %swap3A_6], %transpose3A {strides = array<i32>} : memref<256x80xf32, #tpu.memory_space<vmem>>, vector<256x80xf32>,
    %get3A_8 = arith.constant 0 : index
    %get3A_9 = arith.constant 0 : index
    %get3A_10 = vector.load %arg8[%get3A_8, %get3A_9] : memref<80x256xf32, #tpu.memory_space<vmem>>, vector<80x256xf32>
    %transpose3A_11 = tpu.transpose %get3A_10, [1, 0] : vector<80x256xf32> -> vector<256x80xf32>
    %swap3A_12 = arith.constant 0 : index
    %swap3A_13 = arith.constant 0 : index
    %swap3A_14 = vector.load %arg13[%swap3A_12, %swap3A_13] : memref<256x80xf32, #tpu.memory_space<vmem>>, vector<256x80xf32>
    tpu.vector_store %arg13[%swap3A_12, %swap3A_13], %transpose3A_11 {strides = array<i32>} : memref<256x80xf32, #tpu.memory_space<vmem>>, vector<256x80xf32>,
    %get3A_15 = arith.constant 0 : index
    %get3A_16 = arith.constant 0 : index
    %get3A_17 = vector.load %arg9[%get3A_15, %get3A_16] : memref<80x256xf32, #tpu.memory_space<vmem>>, vector<80x256xf32>
    %transpose3A_18 = tpu.transpose %get3A_17, [1, 0] : vector<80x256xf32> -> vector<256x80xf32>
    %swap3A_19 = arith.constant 0 : index
    %swap3A_20 = arith.constant 0 : index
    %swap3A_21 = vector.load %arg14[%swap3A_19, %swap3A_20] : memref<256x80xf32, #tpu.memory_space<vmem>>, vector<256x80xf32>
    tpu.vector_store %arg14[%swap3A_19, %swap3A_20], %transpose3A_18 {strides = array<i32>} : memref<256x80xf32, #tpu.memory_space<vmem>>, vector<256x80xf32>,
    %get3A_22 = arith.constant 0 : index
    %get3A_23 = arith.constant 0 : index
    %get3A_24 = vector.load %arg10[%get3A_22, %get3A_23] : memref<80x256xf32, #tpu.memory_space<vmem>>, vector<80x256xf32>
    %transpose3A_25 = tpu.transpose %get3A_24, [1, 0] : vector<80x256xf32> -> vector<256x80xf32>
    %swap3A_26 = arith.constant 0 : index
    %swap3A_27 = arith.constant 0 : index
    %swap3A_28 = vector.load %arg15[%swap3A_26, %swap3A_27] : memref<256x80xf32, #tpu.memory_space<vmem>>, vector<256x80xf32>
    tpu.vector_store %arg15[%swap3A_26, %swap3A_27], %transpose3A_25 {strides = array<i32>} : memref<256x80xf32, #tpu.memory_space<vmem>>, vector<256x80xf32>,
    %get3A_29 = arith.constant 0 : index
    %get3A_30 = arith.constant 0 : index
    %get3A_31 = vector.load %arg11[%get3A_29, %get3A_30] : memref<80x256xf32, #tpu.memory_space<vmem>>, vector<80x256xf32>
    %transpose3A_32 = tpu.transpose %get3A_31, [1, 0] : vector<80x256xf32> -> vector<256x80xf32>
    %swap3A_33 = arith.constant 0 : index
    %swap3A_34 = arith.constant 0 : index
    %swap3A_35 = vector.load %arg16[%swap3A_33, %swap3A_34] : memref<256x80xf32, #tpu.memory_space<vmem>>, vector<256x80xf32>
    tpu.vector_store %arg16[%swap3A_33, %swap3A_34], %transpose3A_32 {strides = array<i32>} : memref<256x80xf32, #tpu.memory_space<vmem>>, vector<256x80xf32>,
    %get3A_36 = arith.constant 0 : index
    %get3A_37 = arith.constant 0 : index
    %get3A_38 = vector.load %arg14[%get3A_36, %get3A_37] : memref<256x80xf32, #tpu.memory_space<vmem>>, vector<256x80xf32>
    %get3A_39 = arith.constant 0 : index
    %get3A_40 = arith.constant 0 : index
    %get3A_41 = vector.load %arg12[%get3A_39, %get3A_40] : memref<256x80xf32, #tpu.memory_space<vmem>>, vector<256x80xf32>
    %sub3A = arith.subf %get3A_38, %get3A_41 : vector<256x80xf32>
    %get3A_42 = arith.constant 0 : index
    %get3A_43 = arith.constant 0 : index
    %get3A_44 = vector.load %arg15[%get3A_42, %get3A_43] : memref<256x80xf32, #tpu.memory_space<vmem>>, vector<256x80xf32>
    %get3A_45 = arith.constant 0 : index
    %get3A_46 = arith.constant 0 : index
    %get3A_47 = vector.load %arg13[%get3A_45, %get3A_46] : memref<256x80xf32, #tpu.memory_space<vmem>>, vector<256x80xf32>
    %sub3A_48 = arith.subf %get3A_44, %get3A_47 : vector<256x80xf32>
    %mul3A = arith.mulf %sub3A, %sub3A_48 : vector<256x80xf32>
    %swap3A_49 = arith.constant 0 : index
    %swap3A_50 = arith.constant 0 : index
    %swap3A_51 = vector.load %arg17[%swap3A_49, %swap3A_50] : memref<256x80xf32, #tpu.memory_space<vmem>>, vector<256x80xf32>
    tpu.vector_store %arg17[%swap3A_49, %swap3A_50], %mul3A {strides = array<i32>} : memref<256x80xf32, #tpu.memory_space<vmem>>, vector<256x80xf32>,
    %get3A_52 = arith.constant 0 : index
    %get3A_53 = arith.constant 0 : index
    %get3A_54 = vector.load %arg16[%get3A_52, %get3A_53] : memref<256x80xf32, #tpu.memory_space<vmem>>, vector<256x80xf32>
    %gt3A = arith.constant 5.000000e-02 : f32
    %gt3A_55 = vector.broadcast %gt3A : f32 to vector<256x80xf32>
    %gt3A_56 = arith.cmpf ogt, %get3A_54, %gt3A_55 : vector<256x80xf32>
    %convert_element_type3A_57 = arith.extui %gt3A_56 : vector<256x80xi1> to vector<256x80xi32>
    %convert_element_type3A_58 = arith.sitofp %convert_element_type3A_57 : vector<256x80xi32> to vector<256x80xf32>
    %swap3A_59 = arith.constant 0 : index
    %swap3A_60 = arith.constant 0 : index
    %swap3A_61 = vector.load %arg18[%swap3A_59, %swap3A_60] : memref<256x80xf32, #tpu.memory_space<vmem>>, vector<256x80xf32>
    tpu.vector_store %arg18[%swap3A_59, %swap3A_60], %convert_element_type3A_58 {strides = array<i32>} : memref<256x80xf32, #tpu.memory_space<vmem>>, vector<256x80xf32>,
    %iota3A_62 = tpu.iota {dimensions = array<i32: 0>} : vector<256x80xi32>
    %scan3A_63 = arith.constant 0 : i32
    %scan3A_64 = arith.constant 32 : i32
    %scan3A_65 = arith.addi %scan3A_63, %scan3A_64 : i32
    %scan3A_66 = arith.constant 1 : i32
    scf.for %scan3A_91 = %scan3A_63 to %scan3A_65 step %scan3A_66  : i32 {
      %mul3A_92 = arith.constant 8 : i32
      %mul3A_93 = arith.muli %scan3A_91, %mul3A_92 : i32
      %get3A_94 = arith.index_cast %mul3A_93 : i32 to index
      %get3A_95 = arith.constant 0 : index
      %get3A_96 = vector.load %arg12[%get3A_94, %get3A_95] : memref<256x80xf32, #tpu.memory_space<vmem>>, vector<8x80xf32>
      %broadcast_in_dim3A_97 = vector.shape_cast %get3A_96 : vector<8x80xf32> to vector<8x1x80xf32>
      %get3A_98 = arith.index_cast %mul3A_93 : i32 to index
      %get3A_99 = arith.constant 0 : index
      %get3A_100 = vector.load %arg13[%get3A_98, %get3A_99] : memref<256x80xf32, #tpu.memory_space<vmem>>, vector<8x80xf32>
      %broadcast_in_dim3A_101 = vector.shape_cast %get3A_100 : vector<8x80xf32> to vector<8x1x80xf32>
      %get3A_102 = arith.index_cast %mul3A_93 : i32 to index
      %get3A_103 = arith.constant 0 : index
      %get3A_104 = vector.load %arg14[%get3A_102, %get3A_103] : memref<256x80xf32, #tpu.memory_space<vmem>>, vector<8x80xf32>
      %broadcast_in_dim3A_105 = vector.shape_cast %get3A_104 : vector<8x80xf32> to vector<8x1x80xf32>
      %get3A_106 = arith.index_cast %mul3A_93 : i32 to index
      %get3A_107 = arith.constant 0 : index
      %get3A_108 = vector.load %arg15[%get3A_106, %get3A_107] : memref<256x80xf32, #tpu.memory_space<vmem>>, vector<8x80xf32>
      %broadcast_in_dim3A_109 = vector.shape_cast %get3A_108 : vector<8x80xf32> to vector<8x1x80xf32>
      %get3A_110 = arith.index_cast %mul3A_93 : i32 to index
      %get3A_111 = arith.constant 0 : index
      %get3A_112 = vector.load %arg17[%get3A_110, %get3A_111] : memref<256x80xf32, #tpu.memory_space<vmem>>, vector<8x80xf32>
      %broadcast_in_dim3A_113 = vector.shape_cast %get3A_112 : vector<8x80xf32> to vector<8x1x80xf32>
      %get3A_114 = arith.constant 0 : index
      %get3A_115 = arith.constant 0 : index
      %get3A_116 = vector.load %arg12[%get3A_114, %get3A_115] : memref<256x80xf32, #tpu.memory_space<vmem>>, vector<256x80xf32>
      %broadcast_in_dim3A_117 = vector.shape_cast %get3A_116 : vector<256x80xf32> to vector<1x256x80xf32>
      %get3A_118 = arith.constant 0 : index
      %get3A_119 = arith.constant 0 : index
      %get3A_120 = vector.load %arg13[%get3A_118, %get3A_119] : memref<256x80xf32, #tpu.memory_space<vmem>>, vector<256x80xf32>
      %broadcast_in_dim3A_121 = vector.shape_cast %get3A_120 : vector<256x80xf32> to vector<1x256x80xf32>
      %get3A_122 = arith.constant 0 : index
      %get3A_123 = arith.constant 0 : index
      %get3A_124 = vector.load %arg14[%get3A_122, %get3A_123] : memref<256x80xf32, #tpu.memory_space<vmem>>, vector<256x80xf32>
      %broadcast_in_dim3A_125 = vector.shape_cast %get3A_124 : vector<256x80xf32> to vector<1x256x80xf32>
      %get3A_126 = arith.constant 0 : index
      %get3A_127 = arith.constant 0 : index
      %get3A_128 = vector.load %arg15[%get3A_126, %get3A_127] : memref<256x80xf32, #tpu.memory_space<vmem>>, vector<256x80xf32>
      %broadcast_in_dim3A_129 = vector.shape_cast %get3A_128 : vector<256x80xf32> to vector<1x256x80xf32>
      %get3A_130 = arith.constant 0 : index
      %get3A_131 = arith.constant 0 : index
      %get3A_132 = vector.load %arg17[%get3A_130, %get3A_131] : memref<256x80xf32, #tpu.memory_space<vmem>>, vector<256x80xf32>
      %broadcast_in_dim3A_133 = vector.shape_cast %get3A_132 : vector<256x80xf32> to vector<1x256x80xf32>
      %max3A = vector.broadcast %broadcast_in_dim3A_117 : vector<1x256x80xf32> to vector<8x256x80xf32>
      %max3A_134 = vector.broadcast %broadcast_in_dim3A_97 : vector<8x1x80xf32> to vector<8x256x80xf32>
      %max3A_135 = arith.maximumf %max3A, %max3A_134 : vector<8x256x80xf32>
      %max3A_136 = vector.broadcast %broadcast_in_dim3A_121 : vector<1x256x80xf32> to vector<8x256x80xf32>
      %max3A_137 = vector.broadcast %broadcast_in_dim3A_101 : vector<8x1x80xf32> to vector<8x256x80xf32>
      %max3A_138 = arith.maximumf %max3A_136, %max3A_137 : vector<8x256x80xf32>
      %min3A = vector.broadcast %broadcast_in_dim3A_125 : vector<1x256x80xf32> to vector<8x256x80xf32>
      %min3A_139 = vector.broadcast %broadcast_in_dim3A_105 : vector<8x1x80xf32> to vector<8x256x80xf32>
      %min3A_140 = arith.minimumf %min3A, %min3A_139 : vector<8x256x80xf32>
      %min3A_141 = vector.broadcast %broadcast_in_dim3A_129 : vector<1x256x80xf32> to vector<8x256x80xf32>
      %min3A_142 = vector.broadcast %broadcast_in_dim3A_109 : vector<8x1x80xf32> to vector<8x256x80xf32>
      %min3A_143 = arith.minimumf %min3A_141, %min3A_142 : vector<8x256x80xf32>
      %sub3A_144 = arith.subf %min3A_140, %max3A_135 : vector<8x256x80xf32>
      %jit3A_145 = arith.constant 0.000000e+00 : f32
      %max3A_146 = vector.broadcast %jit3A_145 : f32 to vector<8x256x80xf32>
      %max3A_147 = arith.maximumf %max3A_146, %sub3A_144 : vector<8x256x80xf32>
      %sub3A_148 = arith.subf %min3A_143, %max3A_138 : vector<8x256x80xf32>
      %jit3A_149 = arith.constant 0.000000e+00 : f32
      %max3A_150 = vector.broadcast %jit3A_149 : f32 to vector<8x256x80xf32>
      %max3A_151 = arith.maximumf %max3A_150, %sub3A_148 : vector<8x256x80xf32>
      %mul3A_152 = arith.mulf %max3A_147, %max3A_151 : vector<8x256x80xf32>
      %add3A_153 = vector.broadcast %broadcast_in_dim3A_113 : vector<8x1x80xf32> to vector<8x256x80xf32>
      %add3A_154 = vector.broadcast %broadcast_in_dim3A_133 : vector<1x256x80xf32> to vector<8x256x80xf32>
      %add3A_155 = arith.addf %add3A_153, %add3A_154 : vector<8x256x80xf32>
      %sub3A_156 = arith.subf %add3A_155, %mul3A_152 : vector<8x256x80xf32>
      %max3A_157 = arith.constant 9.99999971E-10 : f32
      %max3A_158 = vector.broadcast %max3A_157 : f32 to vector<8x256x80xf32>
      %max3A_159 = arith.maximumf %sub3A_156, %max3A_158 : vector<8x256x80xf32>
      %div3A = arith.divf %mul3A_152, %max3A_159 : vector<8x256x80xf32>
      %gt3A_160 = arith.constant 5.000000e-01 : f32
      %gt3A_161 = vector.broadcast %gt3A_160 : f32 to vector<8x256x80xf32>
      %gt3A_162 = arith.cmpf ogt, %div3A, %gt3A_161 : vector<8x256x80xf32>
      %convert_element_type3A_163 = arith.extui %gt3A_162 : vector<8x256x80xi1> to vector<8x256x80xi32>
      %convert_element_type3A_164 = arith.sitofp %convert_element_type3A_163 : vector<8x256x80xi32> to vector<8x256x80xf32>
      %add3A_165 = arith.constant 0 : i32
      %add3A_166 = arith.addi %mul3A_93, %add3A_165 : i32
      %get3A_167 = arith.index_cast %add3A_166 : i32 to index
      %get3A_168 = arith.constant 0 : index
      %get3A_169 = vector.load %arg18[%get3A_167, %get3A_168] : memref<256x80xf32, #tpu.memory_space<vmem>>, vector<1x80xf32>
      %slice3A = vector.extract_strided_slice %convert_element_type3A_164 {offsets = [0, 0, 0], sizes = [1, 256, 80], strides = [1, 1, 1]} : vector<8x256x80xf32> to vector<1x256x80xf32>
      %squeeze3A = vector.shape_cast %slice3A : vector<1x256x80xf32> to vector<256x80xf32>
      %gt3A_170 = vector.broadcast %add3A_166 : i32 to vector<256x80xi32>
      %gt3A_171 = arith.cmpi sgt, %iota3A_62, %gt3A_170 : vector<256x80xi32>
      %convert_element_type3A_172 = arith.extui %gt3A_171 : vector<256x80xi1> to vector<256x80xi32>
      %convert_element_type3A_173 = arith.sitofp %convert_element_type3A_172 : vector<256x80xi32> to vector<256x80xf32>
      %mul3A_174 = arith.mulf %squeeze3A, %convert_element_type3A_173 : vector<256x80xf32>
      %get3A_175 = arith.constant 0 : index
      %get3A_176 = arith.constant 0 : index
      %get3A_177 = vector.load %arg18[%get3A_175, %get3A_176] : memref<256x80xf32, #tpu.memory_space<vmem>>, vector<256x80xf32>
      %mul3A_178 = vector.broadcast %get3A_169 : vector<1x80xf32> to vector<256x80xf32>
      %mul3A_179 = arith.mulf %mul3A_174, %mul3A_178 : vector<256x80xf32>
      %sub3A_180 = arith.constant 1.000000e+00 : f32
      %sub3A_181 = vector.broadcast %sub3A_180 : f32 to vector<256x80xf32>
      %sub3A_182 = arith.subf %sub3A_181, %mul3A_179 : vector<256x80xf32>
      %mul3A_183 = arith.mulf %get3A_177, %sub3A_182 : vector<256x80xf32>
      %swap3A_184 = arith.constant 0 : index
      %swap3A_185 = arith.constant 0 : index
      %swap3A_186 = vector.load %arg18[%swap3A_184, %swap3A_185] : memref<256x80xf32, #tpu.memory_space<vmem>>, vector<256x80xf32>
      tpu.vector_store %arg18[%swap3A_184, %swap3A_185], %mul3A_183 {strides = array<i32>} : memref<256x80xf32, #tpu.memory_space<vmem>>, vector<256x80xf32>,
      %add3A_187 = arith.constant 1 : i32
      %add3A_188 = arith.addi %mul3A_93, %add3A_187 : i32
      %get3A_189 = arith.index_cast %add3A_188 : i32 to index
      %get3A_190 = arith.constant 0 : index
      %get3A_191 = vector.load %arg18[%get3A_189, %get3A_190] : memref<256x80xf32, #tpu.memory_space<vmem>>, vector<1x80xf32>
      %slice3A_192 = vector.extract_strided_slice %convert_element_type3A_164 {offsets = [1, 0, 0], sizes = [1, 256, 80], strides = [1, 1, 1]} : vector<8x256x80xf32> to vector<1x256x80xf32>
      %squeeze3A_193 = vector.shape_cast %slice3A_192 : vector<1x256x80xf32> to vector<256x80xf32>
      %gt3A_194 = vector.broadcast %add3A_188 : i32 to vector<256x80xi32>
      %gt3A_195 = arith.cmpi sgt, %iota3A_62, %gt3A_194 : vector<256x80xi32>
      %convert_element_type3A_196 = arith.extui %gt3A_195 : vector<256x80xi1> to vector<256x80xi32>
      %convert_element_type3A_197 = arith.sitofp %convert_element_type3A_196 : vector<256x80xi32> to vector<256x80xf32>
      %mul3A_198 = arith.mulf %squeeze3A_193, %convert_element_type3A_197 : vector<256x80xf32>
      %get3A_199 = arith.constant 0 : index
      %get3A_200 = arith.constant 0 : index
      %get3A_201 = vector.load %arg18[%get3A_199, %get3A_200] : memref<256x80xf32, #tpu.memory_space<vmem>>, vector<256x80xf32>
      %mul3A_202 = vector.broadcast %get3A_191 : vector<1x80xf32> to vector<256x80xf32>
      %mul3A_203 = arith.mulf %mul3A_198, %mul3A_202 : vector<256x80xf32>
      %sub3A_204 = arith.constant 1.000000e+00 : f32
      %sub3A_205 = vector.broadcast %sub3A_204 : f32 to vector<256x80xf32>
      %sub3A_206 = arith.subf %sub3A_205, %mul3A_203 : vector<256x80xf32>
      %mul3A_207 = arith.mulf %get3A_201, %sub3A_206 : vector<256x80xf32>
      %swap3A_208 = arith.constant 0 : index
      %swap3A_209 = arith.constant 0 : index
      %swap3A_210 = vector.load %arg18[%swap3A_208, %swap3A_209] : memref<256x80xf32, #tpu.memory_space<vmem>>, vector<256x80xf32>
      tpu.vector_store %arg18[%swap3A_208, %swap3A_209], %mul3A_207 {strides = array<i32>} : memref<256x80xf32, #tpu.memory_space<vmem>>, vector<256x80xf32>,
      %add3A_211 = arith.constant 2 : i32
      %add3A_212 = arith.addi %mul3A_93, %add3A_211 : i32
      %get3A_213 = arith.index_cast %add3A_212 : i32 to index
      %get3A_214 = arith.constant 0 : index
      %get3A_215 = vector.load %arg18[%get3A_213, %get3A_214] : memref<256x80xf32, #tpu.memory_space<vmem>>, vector<1x80xf32>
      %slice3A_216 = vector.extract_strided_slice %convert_element_type3A_164 {offsets = [2, 0, 0], sizes = [1, 256, 80], strides = [1, 1, 1]} : vector<8x256x80xf32> to vector<1x256x80xf32>
      %squeeze3A_217 = vector.shape_cast %slice3A_216 : vector<1x256x80xf32> to vector<256x80xf32>
      %gt3A_218 = vector.broadcast %add3A_212 : i32 to vector<256x80xi32>
      %gt3A_219 = arith.cmpi sgt, %iota3A_62, %gt3A_218 : vector<256x80xi32>
      %convert_element_type3A_220 = arith.extui %gt3A_219 : vector<256x80xi1> to vector<256x80xi32>
      %convert_element_type3A_221 = arith.sitofp %convert_element_type3A_220 : vector<256x80xi32> to vector<256x80xf32>
      %mul3A_222 = arith.mulf %squeeze3A_217, %convert_element_type3A_221 : vector<256x80xf32>
      %get3A_223 = arith.constant 0 : index
      %get3A_224 = arith.constant 0 : index
      %get3A_225 = vector.load %arg18[%get3A_223, %get3A_224] : memref<256x80xf32, #tpu.memory_space<vmem>>, vector<256x80xf32>
      %mul3A_226 = vector.broadcast %get3A_215 : vector<1x80xf32> to vector<256x80xf32>
      %mul3A_227 = arith.mulf %mul3A_222, %mul3A_226 : vector<256x80xf32>
      %sub3A_228 = arith.constant 1.000000e+00 : f32
      %sub3A_229 = vector.broadcast %sub3A_228 : f32 to vector<256x80xf32>
      %sub3A_230 = arith.subf %sub3A_229, %mul3A_227 : vector<256x80xf32>
      %mul3A_231 = arith.mulf %get3A_225, %sub3A_230 : vector<256x80xf32>
      %swap3A_232 = arith.constant 0 : index
      %swap3A_233 = arith.constant 0 : index
      %swap3A_234 = vector.load %arg18[%swap3A_232, %swap3A_233] : memref<256x80xf32, #tpu.memory_space<vmem>>, vector<256x80xf32>
      tpu.vector_store %arg18[%swap3A_232, %swap3A_233], %mul3A_231 {strides = array<i32>} : memref<256x80xf32, #tpu.memory_space<vmem>>, vector<256x80xf32>,
      %add3A_235 = arith.constant 3 : i32
      %add3A_236 = arith.addi %mul3A_93, %add3A_235 : i32
      %get3A_237 = arith.index_cast %add3A_236 : i32 to index
      %get3A_238 = arith.constant 0 : index
      %get3A_239 = vector.load %arg18[%get3A_237, %get3A_238] : memref<256x80xf32, #tpu.memory_space<vmem>>, vector<1x80xf32>
      %slice3A_240 = vector.extract_strided_slice %convert_element_type3A_164 {offsets = [3, 0, 0], sizes = [1, 256, 80], strides = [1, 1, 1]} : vector<8x256x80xf32> to vector<1x256x80xf32>
      %squeeze3A_241 = vector.shape_cast %slice3A_240 : vector<1x256x80xf32> to vector<256x80xf32>
      %gt3A_242 = vector.broadcast %add3A_236 : i32 to vector<256x80xi32>
      %gt3A_243 = arith.cmpi sgt, %iota3A_62, %gt3A_242 : vector<256x80xi32>
      %convert_element_type3A_244 = arith.extui %gt3A_243 : vector<256x80xi1> to vector<256x80xi32>
      %convert_element_type3A_245 = arith.sitofp %convert_element_type3A_244 : vector<256x80xi32> to vector<256x80xf32>
      %mul3A_246 = arith.mulf %squeeze3A_241, %convert_element_type3A_245 : vector<256x80xf32>
      %get3A_247 = arith.constant 0 : index
      %get3A_248 = arith.constant 0 : index
      %get3A_249 = vector.load %arg18[%get3A_247, %get3A_248] : memref<256x80xf32, #tpu.memory_space<vmem>>, vector<256x80xf32>
      %mul3A_250 = vector.broadcast %get3A_239 : vector<1x80xf32> to vector<256x80xf32>
      %mul3A_251 = arith.mulf %mul3A_246, %mul3A_250 : vector<256x80xf32>
      %sub3A_252 = arith.constant 1.000000e+00 : f32
      %sub3A_253 = vector.broadcast %sub3A_252 : f32 to vector<256x80xf32>
      %sub3A_254 = arith.subf %sub3A_253, %mul3A_251 : vector<256x80xf32>
      %mul3A_255 = arith.mulf %get3A_249, %sub3A_254 : vector<256x80xf32>
      %swap3A_256 = arith.constant 0 : index
      %swap3A_257 = arith.constant 0 : index
      %swap3A_258 = vector.load %arg18[%swap3A_256, %swap3A_257] : memref<256x80xf32, #tpu.memory_space<vmem>>, vector<256x80xf32>
      tpu.vector_store %arg18[%swap3A_256, %swap3A_257], %mul3A_255 {strides = array<i32>} : memref<256x80xf32, #tpu.memory_space<vmem>>, vector<256x80xf32>,
      %add3A_259 = arith.constant 4 : i32
      %add3A_260 = arith.addi %mul3A_93, %add3A_259 : i32
      %get3A_261 = arith.index_cast %add3A_260 : i32 to index
      %get3A_262 = arith.constant 0 : index
      %get3A_263 = vector.load %arg18[%get3A_261, %get3A_262] : memref<256x80xf32, #tpu.memory_space<vmem>>, vector<1x80xf32>
      %slice3A_264 = vector.extract_strided_slice %convert_element_type3A_164 {offsets = [4, 0, 0], sizes = [1, 256, 80], strides = [1, 1, 1]} : vector<8x256x80xf32> to vector<1x256x80xf32>
      %squeeze3A_265 = vector.shape_cast %slice3A_264 : vector<1x256x80xf32> to vector<256x80xf32>
      %gt3A_266 = vector.broadcast %add3A_260 : i32 to vector<256x80xi32>
      %gt3A_267 = arith.cmpi sgt, %iota3A_62, %gt3A_266 : vector<256x80xi32>
      %convert_element_type3A_268 = arith.extui %gt3A_267 : vector<256x80xi1> to vector<256x80xi32>
      %convert_element_type3A_269 = arith.sitofp %convert_element_type3A_268 : vector<256x80xi32> to vector<256x80xf32>
      %mul3A_270 = arith.mulf %squeeze3A_265, %convert_element_type3A_269 : vector<256x80xf32>
      %get3A_271 = arith.constant 0 : index
      %get3A_272 = arith.constant 0 : index
      %get3A_273 = vector.load %arg18[%get3A_271, %get3A_272] : memref<256x80xf32, #tpu.memory_space<vmem>>, vector<256x80xf32>
      %mul3A_274 = vector.broadcast %get3A_263 : vector<1x80xf32> to vector<256x80xf32>
      %mul3A_275 = arith.mulf %mul3A_270, %mul3A_274 : vector<256x80xf32>
      %sub3A_276 = arith.constant 1.000000e+00 : f32
      %sub3A_277 = vector.broadcast %sub3A_276 : f32 to vector<256x80xf32>
      %sub3A_278 = arith.subf %sub3A_277, %mul3A_275 : vector<256x80xf32>
      %mul3A_279 = arith.mulf %get3A_273, %sub3A_278 : vector<256x80xf32>
      %swap3A_280 = arith.constant 0 : index
      %swap3A_281 = arith.constant 0 : index
      %swap3A_282 = vector.load %arg18[%swap3A_280, %swap3A_281] : memref<256x80xf32, #tpu.memory_space<vmem>>, vector<256x80xf32>
      tpu.vector_store %arg18[%swap3A_280, %swap3A_281], %mul3A_279 {strides = array<i32>} : memref<256x80xf32, #tpu.memory_space<vmem>>, vector<256x80xf32>,
      %add3A_283 = arith.constant 5 : i32
      %add3A_284 = arith.addi %mul3A_93, %add3A_283 : i32
      %get3A_285 = arith.index_cast %add3A_284 : i32 to index
      %get3A_286 = arith.constant 0 : index
      %get3A_287 = vector.load %arg18[%get3A_285, %get3A_286] : memref<256x80xf32, #tpu.memory_space<vmem>>, vector<1x80xf32>
      %slice3A_288 = vector.extract_strided_slice %convert_element_type3A_164 {offsets = [5, 0, 0], sizes = [1, 256, 80], strides = [1, 1, 1]} : vector<8x256x80xf32> to vector<1x256x80xf32>
      %squeeze3A_289 = vector.shape_cast %slice3A_288 : vector<1x256x80xf32> to vector<256x80xf32>
      %gt3A_290 = vector.broadcast %add3A_284 : i32 to vector<256x80xi32>
      %gt3A_291 = arith.cmpi sgt, %iota3A_62, %gt3A_290 : vector<256x80xi32>
      %convert_element_type3A_292 = arith.extui %gt3A_291 : vector<256x80xi1> to vector<256x80xi32>
      %convert_element_type3A_293 = arith.sitofp %convert_element_type3A_292 : vector<256x80xi32> to vector<256x80xf32>
      %mul3A_294 = arith.mulf %squeeze3A_289, %convert_element_type3A_293 : vector<256x80xf32>
      %get3A_295 = arith.constant 0 : index
      %get3A_296 = arith.constant 0 : index
      %get3A_297 = vector.load %arg18[%get3A_295, %get3A_296] : memref<256x80xf32, #tpu.memory_space<vmem>>, vector<256x80xf32>
      %mul3A_298 = vector.broadcast %get3A_287 : vector<1x80xf32> to vector<256x80xf32>
      %mul3A_299 = arith.mulf %mul3A_294, %mul3A_298 : vector<256x80xf32>
      %sub3A_300 = arith.constant 1.000000e+00 : f32
      %sub3A_301 = vector.broadcast %sub3A_300 : f32 to vector<256x80xf32>
      %sub3A_302 = arith.subf %sub3A_301, %mul3A_299 : vector<256x80xf32>
      %mul3A_303 = arith.mulf %get3A_297, %sub3A_302 : vector<256x80xf32>
      %swap3A_304 = arith.constant 0 : index
      %swap3A_305 = arith.constant 0 : index
      %swap3A_306 = vector.load %arg18[%swap3A_304, %swap3A_305] : memref<256x80xf32, #tpu.memory_space<vmem>>, vector<256x80xf32>
      tpu.vector_store %arg18[%swap3A_304, %swap3A_305], %mul3A_303 {strides = array<i32>} : memref<256x80xf32, #tpu.memory_space<vmem>>, vector<256x80xf32>,
      %add3A_307 = arith.constant 6 : i32
      %add3A_308 = arith.addi %mul3A_93, %add3A_307 : i32
      %get3A_309 = arith.index_cast %add3A_308 : i32 to index
      %get3A_310 = arith.constant 0 : index
      %get3A_311 = vector.load %arg18[%get3A_309, %get3A_310] : memref<256x80xf32, #tpu.memory_space<vmem>>, vector<1x80xf32>
      %slice3A_312 = vector.extract_strided_slice %convert_element_type3A_164 {offsets = [6, 0, 0], sizes = [1, 256, 80], strides = [1, 1, 1]} : vector<8x256x80xf32> to vector<1x256x80xf32>
      %squeeze3A_313 = vector.shape_cast %slice3A_312 : vector<1x256x80xf32> to vector<256x80xf32>
      %gt3A_314 = vector.broadcast %add3A_308 : i32 to vector<256x80xi32>
      %gt3A_315 = arith.cmpi sgt, %iota3A_62, %gt3A_314 : vector<256x80xi32>
      %convert_element_type3A_316 = arith.extui %gt3A_315 : vector<256x80xi1> to vector<256x80xi32>
      %convert_element_type3A_317 = arith.sitofp %convert_element_type3A_316 : vector<256x80xi32> to vector<256x80xf32>
      %mul3A_318 = arith.mulf %squeeze3A_313, %convert_element_type3A_317 : vector<256x80xf32>
      %get3A_319 = arith.constant 0 : index
      %get3A_320 = arith.constant 0 : index
      %get3A_321 = vector.load %arg18[%get3A_319, %get3A_320] : memref<256x80xf32, #tpu.memory_space<vmem>>, vector<256x80xf32>
      %mul3A_322 = vector.broadcast %get3A_311 : vector<1x80xf32> to vector<256x80xf32>
      %mul3A_323 = arith.mulf %mul3A_318, %mul3A_322 : vector<256x80xf32>
      %sub3A_324 = arith.constant 1.000000e+00 : f32
      %sub3A_325 = vector.broadcast %sub3A_324 : f32 to vector<256x80xf32>
      %sub3A_326 = arith.subf %sub3A_325, %mul3A_323 : vector<256x80xf32>
      %mul3A_327 = arith.mulf %get3A_321, %sub3A_326 : vector<256x80xf32>
      %swap3A_328 = arith.constant 0 : index
      %swap3A_329 = arith.constant 0 : index
      %swap3A_330 = vector.load %arg18[%swap3A_328, %swap3A_329] : memref<256x80xf32, #tpu.memory_space<vmem>>, vector<256x80xf32>
      tpu.vector_store %arg18[%swap3A_328, %swap3A_329], %mul3A_327 {strides = array<i32>} : memref<256x80xf32, #tpu.memory_space<vmem>>, vector<256x80xf32>,
      %add3A_331 = arith.constant 7 : i32
      %add3A_332 = arith.addi %mul3A_93, %add3A_331 : i32
      %get3A_333 = arith.index_cast %add3A_332 : i32 to index
      %get3A_334 = arith.constant 0 : index
      %get3A_335 = vector.load %arg18[%get3A_333, %get3A_334] : memref<256x80xf32, #tpu.memory_space<vmem>>, vector<1x80xf32>
      %slice3A_336 = vector.extract_strided_slice %convert_element_type3A_164 {offsets = [7, 0, 0], sizes = [1, 256, 80], strides = [1, 1, 1]} : vector<8x256x80xf32> to vector<1x256x80xf32>
      %squeeze3A_337 = vector.shape_cast %slice3A_336 : vector<1x256x80xf32> to vector<256x80xf32>
      %gt3A_338 = vector.broadcast %add3A_332 : i32 to vector<256x80xi32>
      %gt3A_339 = arith.cmpi sgt, %iota3A_62, %gt3A_338 : vector<256x80xi32>
      %convert_element_type3A_340 = arith.extui %gt3A_339 : vector<256x80xi1> to vector<256x80xi32>
      %convert_element_type3A_341 = arith.sitofp %convert_element_type3A_340 : vector<256x80xi32> to vector<256x80xf32>
      %mul3A_342 = arith.mulf %squeeze3A_337, %convert_element_type3A_341 : vector<256x80xf32>
      %get3A_343 = arith.constant 0 : index
      %get3A_344 = arith.constant 0 : index
      %get3A_345 = vector.load %arg18[%get3A_343, %get3A_344] : memref<256x80xf32, #tpu.memory_space<vmem>>, vector<256x80xf32>
      %mul3A_346 = vector.broadcast %get3A_335 : vector<1x80xf32> to vector<256x80xf32>
      %mul3A_347 = arith.mulf %mul3A_342, %mul3A_346 : vector<256x80xf32>
      %sub3A_348 = arith.constant 1.000000e+00 : f32
      %sub3A_349 = vector.broadcast %sub3A_348 : f32 to vector<256x80xf32>
      %sub3A_350 = arith.subf %sub3A_349, %mul3A_347 : vector<256x80xf32>
      %mul3A_351 = arith.mulf %get3A_345, %sub3A_350 : vector<256x80xf32>
      %swap3A_352 = arith.constant 0 : index
      %swap3A_353 = arith.constant 0 : index
      %swap3A_354 = vector.load %arg18[%swap3A_352, %swap3A_353] : memref<256x80xf32, #tpu.memory_space<vmem>>, vector<256x80xf32>
      tpu.vector_store %arg18[%swap3A_352, %swap3A_353], %mul3A_351 {strides = array<i32>} : memref<256x80xf32, #tpu.memory_space<vmem>>, vector<256x80xf32>,
    }
    %scan3A_67 = arith.constant 32 : i32
    %get3A_68 = arith.constant 0 : index
    %get3A_69 = arith.constant 0 : index
    %get3A_70 = vector.load %arg18[%get3A_68, %get3A_69] : memref<256x80xf32, #tpu.memory_space<vmem>>, vector<256x80xf32>
    %gt3A_71 = arith.constant 5.000000e-01 : f32
    %gt3A_72 = vector.broadcast %gt3A_71 : f32 to vector<256x80xf32>
    %gt3A_73 = arith.cmpf ogt, %get3A_70, %gt3A_72 : vector<256x80xf32>
    %get3A_74 = arith.constant 0 : index
    %get3A_75 = arith.constant 0 : index
    %get3A_76 = vector.load %arg16[%get3A_74, %get3A_75] : memref<256x80xf32, #tpu.memory_space<vmem>>, vector<256x80xf32>
    %jit3A = arith.constant -1.000000e+00 : f32
    %broadcast_in_dim3A = vector.broadcast %jit3A : f32 to vector<256x80xf32>
    %select_n3A = arith.select %gt3A_73, %get3A_76, %broadcast_in_dim3A : vector<256x80xi1>, vector<256x80xf32>
    %swap3A_77 = arith.constant 0 : index
    %swap3A_78 = arith.constant 0 : index
    %swap3A_79 = vector.load %arg18[%swap3A_77, %swap3A_78] : memref<256x80xf32, #tpu.memory_space<vmem>>, vector<256x80xf32>
    tpu.vector_store %arg18[%swap3A_77, %swap3A_78], %select_n3A {strides = array<i32>} : memref<256x80xf32, #tpu.memory_space<vmem>>, vector<256x80xf32>,
    %iota3A_80 = tpu.iota {dimensions = array<i32: 1>} : vector<256x80xi32>
    %mul3A_81 = arith.constant 256 : i32
    %mul3A_82 = vector.broadcast %mul3A_81 : i32 to vector<256x80xi32>
    %mul3A_83 = arith.muli %iota3A_80, %mul3A_82 : vector<256x80xi32>
    %iota3A_84 = tpu.iota {dimensions = array<i32: 0>} : vector<256x80xi32>
    %add3A = arith.addi %mul3A_83, %iota3A_84 : vector<256x80xi32>
    %convert_element_type3A_85 = arith.sitofp %add3A : vector<256x80xi32> to vector<256x80xf32>
    %scan3A_86 = arith.constant 0 : i32
    %scan3A_87 = arith.constant 100 : i32
    %scan3A_88 = arith.addi %scan3A_86, %scan3A_87 : i32
    %scan3A_89 = arith.constant 1 : i32
    scf.for %scan3A_91 = %scan3A_86 to %scan3A_88 step %scan3A_89  : i32 {
      %get3A_92 = arith.constant 0 : index
      %get3A_93 = arith.constant 0 : index
      %get3A_94 = vector.load %arg18[%get3A_92, %get3A_93] : memref<256x80xf32, #tpu.memory_space<vmem>>, vector<256x80xf32>
      %reduce_max3A = vector.shape_cast %get3A_94 : vector<256x80xf32> to vector<1x256x80xf32>
      %reduce_max3A_95 = arith.constant dense<0xFF800000> : vector<1xf32>
      %reduce_max3A_96 = vector.multi_reduction <maximumf>, %reduce_max3A, %reduce_max3A_95 [1, 2] : vector<1x256x80xf32> to vector<1xf32>
      %reduce_max3A_97 = vector.shape_cast %reduce_max3A_96 : vector<1xf32> to vector<1x1x1xf32>
      %reduce_max3A_98 = vector.extract %reduce_max3A_97[0, 0, 0] : f32 from vector<1x1x1xf32>
      %eq3A = vector.broadcast %reduce_max3A_98 : f32 to vector<256x80xf32>
      %eq3A_99 = arith.cmpf oeq, %get3A_94, %eq3A : vector<256x80xf32>
      %jit3A_100 = arith.constant 3.000000e+07 : f32
      %broadcast_in_dim3A_101 = vector.broadcast %jit3A_100 : f32 to vector<256x80xf32>
      %select_n3A_102 = arith.select %eq3A_99, %convert_element_type3A_85, %broadcast_in_dim3A_101 : vector<256x80xi1>, vector<256x80xf32>
      %reduce_min3A = vector.shape_cast %select_n3A_102 : vector<256x80xf32> to vector<1x256x80xf32>
      %reduce_min3A_103 = arith.constant dense<0x7F800000> : vector<1xf32>
      %reduce_min3A_104 = vector.multi_reduction <minimumf>, %reduce_min3A, %reduce_min3A_103 [1, 2] : vector<1x256x80xf32> to vector<1xf32>
      %reduce_min3A_105 = vector.shape_cast %reduce_min3A_104 : vector<1xf32> to vector<1x1x1xf32>
      %reduce_min3A_106 = vector.extract %reduce_min3A_105[0, 0, 0] : f32 from vector<1x1x1xf32>
      %eq3A_107 = vector.broadcast %reduce_min3A_106 : f32 to vector<256x80xf32>
      %eq3A_108 = arith.cmpf oeq, %select_n3A_102, %eq3A_107 : vector<256x80xf32>
      %convert_element_type3A_109 = arith.extui %eq3A_108 : vector<256x80xi1> to vector<256x80xi32>
      %convert_element_type3A_110 = arith.sitofp %convert_element_type3A_109 : vector<256x80xi32> to vector<256x80xf32>
      %get3A_111 = arith.constant 0 : index
      %get3A_112 = arith.constant 0 : index
      %get3A_113 = vector.load %arg12[%get3A_111, %get3A_112] : memref<256x80xf32, #tpu.memory_space<vmem>>, vector<256x80xf32>
      %mul3A_114 = arith.mulf %get3A_113, %convert_element_type3A_110 : vector<256x80xf32>
      %reduce_sum3A = vector.shape_cast %mul3A_114 : vector<256x80xf32> to vector<1x256x80xf32>
      %reduce_sum3A_115 = arith.constant dense<0.000000e+00> : vector<1xf32>
      %reduce_sum3A_116 = vector.multi_reduction <add>, %reduce_sum3A, %reduce_sum3A_115 [1, 2] : vector<1x256x80xf32> to vector<1xf32>
      %reduce_sum3A_117 = vector.shape_cast %reduce_sum3A_116 : vector<1xf32> to vector<1x1x1xf32>
      %reduce_sum3A_118 = vector.extract %reduce_sum3A_117[0, 0, 0] : f32 from vector<1x1x1xf32>
      %get3A_119 = arith.constant 0 : index
      %get3A_120 = arith.constant 0 : index
      %get3A_121 = vector.load %arg13[%get3A_119, %get3A_120] : memref<256x80xf32, #tpu.memory_space<vmem>>, vector<256x80xf32>
      %mul3A_122 = arith.mulf %get3A_121, %convert_element_type3A_110 : vector<256x80xf32>
      %reduce_sum3A_123 = vector.shape_cast %mul3A_122 : vector<256x80xf32> to vector<1x256x80xf32>
      %reduce_sum3A_124 = arith.constant dense<0.000000e+00> : vector<1xf32>
      %reduce_sum3A_125 = vector.multi_reduction <add>, %reduce_sum3A_123, %reduce_sum3A_124 [1, 2] : vector<1x256x80xf32> to vector<1xf32>
      %reduce_sum3A_126 = vector.shape_cast %reduce_sum3A_125 : vector<1xf32> to vector<1x1x1xf32>
      %reduce_sum3A_127 = vector.extract %reduce_sum3A_126[0, 0, 0] : f32 from vector<1x1x1xf32>
      %get3A_128 = arith.constant 0 : index
      %get3A_129 = arith.constant 0 : index
      %get3A_130 = vector.load %arg14[%get3A_128, %get3A_129] : memref<256x80xf32, #tpu.memory_space<vmem>>, vector<256x80xf32>
      %mul3A_131 = arith.mulf %get3A_130, %convert_element_type3A_110 : vector<256x80xf32>
      %reduce_sum3A_132 = vector.shape_cast %mul3A_131 : vector<256x80xf32> to vector<1x256x80xf32>
      %reduce_sum3A_133 = arith.constant dense<0.000000e+00> : vector<1xf32>
      %reduce_sum3A_134 = vector.multi_reduction <add>, %reduce_sum3A_132, %reduce_sum3A_133 [1, 2] : vector<1x256x80xf32> to vector<1xf32>
      %reduce_sum3A_135 = vector.shape_cast %reduce_sum3A_134 : vector<1xf32> to vector<1x1x1xf32>
      %reduce_sum3A_136 = vector.extract %reduce_sum3A_135[0, 0, 0] : f32 from vector<1x1x1xf32>
      %get3A_137 = arith.constant 0 : index
      %get3A_138 = arith.constant 0 : index
      %get3A_139 = vector.load %arg15[%get3A_137, %get3A_138] : memref<256x80xf32, #tpu.memory_space<vmem>>, vector<256x80xf32>
      %mul3A_140 = arith.mulf %get3A_139, %convert_element_type3A_110 : vector<256x80xf32>
      %reduce_sum3A_141 = vector.shape_cast %mul3A_140 : vector<256x80xf32> to vector<1x256x80xf32>
      %reduce_sum3A_142 = arith.constant dense<0.000000e+00> : vector<1xf32>
      %reduce_sum3A_143 = vector.multi_reduction <add>, %reduce_sum3A_141, %reduce_sum3A_142 [1, 2] : vector<1x256x80xf32> to vector<1xf32>
      %reduce_sum3A_144 = vector.shape_cast %reduce_sum3A_143 : vector<1xf32> to vector<1x1x1xf32>
      %reduce_sum3A_145 = vector.extract %reduce_sum3A_144[0, 0, 0] : f32 from vector<1x1x1xf32>
      %convert_element_type3A_146 = arith.fptosi %reduce_min3A_106 : f32 to i32
      %jit3A_147 = arith.constant 256 : i32
      %div3A = arith.divsi %convert_element_type3A_146, %jit3A_147 : i32
      %sign3A = arith.constant 0 : i32
      %sign3A_148 = arith.cmpi sgt, %convert_element_type3A_146, %sign3A : i32
      %sign3A_149 = arith.extui %sign3A_148 : i1 to i32
      %sign3A_150 = arith.constant 0 : i32
      %sign3A_151 = arith.cmpi slt, %convert_element_type3A_146, %sign3A_150 : i32
      %sign3A_152 = arith.extui %sign3A_151 : i1 to i32
      %sign3A_153 = arith.subi %sign3A_149, %sign3A_152 : i32
      %sign3A_154 = arith.constant 0 : i32
      %sign3A_155 = arith.cmpi sgt, %jit3A_147, %sign3A_154 : i32
      %sign3A_156 = arith.extui %sign3A_155 : i1 to i32
      %sign3A_157 = arith.constant 0 : i32
      %sign3A_158 = arith.cmpi slt, %jit3A_147, %sign3A_157 : i32
      %sign3A_159 = arith.extui %sign3A_158 : i1 to i32
      %sign3A_160 = arith.subi %sign3A_156, %sign3A_159 : i32
      %ne3A = arith.cmpi ne, %sign3A_153, %sign3A_160 : i32
      %rem3A = arith.remsi %convert_element_type3A_146, %jit3A_147 : i32
      %ne3A_161 = arith.constant 0 : i32
      %ne3A_162 = arith.cmpi ne, %rem3A, %ne3A_161 : i32
      %and3A = arith.andi %ne3A, %ne3A_162 : i1
      %sub3A_163 = arith.constant 1 : i32
      %sub3A_164 = arith.subi %div3A, %sub3A_163 : i32
      %select_n3A_165 = arith.select %and3A, %sub3A_164, %div3A : i32
      %convert_element_type3A_166 = arith.sitofp %select_n3A_165 : i32 to f32
      %reshape3A = vector.broadcast %reduce_sum3A_118 : f32 to vector<1x1xf32>
      %reshape3A_167 = vector.broadcast %reduce_sum3A_127 : f32 to vector<1x1xf32>
      %reshape3A_168 = vector.broadcast %reduce_sum3A_136 : f32 to vector<1x1xf32>
      %reshape3A_169 = vector.broadcast %reduce_sum3A_145 : f32 to vector<1x1xf32>
      %reshape3A_170 = vector.broadcast %reduce_max3A_98 : f32 to vector<1x1xf32>
      %reshape3A_171 = vector.broadcast %convert_element_type3A_166 : f32 to vector<1x1xf32>
      %concatenate3A = tpu.concatenate %reshape3A, %reshape3A_167, %reshape3A_168, %reshape3A_169, %reshape3A_170, %reshape3A_171 in 1 : vector<1x1xf32>, vector<1x1xf32>, vector<1x1xf32>, vector<1x1xf32>, vector<1x1xf32>, vector<1x1xf32> -> vector<1x6xf32>
      %swap3A_172 = arith.index_cast %scan3A_91 : i32 to index
      %swap3A_173 = arith.constant 0 : index
      %swap3A_174 = vector.load %arg6[%swap3A_172, %swap3A_173] : memref<100x6xf32, #tpu.memory_space<vmem>>, vector<1x6xf32>
      tpu.vector_store %arg6[%swap3A_172, %swap3A_173], %concatenate3A {strides = array<i32>} : memref<100x6xf32, #tpu.memory_space<vmem>>, vector<1x6xf32>,
      %add3A_175 = arith.constant 3.000000e+00 : f32
      %add3A_176 = arith.addf %reduce_max3A_98, %add3A_175 : f32
      %mul3A_177 = vector.broadcast %add3A_176 : f32 to vector<256x80xf32>
      %mul3A_178 = arith.mulf %convert_element_type3A_110, %mul3A_177 : vector<256x80xf32>
      %sub3A_179 = arith.subf %get3A_94, %mul3A_178 : vector<256x80xf32>
      %swap3A_180 = arith.constant 0 : index
      %swap3A_181 = arith.constant 0 : index
      %swap3A_182 = vector.load %arg18[%swap3A_180, %swap3A_181] : memref<256x80xf32, #tpu.memory_space<vmem>>, vector<256x80xf32>
      tpu.vector_store %arg18[%swap3A_180, %swap3A_181], %sub3A_179 {strides = array<i32>} : memref<256x80xf32, #tpu.memory_space<vmem>>, vector<256x80xf32>,
    }
    %scan3A_90 = arith.constant 100 : i32
    return
  }
}

</mosaic_0001>

<sc_bundles>
// kernel: kernel.4.cloned.1.call-start
scs
__scs_entry_jumppad:
0x0: {  	(pc) =	sbr.rel $0x88, $3  }
0x1: {  	(tag) =	ssettag $0x0;
	lr =	simm.s32 $0x1  }
0x2: {  	[smem:$0x3F9F] =	sst lr;
	_ =	strace $0xD0000000  }
0x3: {  	_ = 	snop  }
0x4: {  	_ = 	snop  }
0x5: {  	_ = 	snop  }
0x6: {  	_ = 	snop  }
0x7: {  	_ = 	snop  }
__scs_overlays_trampoline_lowered:
0x8: {  	[smem:$0x3FAE] =	sst s0  }
0x9: {  	[smem:$0x3FAF] =	sst s1  }
0xa: {  	[smem:$0x3FB0] =	sst s2  }
0xb: {  	[smem:$0x3FB1] =	sst s3  }
0xc: {  	[smem:$0x3FB2] =	sst s4  }
0xd: {  	[smem:$0x3FB3] =	sst s5  }
0xe: {  	[smem:$0x3FB4] =	sst s6  }
0xf: {  	[smem:$0x3FB5] =	sst s7  }
0x10: {  	[smem:$0x3FB6] =	sst s8  }
0x11: {  	[smem:$0x3FB7] =	sst s9;
	s0 =	simm.s32 @!p0 $0x0  }
0x12: {  	s1 =	sld [smem:$0x3F9D];
	s0 =	simm.s32 @p0 $0x1  }
0x13: {  	[smem:$0x3FB8] =	sst s0;
	s0 =	simm.s32 @!p1 $0x0  }
0x14: {  	s2 =	sld [smem:$0x3F9C];
	s0 =	simm.s32 @p1 $0x1  }
0x15: {  	[smem:$0x3FB9] =	sst s0;
	s0 =	simm.s32 @!p2 $0x0  }
0x16: {  	s3 =	sld [smem:$0x3FDB];
	s0 =	simm.s32 @p2 $0x1  }
0x17: {  	s4 =	simm.s32 $0x1BF5;
	[smem:$0x3FBB] =	sst s0  }
0x18: {  	s0 =	sld [smem:$0x3F9E];
	_ =	swait.ge [sflag:s4], $0x0  }
0x19: {  	s7 =	sld [smem:$0x3F9F]  }
0x1a: {  	s8 =	sadd.s32 $0xFFFFE003, lr  }
0x1b: {  	s9 =	sadd.s32 $0xFFFFFEF7, lr;
	s5 =	simm.s32 $0xFFFFFFFF;
	p2 =	slt.u32 s8, $0xFFFFF086  }
0x1c: {  	p1 =	slt.u32 s9, $0xF7A;
	s5 =	simm.s32 @!p2 $0x0  }
0x1d: {  	s5 =	simm.s32 @p1 $0x1;
	p0 =	seq.s32 s7, s2  }
0x1e: {  	s7 =	smul.u32 @!p0 $0xF7A, s2;
	p2 =	seq.s32 @!p0 s5, $0x0  }
0x1f: {  	s9 =	smul.u32 $0xF7A, s1;
	s8 =	simm.s32 @!p0 $0x1BF5;
	p2 =	por !p2, p0  }
0x20: {  	[sflag:s8] =	ssyncset.s32 @!p0 $0xFFFFF086;
	s6 =	sadd.s32 @!p0 s3, s7;
	s7 =	simm.s32 @!p0 $0x108  }
0x21: {  	s3 =	sadd.s32 s3, s9;
	s6 =	sadd.s32 @!p0 $0x88, s6;
	s7 =	simm.s32 @p2 $0x1082  }
0x22: {  	[simem:s7], [sflag:s8] =	dma.local @!p0 [hbm:s6], $0xF7A  }
0x23: {  	s9 =	sor.u32 $0xD0000000, s2;
	s6 =	simm.s32 $0x108;
	_ =	swait.ge @!p0 [sflag:s8], $0x0  }
0x24: {  	s3 =	sadd.s32 $0x88, s3;
	s6 =	simm.s32 @!p1 $0x1082;
	[sflag:s4] =	ssyncset.s32 $0xFFFFF086  }
0x25: {  	[simem:s6], [sflag:s4] =	dma.local [hbm:s3], $0xF7A  }
0x26: {  	[smem:$0x3F9F] =	sst s1;
	(tag) =	ssettag s2;
	_ =	strace s9  }
0x27: {  	s1 =	sld [smem:$0x3FAF]  }
0x28: {  	s2 =	sld [smem:$0x3FB0]  }
0x29: {  	s4 =	sld [smem:$0x3FB2]  }
0x2a: {  	p0 =	seq.s32 s5, $0x0;
	s5 =	sld [smem:$0x3FB3]  }
0x2b: {  	s6 =	sld [smem:$0x3FB4]  }
0x2c: {  	s7 =	sld [smem:$0x3FB5]  }
0x2d: {  	s3 =	simm.s32 $0x108;
	s8 =	sld [smem:$0x3FB6]  }
0x2e: {  	s3 =	simm.s32 @!p0 $0x1082;
	s9 =	sld [smem:$0x3FB7]  }
0x2f: {  	lr =	sadd.s32 s0, s3;
	s0 =	sld [smem:$0x3FAE]  }
0x30: {  	s3 =	sld [smem:$0x3FB1]  }
0x31: {  	[smem:$0x3FBA] =	sst s10  }
0x32: {  	s10 =	sld [smem:$0x3FB8];
	_ =	sdelay $0x3  }
0x33: {  	p0 =	seq.s32 s10, $0x1;
	s10 =	sld [smem:$0x3FBA];
	_ =	sdelay $0x3  }
0x34: {  	[smem:$0x3FBA] =	sst s10  }
0x35: {  	s10 =	sld [smem:$0x3FB9];
	_ =	sdelay $0x3  }
0x36: {  	p1 =	seq.s32 s10, $0x1;
	s10 =	sld [smem:$0x3FBA];
	_ =	sdelay $0x3  }
0x37: {  	[smem:$0x3FBA] =	sst s10  }
0x38: {  	s10 =	sld [smem:$0x3FBB]  }
0x39: {  	_ = 	snop;
	(pc) =	sbr.ind lr, $3  }
0x3a: {  	_ = 	snop  }
0x3b: {  	_ = 	snop  }
0x3c: {  	p2 =	seq.s32 s10, $0x1;
	s10 =	sld [smem:$0x3FBA]  }
0x3d: {  	_ =	shalt  }
0x3e: {  	_ =	shalt  }
0x3f: {  	_ =	shalt  }
0x40: {  	_ =	shalt  }
0x41: {  	_ =	shalt  }
0x42: {  	_ =	shalt  }
0x43: {  	_ =	shalt  }
0x44: {  	_ =	shalt  }
0x45: {  	_ =	shalt  }
0x46: {  	_ =	shalt  }
0x47: {  	_ =	shalt  }
0x48: {  	_ =	shalt  }
0x49: {  	_ =	shalt  }
0x4a: {  	_ =	shalt  }
0x4b: {  	_ =	shalt  }
0x4c: {  	_ =	shalt  }
0x4d: {  	_ =	shalt  }
0x4e: {  	_ =	shalt  }
0x4f: {  	_ =	shalt  }
0x50: {  	_ =	shalt  }
0x51: {  	_ =	shalt  }
0x52: {  	_ =	shalt  }
0x53: {  	_ =	shalt  }
0x54: {  	_ =	shalt  }
0x55: {  	_ =	shalt  }
0x56: {  	_ =	shalt  }
0x57: {  	_ =	shalt  }
0x58: {  	_ =	shalt  }
0x59: {  	_ =	shalt  }
0x5a: {  	_ =	shalt  }
0x5b: {  	_ =	shalt  }
0x5c: {  	_ =	shalt  }
0x5d: {  	_ =	shalt  }
0x5e: {  	_ =	shalt  }
0x5f: {  	_ =	shalt  }
0x60: {  	_ =	shalt  }
0x61: {  	_ =	shalt  }
0x62: {  	_ =	shalt  }
0x63: {  	_ =	shalt  }
0x64: {  	_ =	shalt  }
0x65: {  	_ =	shalt  }
0x66: {  	_ =	shalt  }
0x67: {  	_ =	shalt  }
0x68: {  	_ =	shalt  }
0x69: {  	_ =	shalt  }
0x6a: {  	_ =	shalt  }
0x6b: {  	_ =	shalt  }
0x6c: {  	_ =	shalt  }
0x6d: {  	_ =	shalt  }
0x6e: {  	_ =	shalt  }
0x6f: {  	_ =	shalt  }
0x70: {  	_ =	shalt  }
0x71: {  	_ =	shalt  }
0x72: {  	_ =	shalt  }
0x73: {  	_ =	shalt  }
0x74: {  	_ =	shalt  }
0x75: {  	_ =	shalt  }
0x76: {  	_ =	shalt  }
0x77: {  	_ =	shalt  }
0x78: {  	_ =	shalt  }
0x79: {  	_ =	shalt  }
0x7a: {  	_ =	shalt  }
0x7b: {  	_ =	shalt  }
0x7c: {  	_ =	shalt  }
0x7d: {  	_ =	shalt  }
0x7e: {  	_ =	shalt  }
0x7f: {  	_ =	shalt  }
0x80: {  	_ =	shalt  }
0x81: {  	_ =	shalt  }
0x82: {  	_ =	shalt  }
0x83: {  	_ =	shalt  }
0x84: {  	_ =	shalt  }
0x85: {  	_ =	shalt  }
0x86: {  	_ =	shalt  }
0x87: {  	_ =	shalt  }
.Lfunc_end0:
.L_simem_size_0:
called_computation_lowered:
.L_overlay_start_0:
0x88: {  	s2 =	sld [smem:$0x3FD9]  }
0x89: {  	s3 =	sld [smem:$0x3FFE];
	_ =	sdelay $0x1  }
0x8a: {  	s1 =	srdreg.scid  }
0x8b: {  	s0 =	sand.u32 $0x1, s1  }
0x8c: {  	s17 =	sshll.u32 s0, $0xA;
	s2 =	sadd.s32 s3, s2  }
0x8d: {  	s2 =	sadd.s32 s2, s17  }
0x8e: {  	[smem:$0x3FC6] =	sst s2  }
0x8f: {  	_ = 	snop  }
0x90: {  	s2 =	sld [smem:$0x3FC9]  }
0x91: {  	s18 =	sld [smem:$0x3FC8];
	(tm) =	ssettm $0x1  }
0x92: {  	s4 =	sld [smem:$0x3FFB];
	_ =	sdelay $0x3  }
0x93: {  	_ =	strace s4  }
0x94: {  	s4 =	sld [smem:$0x3FFC];
	_ =	sdelay $0x3  }
0x95: {  	_ =	strace s4  }
0x96: {  	s4 =	sld [smem:$0x3FFD];
	_ =	sdelay $0x3  }
0x97: {  	_ =	strace s4  }
0x98: {  	_ =	strace $0x8FFFFFFF  }
0x99: {  	s19 =	sld [smem:$0x3FDB];
	_ =	sdelay $0x1  }
0x9a: {  	s5 =	simm.s32 $_scs_section_size  }
0x9b: {  	s6 =	simm.s32 $_size__tile_overlayer_lowered;
	s7 =	simm.s32 $_tile_overlayer_lowered  }
0x9c: {  	s22 =	simm.s32 $0x1BFF;
	s21 =	sshll.u32 s7, $0x1;
	s4 =	sadd.s32 s5, s19  }
0x9d: {  	s8 =	simm.s32 $0x0;
	s20 =	sshll.u32 s6, $0x1;
	s6 =	sadd.s32 s21, s4  }
0x9e: {  	[timem:s8], [sflag:s22] =	dma.local [hbm:s6], s20  }
0x9f: {  	_ =	swait.ge [sflag:s22], s20  }
0xa0: {  	s5 =	ssub.s32 $0x0, s20;
	[sflag:s22] =	ssyncset.done $0x0  }
0xa1: {  	[sflag:s22] =	ssyncadd.s32 s5;
	_ =	sdelay $0x1  }
0xa2: {  	s23 =	simm.s32 $0x1B8B  }
0xa3: {  	_ =	swait.ge [sflag:s23], $0x1  }
0xa4: {  	[sflag:s23] =	ssyncset.done $0x0  }
0xa5: {  	s25 =	simm.s32 $0x1B8E;
	s24 =	sld [smem:$0x3FFE];
	[sflag:s23] =	ssyncadd.s32 $0xFFFFFFFF  }
0xa6: {  	s26 =	simm.s32 $execute0_lowered;
	[smem:$0x3FD2] =	sst s25  }
0xa7: {  	s6 =	sshll.u32 s26, $0x1;
	_ =	strace $0x80000046;
	[dreg:$0x1] =	wrdreg $0xFFFFFFFF  }
0xa8: {  	s28 =	simm.s32 $_size_execute0_lowered;
	s4 =	sadd.s32 s4, s6;
	[dreg:$0x0] =	wrdreg $0x0  }
0xa9: {  	s6 =	sshll.u32 s28, $0x1;
	[dreg:$0x2] =	wrdreg s4  }
0xaa: {  	[dreg:$0x3] =	wrdreg s6  }
0xab: {  	[dreg:$0x4] =	wrdreg $0xC0  }
0xac: {  	_ =	task [dreg:s8], $0x5FFFF  }
0xad: {  	[dreg:$0x1] =	wrdreg $0xFFFFFFFF  }
0xae: {  	[dreg:$0x0] =	wrdreg $0x60  }
0xaf: {  	[dreg:$0x2] =	wrdreg s18  }
0xb0: {  	[dreg:$0x3] =	wrdreg s2  }
0xb1: {  	[dreg:$0x4] =	wrdreg s24  }
0xb2: {  	[dreg:$0x5] =	wrdreg $0x9  }
0xb3: {  	_ =	task.clear_ibuf [dreg:s8], $0x6FFFF;
	_ =	strace $0x90000046  }
0xb4: {  	s29 =	simm.s32 $0x9;
	_ =	strace $0x80000048  }
0xb5: {  	_ =	swait.ge [sflag:s29], $0x1  }
0xb6: {  	[sflag:s29] =	ssyncadd.s32 $0xFFFFFFFF  }
0xb7: {  	_ =	strace $0x90000048  }
0xb8: {  	_ =	sfence  }
0xb9: {  	s30 =	sld [smem:$0x0];
	_ =	sdelay $0x2  }
0xba: {  	s31 =	sshll.u32 s1, $0xD;
	s1 =	sshrl.u32 s1, $0x2  }
0xbb: {  	s3 =	sand.u32 $0x4000, s31;
	s1 =	sadd.s32 s1, s30  }
0xbc: {  	s0 =	sor.u32 s3, s0;
	s1 =	sshll.u32 s1, $0x11  }
0xbd: {  	s0 =	sor.u32 s1, s0  }
0xbe: {  	s0 =	sadd.s32 $0x8F2B, s0  }
0xbf: {  	[sflag:s0] =	ssyncadd.remote.s32 $0x1  }
0xc0: {  	_ =	sfence.sel $0xFFFF  }
0xc1: {  	[dreg:$0x0] =	wrdreg $0xFFFFFFFF;
	(pc) =	sbr.abs _section_cstart, $3  }
0xc2: {  	[dreg:$0x1] =	wrdreg $0xFFFFFFFF  }
0xc3: {  	_ =	task.clear_ibuf [dreg:s8], $0x2FFFF;
	_ =	strace $0x9FFFFFFF  }
0xc4: {  	(tm) =	ssettm $0x7FFFFFFF  }
0xc5: {  	_ =	shalt  }
tec
execute0_lowered:
.L_overlay_start_1:
0x0: {  	(tag) =	ssettag $0x1  }
0x1: {  	s0 =	rddreg [dreg:$0x0]  }
0x2: {  	s3 =	rddreg [dreg:$0x2]  }
0x3: {  	s2 =	simm.s32 $0x0;
	s4 =	srdreg.scid;
	s1 =	stileid.u32  }
0x4: {  	[smem:$0x7FF] =	sst s2;
	s13 =	sadd.s32 $0x5800, s3;
	s14 =	sadd.s32 $0xC00, s3  }
0x5: {  	s3 =	sadd.s32 $0x1C00, s3;
	s5 =	sshrl.u32 s1, $0x2;
	s29 =	smul.u32 $0x300, s1  }
0x6: {  	s15 =	sand.u32 $0x1, s4;
	s19 =	sshll.u32 s1, $0x1;
	s20 =	smul.u32 $0x27400, s5  }
0x7: {  	p0 =	sgt.u32 s1, $0x7;
	_ =	strace $0x80000047;
	s5 =	smul.u32 $0xC00, s5  }
0x8: {  	s6 =	ssub.s32 $0x2, s15;
	s8 =	sor.u32 s15, s19;
	s31 =	smul.u32 $0x180, s15  }
0x9: {  	s7 =	sshrl.u32 s6, $0x1;
	s21 =	sor.u32 $0x20, s8;
	s11 =	smul.u32 $0xC0, s8  }
0xa: {  	s9 =	sshll.u32 s8, $0x7;
	s18 =	sor.u32 $0x40, s8;
	s25 =	smul.u32 $0xC0, s21  }
0xb: {  	s22 =	sshrl.u32 s21, $0x3;
	s19 =	sshrl.u32 s18, $0x3;
	s18 =	smul.u32 $0xC0, s18  }
0xc: {  	s16 =	ssub.s32 s6, s7;
	s12 =	sand.u32 $0x380, s9;
	s10 =	smul.u32 $0x27400, s22  }
0xd: {  	s21 =	simm.s32 $0x400;
	s4 =	sor.u32 s20, s12;
	s17 =	smul.u32 $0xC00, s22  }
0xe: {  	s5 =	sor.u32 s5, s12;
	s7 =	sadd.s32 s3, s11;
	s20 =	smul.u32 $0x27400, s19  }
0xf: {  	s19 =	smul.u32 $0xC00, s19;
	s16 =	smax.u32 s16, $0x1;
	s22 =	simm.s32 $0x18880  }
0x10: {  	s4 =	sshrl.u32 s4, $0x3;
	s23 =	sshrl.u32 s5, $0x3;
	s11 =	sadd.s32 s3, s25  }
0x11: {  	s15 =	sadd.s32 s3, s18;
	s18 =	simm.s32 $0x4E80;
	s25 =	simm.s32 $0x19C80  }
0x12: {  	s4 =	sadd.s32 s0, s4;
	s5 =	sadd.s32 s13, s23;
	s6 =	sadd.s32 s14, s23  }
0x13: {  	s10 =	sor.u32 s12, s10;
	s24 =	sor.u32 s12, s17;
	s28 =	sor.u32 s12, s20  }
0x14: {  	s19 =	sor.u32 s12, s19;
	s20 =	simm.s32 $0x80;
	s23 =	simm.s32 $0x19880  }
.Ltmp0:
0x15: {  	s10 =	sshrl.u32 s10, $0x3;
	s26 =	sshrl.u32 s24, $0x3;
	(pc) =	sbr.rel .LBB2_1-.Ltmp0, $4  }
0x16: {  	s17 =	sshrl.u32 s28, $0x3;
	s30 =	sshrl.u32 s19, $0x3;
	s19 =	simm.s32 $0x1  }
0x17: {  	s24 =	simm.s32 $0x19A80;
	s8 =	sadd.s32 s0, s10;
	s9 =	sadd.s32 s13, s26  }
0x18: {  	v0 =	vimm.s32 $0x0;
	v1 =	vlaneseq.u32;
	s10 =	sadd.s32 s14, s26;
	s12 =	sadd.s32 s0, s17;
	s13 =	sadd.s32 s13, s30  }
0x19: {  	v2 =	vimm.s32 $0x1;
	v3 =	vimm.f32 $-2.000000000e+00;
	vm0 =	vmxor vm0, vm0;
	s14 =	sadd.s32 s14, s30;
	s17 =	sadd.s32 s31, s29;
	s26 =	simm.s32 $0x0  }
.LBB2_38:
0x1a: {  	s1 =	sshra.s32 s28, $0x2;
	[tilespmem:s3+$0x180] =	vst v4  }
0x1b: {  	v4 =	vld [tilespmem:s1+$0x19A80];
	_ =	sdelay $0x4  }
0x1c: {  	v5 =	vshll.u32 v4, $0x2  }
0x1d: {  	v4 =	vand.u32 $0x7F, v4;
	v5 =	vand.u32 $0xFFFFFE00, v5  }
0x1e: {  	v4 =	vor.u32 v4, v5;
	_ =	sdelay $0x4  }
0x1f: {  	v5 =	vld.idx.msk [tilespmem:v4+s18+$0x0], $0xffff  }
0x20: {  	v6 =	vor.u32 $0x80, v4;
	_ =	sdelay $0x1  }
0x21: {  	s0 =	sand.u32 $0x70, s0;
	s31 =	sand.u32 $0x600, s28  }
0x22: {  	s0 =	sor.u32 s0, s31  }
0x23: {  	[tilespmem:s0+$0x19C80] =	vst v5  }
0x24: {  	v5 =	vld.idx.msk [tilespmem:v6+s18+$0x0], $0xffff  }
0x25: {  	v63 =	vor.u32 $0x100, v4;
	_ =	sdelay $0x2  }
0x26: {  	s0 =	sadd.s32 $0x19C80, s0  }
0x27: {  	[tilespmem:s0+$0x80] =	vst v5  }
0x28: {  	v5 =	vld.idx.msk [tilespmem:v63+s18+$0x0], $0xffff  }
0x29: {  	v4 =	vor.u32 $0x180, v4;
	_ =	sdelay $0x3  }
0x2a: {  	[tilespmem:s0+$0x100] =	vst v5  }
0x2b: {  	v4 =	vld.idx.msk [tilespmem:v4+s18+$0x0], $0xffff;
	_ =	sdelay $0x4  }
0x2c: {  	[tilespmem:s0+$0x180] =	vst v4  }
0x2d: {  	[hbm4b:s13+s20] =	stream.strided.scatter [tilespmem:s23], [sflag:$0x1], $0x180, s21, s20, $0x38;
	[tilespmem:$0x1A280] =	vst v63  }
0x2e: {  	_ =	swait.ge [sflag:s19], $0x180  }
0x2f: {  	[sflag:s19] =	ssyncset.done $0x0  }
0x30: {  	[sflag:s19] =	ssyncadd.s32 $0xFFFFFE80  }
0x31: {  	[hbm4b:s14+s20] =	stream.strided.scatter [tilespmem:s24], [sflag:$0x1], $0x180, s21, s20, $0x38;
	[tilespmem:$0x1A280] =	vst v63  }
0x32: {  	_ =	swait.ge [sflag:s19], $0x180  }
0x33: {  	[sflag:s19] =	ssyncset.done $0x0  }
0x34: {  	[sflag:s19] =	ssyncadd.s32 $0xFFFFFE80  }
0x35: {  	[hbm4b:s15+s2] =	stream.linear.scatter [tilespmem:s25], [sflag:$0x1], $0x600, $0x38;
	[tilespmem:$0x1A280] =	vst v63  }
0x36: {  	_ =	swait.ge [sflag:s19], $0x600  }
0x37: {  	[sflag:s19] =	ssyncset.done $0x0  }
0x38: {  	[sflag:s19] =	ssyncadd.s32 $0xFFFFFA00  }
.LBB2_39:
0x39: {  	s26 =	sadd.s32 $0x1, s26  }
0x3a: {  	p1 =	sne.s32 s26, s16  }
.Ltmp1:
0x3b: {  	_ = 	snop;
	(pc) =	sbr.rel @!p1 .LBB2_40-.Ltmp1, $1  }
0x3c: {  	_ =	sdelay $0x3  }
.LBB2_1:
0x3d: {  	s0 =	rddreg [dreg:$0x1]  }
0x3e: {  	[tilespmem:s18], [sflag:$0x1] =	stream.linear.gather [hbm4b:s0+s2], $0x13A00, $0x38;
	[tilespmem:$0x1A280] =	vst v63  }
0x3f: {  	_ =	swait.ge [sflag:s19], $0x13A00  }
0x40: {  	[sflag:s19] =	ssyncset.done $0x0  }
0x41: {  	[sflag:s19] =	ssyncadd.s32 $0xFFFEC600  }
0x42: {  	[tilespmem:s2], [sflag:$0x1] =	stream.strided.gather [hbm4b:s4+s20], $0x4E80, s21, s20, $0x38;
	[tilespmem:$0x1A280] =	vst v63  }
0x43: {  	_ =	swait.ge [sflag:s19], $0x4E80  }
0x44: {  	[sflag:s19] =	ssyncset.done $0x0  }
0x45: {  	s3 =	simm.s32 $0x0;
	s0 =	simm.s32 $0x40;
	[sflag:s19] =	ssyncadd.s32 $0xFFFFB180  }
.LBB2_2:
0x46: {  	p1 =	sne.s32 s0, $0x3FC0;
	[tilespmem:s3+$0x18880] =	vst v0;
	s3 =	smov.u32 s0;
	s0 =	sadd.s32 $0x40, s0  }
.Ltmp2:
0x47: {  	(pc) =	sbr.rel @p1 .LBB2_2-.Ltmp2, $2  }
0x48: {  	_ =	sdelay $0x2  }
0x49: {  	s3 =	sshra.s32 s3, $0x2  }
0x4a: {  	[tilespmem:s3+$0x18880] =	vst v0;
	s0 =	simm.s32 $0x0;
	s3 =	simm.s32 $0x0  }
.LBB2_4:
0x4b: {  	s28 =	sshra.s32 s3, $0x2  }
0x4c: {  	v4 =	vld [tilespmem:s28+$0x0];
	_ =	sdelay $0x4  }
0x4d: {  	v4 =	vmul.f32 $2.560000000e+02, v4;
	_ =	sdelay $0x1  }
0x4e: {  	v4 =	vtrunc.f32 v4  }
0x4f: {  	v4 =	vcvt.f32.s32 v4;
	_ =	sdelay $0x1  }
0x50: {  	vm1 =	vlt.s32 v4, $0xFF  }
0x51: {  	v4 =	vnsel vm1, $0xFF, v4  }
0x52: {  	v4 =	vshll.u32 v4, $0x4  }
0x53: {  	v4 =	vor.u32 v1, v4;
	_ =	sdelay $0x4  }
0x54: {  	[tilespmem:v4+s22+$0x0] =	vst.idx.add.s32.msk $0xffff, v2  }
0x55: {  	v4 =	vld [tilespmem:s28+$0x10];
	_ =	sdelay $0x4  }
0x56: {  	v4 =	vmul.f32 $2.560000000e+02, v4;
	_ =	sdelay $0x1  }
0x57: {  	v4 =	vtrunc.f32 v4  }
0x58: {  	v4 =	vcvt.f32.s32 v4;
	_ =	sdelay $0x1  }
0x59: {  	vm1 =	vlt.s32 v4, $0xFF  }
0x5a: {  	v4 =	vnsel vm1, $0xFF, v4  }
0x5b: {  	v4 =	vshll.u32 v4, $0x4  }
0x5c: {  	v4 =	vor.u32 v1, v4;
	_ =	sdelay $0x4  }
0x5d: {  	[tilespmem:v4+s22+$0x0] =	vst.idx.add.s32.msk $0xffff, v2  }
0x5e: {  	v4 =	vld [tilespmem:s28+$0x20];
	_ =	sdelay $0x4  }
0x5f: {  	v4 =	vmul.f32 $2.560000000e+02, v4;
	_ =	sdelay $0x1  }
0x60: {  	v4 =	vtrunc.f32 v4  }
0x61: {  	v4 =	vcvt.f32.s32 v4;
	_ =	sdelay $0x1  }
0x62: {  	vm1 =	vlt.s32 v4, $0xFF  }
0x63: {  	v4 =	vnsel vm1, $0xFF, v4  }
0x64: {  	v4 =	vshll.u32 v4, $0x4  }
0x65: {  	v4 =	vor.u32 v1, v4;
	_ =	sdelay $0x4  }
0x66: {  	[tilespmem:v4+s22+$0x0] =	vst.idx.add.s32.msk $0xffff, v2  }
0x67: {  	v4 =	vld [tilespmem:s28+$0x30];
	_ =	sdelay $0x4  }
0x68: {  	v4 =	vmul.f32 $2.560000000e+02, v4;
	_ =	sdelay $0x1  }
0x69: {  	v4 =	vtrunc.f32 v4  }
0x6a: {  	v4 =	vcvt.f32.s32 v4;
	_ =	sdelay $0x1  }
0x6b: {  	vm1 =	vlt.s32 v4, $0xFF  }
0x6c: {  	v4 =	vnsel vm1, $0xFF, v4  }
0x6d: {  	v4 =	vshll.u32 v4, $0x4  }
0x6e: {  	v4 =	vor.u32 v1, v4;
	_ =	sdelay $0x4  }
0x6f: {  	[tilespmem:v4+s22+$0x0] =	vst.idx.add.s32.msk $0xffff, v2  }
0x70: {  	v4 =	vld [tilespmem:s28+$0x40];
	_ =	sdelay $0x4  }
0x71: {  	v4 =	vmul.f32 $2.560000000e+02, v4;
	_ =	sdelay $0x1  }
0x72: {  	v4 =	vtrunc.f32 v4  }
0x73: {  	v4 =	vcvt.f32.s32 v4;
	_ =	sdelay $0x1  }
0x74: {  	vm1 =	vlt.s32 v4, $0xFF  }
0x75: {  	v4 =	vnsel vm1, $0xFF, v4  }
0x76: {  	v4 =	vshll.u32 v4, $0x4  }
0x77: {  	p1 =	sne.s32 s3, $0x13740;
	v4 =	vor.u32 v1, v4  }
.Ltmp3:
0x78: {  	_ = 	snop;
	(pc) =	sbr.rel @p1 .LBB2_4-.Ltmp3, $2  }
0x79: {  	_ =	sdelay $0x2  }
0x7a: {  	s3 =	sadd.s32 $0x140, s3;
	[tilespmem:v4+s22+$0x0] =	vst.idx.add.s32.msk $0xffff, v2  }
0x7b: {  	s3 =	simm.s32 $0x100;
	s28 =	simm.s32 $0x19870  }
.LBB2_6:
0x7c: {  	v4 =	vld [tilespmem:s28+$0x0];
	_ =	sdelay $0x4  }
0x7d: {  	(xrf0) =	vadd.scan.msk.s32 $0xffff, v4;
	_ =	sdelay $0x5  }
0x7e: {  	v4, _, _ =	vpop (xrf0)  }
0x7f: {  	(v2sf) =	vpush v4, $0xF;
	_ =	sdelay $0xe  }
0x80: {  	s29 =	spop (v2sf)  }
0x81: {  	s0 =	sadd.s32 s0, s29  }
0x82: {  	p1 =	slt.s32 s0, $0x100  }
.Ltmp4:
0x83: {  	_ = 	snop;
	(pc) =	sbr.rel @p1 .LBB2_6-.Ltmp4, $2  }
0x84: {  	_ =	sdelay $0x2  }
0x85: {  	s3 =	sadd.s32 $0xFFFFFFFF, s3;
	s28 =	sadd.s32 $0xFFFFFFF0, s28  }
0x86: {  	s0 =	simm.s32 $0x40;
	v4 =	vor.u32 s17, v1;
	s29 =	simm.s32 $0x0;
	s28 =	smov.u32 s17  }
.LBB2_8:
0x87: {  	p1 =	seq.s32 s0, $0x600  }
0x88: {  	[tilespmem:s29+$0x19A80] =	vst v4;
	s28 =	sadd.s32 $0x10, s28;
	s30 =	smov.u32 s0;
	s0 =	sadd.s32 $0x40, s0  }
.Ltmp5:
0x89: {  	[tilespmem:s29+$0x19880] =	vst v3;
	(pc) =	sbr.rel @!p1 .LBB2_8-.Ltmp5, $2  }
0x8a: {  	_ =	sdelay $0x2  }
0x8b: {  	v4 =	vor.u32 s28, v1;
	s29 =	sshra.s32 s30, $0x2  }
0x8c: {  	[tilespmem:s29+$0x19A80] =	vst v4  }
0x8d: {  	[tilespmem:s29+$0x19880] =	vst v3;
	s1 =	simm.s32 $0x20  }
0x8e: {  	s0 =	scvt.s32.f32 s3;
	v5 =	vld [tilespmem:s1+$0xFFFFFFE0];
	_ =	sdelay $0x1  }
0x8f: {  	s0 =	smul.f32 $3.906250000e-03, s0;
	_ =	sdelay $0x1  }
0x90: {  	p1 =	por $0x1, $0x1;
	vm1 =	vmmov vm0;
	v4 =	vmov s0  }
0x91: {  	vm1 =	vmneg @p1 vm1;
	vm2 =	vge.f32 v5, v4  }
0x92: {  	vm1 =	vmand vm1, vm2  }
0x93: {  	v6 =	vsel vm1, $0x1, v0  }
0x94: {  	(xrf0) =	vadd.scan.msk.s32 $0xffff, v6;
	_ =	sdelay $0x5  }
0x95: {  	v6, _, _ =	vpop (xrf0)  }
0x96: {  	(v2sf) =	vpush v6, $0xF;
	_ =	sdelay $0x9  }
0x97: {  	s28 =	simm.s32 $0x0;
	s29 =	simm.s32 $0x0  }
0x98: {  	[tilespmem:s28+$0x19880] =	vst.msk vm1, v5;
	v5 =	vor.u32 s29, v1  }
0x99: {  	[tilespmem:s28+$0x19A80] =	vst.msk vm1, v5  }
0x9a: {  	v5 =	vld [tilespmem:s1+$0xFFFFFFF0];
	_ =	sdelay $0x1  }
0x9b: {  	s29 =	spop (v2sf)  }
0x9c: {  	s29 =	sadd.s32 $0x0, s29  }
0x9d: {  	vm1 =	vmmov vm0;
	p1 =	slt.s32 s29, $0x180  }
0x9e: {  	vm2 =	vge.f32 v5, v4;
	vm1 =	vmneg @p1 vm1  }
0x9f: {  	vm1 =	vmand vm2, vm1  }
0xa0: {  	v6 =	vsel vm1, $0x1, v0  }
0xa1: {  	(xrf0) =	vadd.scan.msk.s32 $0xffff, v6;
	_ =	sdelay $0x5  }
0xa2: {  	v6, _, _ =	vpop (xrf0)  }
0xa3: {  	(v2sf) =	vpush v6, $0xF;
	_ =	sdelay $0x9  }
0xa4: {  	s30 =	simm.s32 $0x10  }
0xa5: {  	[tilespmem:s29+$0x19880] =	vst.msk vm1, v5;
	v5 =	vor.u32 s30, v1  }
0xa6: {  	[tilespmem:s29+$0x19A80] =	vst.msk vm1, v5  }
0xa7: {  	v5 =	vld [tilespmem:s1+$0x0];
	_ =	sdelay $0x1  }
0xa8: {  	s30 =	spop (v2sf)  }
0xa9: {  	s29 =	sadd.s32 s29, s30  }
0xaa: {  	vm1 =	vmmov vm0;
	p1 =	slt.s32 s29, $0x180  }
0xab: {  	vm2 =	vge.f32 v5, v4;
	vm1 =	vmneg @p1 vm1  }
0xac: {  	vm1 =	vmand vm2, vm1  }
0xad: {  	v6 =	vsel vm1, $0x1, v0  }
0xae: {  	(xrf0) =	vadd.scan.msk.s32 $0xffff, v6;
	_ =	sdelay $0x5  }
0xaf: {  	v6, _, _ =	vpop (xrf0)  }
0xb0: {  	(v2sf) =	vpush v6, $0xF;
	_ =	sdelay $0x9  }
0xb1: {  	s30 =	simm.s32 $0x20  }
0xb2: {  	[tilespmem:s29+$0x19880] =	vst.msk vm1, v5;
	v5 =	vor.u32 s30, v1  }
0xb3: {  	[tilespmem:s29+$0x19A80] =	vst.msk vm1, v5  }
0xb4: {  	v5 =	vld [tilespmem:s1+$0x10];
	_ =	sdelay $0x1  }
0xb5: {  	s30 =	spop (v2sf)  }
0xb6: {  	s29 =	sadd.s32 s29, s30  }
0xb7: {  	vm1 =	vmmov vm0;
	p1 =	slt.s32 s29, $0x180  }
0xb8: {  	vm2 =	vge.f32 v5, v4;
	vm1 =	vmneg @p1 vm1  }
0xb9: {  	vm1 =	vmand vm2, vm1  }
0xba: {  	v6 =	vsel vm1, $0x1, v0  }
0xbb: {  	(xrf0) =	vadd.scan.msk.s32 $0xffff, v6;
	_ =	sdelay $0x5  }
0xbc: {  	v6, _, _ =	vpop (xrf0)  }
0xbd: {  	(v2sf) =	vpush v6, $0xF;
	_ =	sdelay $0x9  }
0xbe: {  	s30 =	simm.s32 $0x30  }
0xbf: {  	[tilespmem:s29+$0x19880] =	vst.msk vm1, v5;
	v5 =	vor.u32 s30, v1  }
0xc0: {  	[tilespmem:s29+$0x19A80] =	vst.msk vm1, v5  }
0xc1: {  	v5 =	vld [tilespmem:s1+$0x20];
	_ =	sdelay $0x1  }
0xc2: {  	s1 =	spop (v2sf)  }
0xc3: {  	s3 =	sadd.s32 s29, s1  }
0xc4: {  	vm1 =	vmmov vm0;
	p1 =	slt.s32 s3, $0x180  }
0xc5: {  	vm2 =	vge.f32 v5, v4;
	vm1 =	vmneg @p1 vm1  }
0xc6: {  	vm1 =	vmand vm2, vm1  }
0xc7: {  	v6 =	vsel vm1, $0x1, v0  }
0xc8: {  	(xrf0) =	vadd.scan.msk.s32 $0xffff, v6;
	_ =	sdelay $0x5  }
0xc9: {  	v6, _, _ =	vpop (xrf0)  }
0xca: {  	(v2sf) =	vpush v6, $0xF;
	_ =	sdelay $0xa  }
0xcb: {  	s0 =	simm.s32 $0x40  }
0xcc: {  	[tilespmem:s3+$0x19880] =	vst.msk vm1, v5;
	v5 =	vor.u32 s0, v1  }
0xcd: {  	s30 =	simm.s32 $0x70;
	[tilespmem:s3+$0x19A80] =	vst.msk vm1, v5  }
0xce: {  	v5 =	vld [tilespmem:s30+$0xFFFFFFE0]  }
0xcf: {  	s31 =	simm.s32 $0xE0;
	s29 =	simm.s32 $0x90;
	s0 =	spop (v2sf)  }
.LBB2_10:
0xd0: {  	p1 =	sne.s32 s31, $0x4E10  }
0xd1: {  	s3 =	sadd.s32 s3, s0;
	s0 =	smov.u32 s31;
	s31 =	sadd.s32 $0x50, s31  }
0xd2: {  	vm2 =	vmmov vm0;
	p2 =	slt.s32 s3, $0x180  }
0xd3: {  	vm1 =	vge.f32 v5, v4;
	vm2 =	vmneg @p2 vm2  }
0xd4: {  	s1 =	sadd.s32 $0xFFFFFFC0, s29;
	vm1 =	vmand vm2, vm1  }
0xd5: {  	[tilespmem:s3+$0x19880] =	vst.msk vm1, v5;
	v5 =	vor.u32 s1, v1;
	v6 =	vsel vm1, $0x1, v0  }
0xd6: {  	[tilespmem:s3+$0x19A80] =	vst.msk vm1, v5;
	(xrf0) =	vadd.scan.msk.s32 $0xffff, v6  }
0xd7: {  	v5 =	vld [tilespmem:s30+$0xFFFFFFF0];
	_ =	sdelay $0x4  }
0xd8: {  	v6, _, _ =	vpop (xrf0)  }
0xd9: {  	(v2sf) =	vpush v6, $0xF;
	_ =	sdelay $0xe  }
0xda: {  	s1 =	spop (v2sf)  }
0xdb: {  	s1 =	sadd.s32 s3, s1  }
0xdc: {  	vm2 =	vmmov vm0;
	p2 =	slt.s32 s1, $0x180  }
0xdd: {  	vm1 =	vge.f32 v5, v4;
	vm2 =	vmneg @p2 vm2  }
0xde: {  	s3 =	sadd.s32 $0xFFFFFFD0, s29;
	vm1 =	vmand vm1, vm2  }
0xdf: {  	[tilespmem:s1+$0x19880] =	vst.msk vm1, v5;
	v5 =	vor.u32 s3, v1;
	v6 =	vsel vm1, $0x1, v0  }
0xe0: {  	[tilespmem:s1+$0x19A80] =	vst.msk vm1, v5;
	(xrf0) =	vadd.scan.msk.s32 $0xffff, v6  }
0xe1: {  	v5 =	vld [tilespmem:s30+$0x0];
	_ =	sdelay $0x4  }
0xe2: {  	v6, _, _ =	vpop (xrf0)  }
0xe3: {  	(v2sf) =	vpush v6, $0xF;
	_ =	sdelay $0xe  }
0xe4: {  	s3 =	spop (v2sf)  }
0xe5: {  	s1 =	sadd.s32 s1, s3  }
0xe6: {  	vm2 =	vmmov vm0;
	p2 =	slt.s32 s1, $0x180  }
0xe7: {  	vm1 =	vge.f32 v5, v4;
	vm2 =	vmneg @p2 vm2  }
0xe8: {  	s3 =	sadd.s32 $0xFFFFFFE0, s29;
	vm1 =	vmand vm1, vm2  }
0xe9: {  	[tilespmem:s1+$0x19880] =	vst.msk vm1, v5;
	v5 =	vor.u32 s3, v1;
	v6 =	vsel vm1, $0x1, v0  }
0xea: {  	[tilespmem:s1+$0x19A80] =	vst.msk vm1, v5;
	(xrf0) =	vadd.scan.msk.s32 $0xffff, v6  }
0xeb: {  	v5 =	vld [tilespmem:s30+$0x10];
	_ =	sdelay $0x4  }
0xec: {  	v6, _, _ =	vpop (xrf0)  }
0xed: {  	(v2sf) =	vpush v6, $0xF;
	_ =	sdelay $0xe  }
0xee: {  	s3 =	spop (v2sf)  }
0xef: {  	s1 =	sadd.s32 s1, s3  }
0xf0: {  	vm2 =	vmmov vm0;
	p2 =	slt.s32 s1, $0x180  }
0xf1: {  	vm1 =	vge.f32 v5, v4;
	vm2 =	vmneg @p2 vm2  }
0xf2: {  	s3 =	sadd.s32 $0xFFFFFFF0, s29;
	vm1 =	vmand vm1, vm2  }
0xf3: {  	[tilespmem:s1+$0x19880] =	vst.msk vm1, v5;
	v5 =	vor.u32 s3, v1;
	v6 =	vsel vm1, $0x1, v0  }
0xf4: {  	[tilespmem:s1+$0x19A80] =	vst.msk vm1, v5;
	(xrf0) =	vadd.scan.msk.s32 $0xffff, v6  }
0xf5: {  	v5 =	vld [tilespmem:s30+$0x20];
	_ =	sdelay $0x4  }
0xf6: {  	v6, _, _ =	vpop (xrf0)  }
0xf7: {  	(v2sf) =	vpush v6, $0xF;
	_ =	sdelay $0xe  }
0xf8: {  	s3 =	spop (v2sf)  }
0xf9: {  	s3 =	sadd.s32 s1, s3  }
0xfa: {  	vm2 =	vmmov vm0;
	p2 =	slt.s32 s3, $0x180  }
0xfb: {  	vm1 =	vge.f32 v5, v4;
	vm2 =	vmneg @p2 vm2  }
0xfc: {  	vm1 =	vmand vm1, vm2  }
0xfd: {  	[tilespmem:s3+$0x19880] =	vst.msk vm1, v5;
	v5 =	vor.u32 s29, v1;
	v6 =	vsel vm1, $0x1, v0;
	s29 =	smov.u32 s0  }
0xfe: {  	[tilespmem:s3+$0x19A80] =	vst.msk vm1, v5;
	(xrf0) =	vadd.scan.msk.s32 $0xffff, v6;
	_ =	sdelay $0x5  }
0xff: {  	v5, _, _ =	vpop (xrf0)  }
0x100: {  	(v2sf) =	vpush v5, $0xF;
	_ =	sdelay $0xa  }
.Ltmp6:
0x101: {  	(pc) =	sbr.rel @p1 .LBB2_10-.Ltmp6, $3  }
0x102: {  	s30 =	sadd.s32 $0x50, s30  }
0x103: {  	v5 =	vld [tilespmem:s30+$0xFFFFFFE0];
	_ =	sdelay $0x1  }
0x104: {  	s0 =	spop (v2sf)  }
0x105: {  	s0 =	sadd.s32 s3, s0  }
0x106: {  	vm1 =	vmmov vm0;
	p1 =	slt.s32 s0, $0x180  }
0x107: {  	vm2 =	vge.f32 v5, v4;
	vm1 =	vmneg @p1 vm1  }
0x108: {  	vm1 =	vmand vm1, vm2  }
0x109: {  	v6 =	vsel vm1, $0x1, v0  }
0x10a: {  	(xrf0) =	vadd.scan.msk.s32 $0xffff, v6;
	_ =	sdelay $0x5  }
0x10b: {  	v6, _, _ =	vpop (xrf0)  }
0x10c: {  	(v2sf) =	vpush v6, $0xF;
	_ =	sdelay $0x9  }
0x10d: {  	s1 =	sadd.s32 $0xFFFFFFC0, s29  }
0x10e: {  	[tilespmem:s0+$0x19880] =	vst.msk vm1, v5;
	v5 =	vor.u32 s1, v1  }
0x10f: {  	[tilespmem:s0+$0x19A80] =	vst.msk vm1, v5  }
0x110: {  	v5 =	vld [tilespmem:s30+$0xFFFFFFF0];
	_ =	sdelay $0x1  }
0x111: {  	s31 =	spop (v2sf)  }
0x112: {  	s0 =	sadd.s32 s0, s31  }
0x113: {  	vm1 =	vmmov vm0;
	p1 =	slt.s32 s0, $0x180  }
0x114: {  	vm2 =	vge.f32 v5, v4;
	vm1 =	vmneg @p1 vm1  }
0x115: {  	vm1 =	vmand vm2, vm1  }
0x116: {  	v6 =	vsel vm1, $0x1, v0  }
0x117: {  	(xrf0) =	vadd.scan.msk.s32 $0xffff, v6;
	_ =	sdelay $0x5  }
0x118: {  	v6, _, _ =	vpop (xrf0)  }
0x119: {  	(v2sf) =	vpush v6, $0xF;
	_ =	sdelay $0x9  }
0x11a: {  	s3 =	sadd.s32 $0xFFFFFFD0, s29  }
0x11b: {  	[tilespmem:s0+$0x19880] =	vst.msk vm1, v5;
	v5 =	vor.u32 s3, v1  }
0x11c: {  	[tilespmem:s0+$0x19A80] =	vst.msk vm1, v5  }
0x11d: {  	v5 =	vld [tilespmem:s30+$0x0];
	_ =	sdelay $0x1  }
0x11e: {  	s31 =	spop (v2sf)  }
0x11f: {  	s0 =	sadd.s32 s0, s31  }
0x120: {  	vm1 =	vmmov vm0;
	p1 =	slt.s32 s0, $0x180  }
0x121: {  	vm2 =	vge.f32 v5, v4;
	vm1 =	vmneg @p1 vm1  }
0x122: {  	vm1 =	vmand vm2, vm1  }
0x123: {  	v6 =	vsel vm1, $0x1, v0  }
0x124: {  	(xrf0) =	vadd.scan.msk.s32 $0xffff, v6;
	_ =	sdelay $0x5  }
0x125: {  	v6, _, _ =	vpop (xrf0)  }
0x126: {  	(v2sf) =	vpush v6, $0xF;
	_ =	sdelay $0x9  }
0x127: {  	s3 =	sadd.s32 $0xFFFFFFE0, s29  }
0x128: {  	[tilespmem:s0+$0x19880] =	vst.msk vm1, v5;
	v5 =	vor.u32 s3, v1  }
0x129: {  	[tilespmem:s0+$0x19A80] =	vst.msk vm1, v5  }
0x12a: {  	v5 =	vld [tilespmem:s30+$0x10];
	_ =	sdelay $0x1  }
0x12b: {  	s31 =	spop (v2sf)  }
0x12c: {  	s0 =	sadd.s32 s0, s31  }
0x12d: {  	vm1 =	vmmov vm0;
	p1 =	slt.s32 s0, $0x180  }
0x12e: {  	vm2 =	vge.f32 v5, v4;
	vm1 =	vmneg @p1 vm1  }
0x12f: {  	vm1 =	vmand vm2, vm1  }
0x130: {  	v6 =	vsel vm1, $0x1, v0  }
0x131: {  	(xrf0) =	vadd.scan.msk.s32 $0xffff, v6;
	_ =	sdelay $0x5  }
0x132: {  	v6, _, _ =	vpop (xrf0)  }
0x133: {  	(v2sf) =	vpush v6, $0xF;
	_ =	sdelay $0x9  }
0x134: {  	s3 =	sadd.s32 $0xFFFFFFF0, s29  }
0x135: {  	[tilespmem:s0+$0x19880] =	vst.msk vm1, v5;
	v5 =	vor.u32 s3, v1  }
0x136: {  	[tilespmem:s0+$0x19A80] =	vst.msk vm1, v5  }
0x137: {  	v5 =	vld [tilespmem:s30+$0x20];
	_ =	sdelay $0x1  }
0x138: {  	s31 =	spop (v2sf)  }
0x139: {  	s0 =	sadd.s32 s0, s31  }
0x13a: {  	vm1 =	vmmov vm0;
	p1 =	slt.s32 s0, $0x180  }
0x13b: {  	vm2 =	vge.f32 v5, v4;
	vm1 =	vmneg @p1 vm1  }
0x13c: {  	vm1 =	vmand vm2, vm1  }
0x13d: {  	v4 =	vor.u32 s29, v1;
	[tilespmem:s0+$0x19880] =	vst.msk vm1, v5  }
0x13e: {  	s1 =	simm.s32 $0x0;
	[tilespmem:s0+$0x19A80] =	vst.msk vm1, v4  }
0x13f: {  	v4 =	vld [tilespmem:s1+$0x19A80];
	_ =	sdelay $0x4  }
0x140: {  	v5 =	vshll.u32 v4, $0x2  }
0x141: {  	v4 =	vand.u32 $0x7F, v4;
	v5 =	vand.u32 $0xFFFFFE00, v5  }
0x142: {  	v4 =	vor.u32 v4, v5;
	_ =	sdelay $0x2  }
0x143: {  	v6 =	vsel vm1, $0x1, v0  }
0x144: {  	(xrf0) =	vadd.scan.msk.s32 $0xffff, v6  }
0x145: {  	v5 =	vld.idx.msk [tilespmem:v4+s18+$0x0], $0xffff  }
0x146: {  	v7 =	vor.u32 $0x80, v4;
	_ =	sdelay $0x1  }
0x147: {  	s3 =	sand.u32 $0x70, s28;
	s30 =	sand.u32 $0x600, s28  }
0x148: {  	s0 =	sor.u32 s3, s30  }
0x149: {  	v6, _, _ =	vpop (xrf0);
	[tilespmem:s0+$0x19C80] =	vst v5  }
0x14a: {  	(v2sf) =	vpush v6, $0xF;
	v5 =	vld.idx.msk [tilespmem:v7+s18+$0x0], $0xffff  }
0x14b: {  	v6 =	vor.u32 $0x100, v4;
	_ =	sdelay $0x2  }
0x14c: {  	s3 =	sadd.s32 $0x19C80, s0  }
0x14d: {  	[tilespmem:s3+$0x80] =	vst v5  }
0x14e: {  	v5 =	vld.idx.msk [tilespmem:v6+s18+$0x0], $0xffff  }
0x14f: {  	v4 =	vor.u32 $0x180, v4;
	_ =	sdelay $0x3  }
0x150: {  	[tilespmem:s3+$0x100] =	vst v5  }
0x151: {  	v4 =	vld.idx.msk [tilespmem:v4+s18+$0x0], $0xffff;
	_ =	sdelay $0x1  }
0x152: {  	s28 =	simm.s32 $0x40  }
0x153: {  	s29 =	simm.s32 $0x20;
	s0 =	simm.s32 $0x10;
	s31 =	spop (v2sf)  }
.LBB2_12:
0x154: {  	p1 =	sne.s32 s29, $0x170  }
0x155: {  	s1 =	sshra.s32 s28, $0x2;
	[tilespmem:s3+$0x180] =	vst v4;
	s3 =	smov.u32 s29;
	s29 =	sadd.s32 $0x10, s29  }
0x156: {  	v4 =	vld [tilespmem:s1+$0x19A80];
	_ =	sdelay $0x4  }
0x157: {  	v5 =	vshll.u32 v4, $0x2  }
0x158: {  	v4 =	vand.u32 $0x7F, v4;
	v5 =	vand.u32 $0xFFFFFE00, v5  }
0x159: {  	v4 =	vor.u32 v4, v5;
	_ =	sdelay $0x4  }
0x15a: {  	v5 =	vld.idx.msk [tilespmem:v4+s18+$0x0], $0xffff;
	_ =	sdelay $0x1  }
0x15b: {  	v6 =	vor.u32 $0x80, v4;
	_ =	sdelay $0x1  }
0x15c: {  	s30 =	sand.u32 $0x600, s28;
	s1 =	sand.u32 $0x70, s0;
	s0 =	smov.u32 s3  }
0x15d: {  	s1 =	sor.u32 s1, s30  }
0x15e: {  	[tilespmem:s1+$0x19C80] =	vst v5  }
0x15f: {  	v5 =	vld.idx.msk [tilespmem:v6+s18+$0x0], $0xffff;
	_ =	sdelay $0x1  }
0x160: {  	v6 =	vor.u32 $0x100, v4;
	_ =	sdelay $0x2  }
0x161: {  	s3 =	sadd.s32 $0x19C80, s1  }
0x162: {  	[tilespmem:s3+$0x80] =	vst v5  }
0x163: {  	v5 =	vld.idx.msk [tilespmem:v6+s18+$0x0], $0xffff;
	_ =	sdelay $0x1  }
0x164: {  	v4 =	vor.u32 $0x180, v4;
	_ =	sdelay $0x3  }
0x165: {  	[tilespmem:s3+$0x100] =	vst v5  }
0x166: {  	v4 =	vld.idx.msk [tilespmem:v4+s18+$0x0], $0xffff  }
.Ltmp7:
0x167: {  	(pc) =	sbr.rel @p1 .LBB2_12-.Ltmp7, $2  }
0x168: {  	_ =	sdelay $0x2  }
0x169: {  	s28 =	sadd.s32 $0x40, s28  }
0x16a: {  	s1 =	sshra.s32 s28, $0x2;
	[tilespmem:s3+$0x180] =	vst v4  }
0x16b: {  	v4 =	vld [tilespmem:s1+$0x19A80];
	_ =	sdelay $0x4  }
0x16c: {  	v5 =	vshll.u32 v4, $0x2  }
0x16d: {  	v4 =	vand.u32 $0x7F, v4;
	v5 =	vand.u32 $0xFFFFFE00, v5  }
0x16e: {  	v4 =	vor.u32 v4, v5;
	_ =	sdelay $0x4  }
0x16f: {  	v5 =	vld.idx.msk [tilespmem:v4+s18+$0x0], $0xffff  }
0x170: {  	v6 =	vor.u32 $0x80, v4;
	_ =	sdelay $0x1  }
0x171: {  	s0 =	sand.u32 $0x70, s0;
	s31 =	sand.u32 $0x600, s28  }
0x172: {  	s0 =	sor.u32 s0, s31  }
0x173: {  	[tilespmem:s0+$0x19C80] =	vst v5  }
0x174: {  	v5 =	vld.idx.msk [tilespmem:v6+s18+$0x0], $0xffff  }
0x175: {  	v63 =	vor.u32 $0x100, v4;
	_ =	sdelay $0x2  }
0x176: {  	s0 =	sadd.s32 $0x19C80, s0  }
0x177: {  	[tilespmem:s0+$0x80] =	vst v5  }
0x178: {  	v5 =	vld.idx.msk [tilespmem:v63+s18+$0x0], $0xffff  }
0x179: {  	v4 =	vor.u32 $0x180, v4;
	_ =	sdelay $0x3  }
0x17a: {  	[tilespmem:s0+$0x100] =	vst v5  }
0x17b: {  	v4 =	vld.idx.msk [tilespmem:v4+s18+$0x0], $0xffff;
	_ =	sdelay $0x4  }
0x17c: {  	[tilespmem:s0+$0x180] =	vst v4  }
0x17d: {  	[hbm4b:s5+s20] =	stream.strided.scatter [tilespmem:s23], [sflag:$0x1], $0x180, s21, s20, $0x38;
	[tilespmem:$0x1A280] =	vst v63  }
0x17e: {  	_ =	swait.ge [sflag:s19], $0x180  }
0x17f: {  	[sflag:s19] =	ssyncset.done $0x0  }
0x180: {  	[sflag:s19] =	ssyncadd.s32 $0xFFFFFE80  }
0x181: {  	[hbm4b:s6+s20] =	stream.strided.scatter [tilespmem:s24], [sflag:$0x1], $0x180, s21, s20, $0x38;
	[tilespmem:$0x1A280] =	vst v63  }
0x182: {  	_ =	swait.ge [sflag:s19], $0x180  }
0x183: {  	[sflag:s19] =	ssyncset.done $0x0  }
0x184: {  	s0 =	simm.s32 $0x0;
	[sflag:s19] =	ssyncadd.s32 $0xFFFFFE80  }
0x185: {  	[hbm4b:s7+s0] =	stream.linear.scatter [tilespmem:s25], [sflag:$0x1], $0x600, $0x38;
	[tilespmem:$0x1A280] =	vst v63  }
0x186: {  	_ =	swait.ge [sflag:s19], $0x600  }
0x187: {  	[sflag:s19] =	ssyncset.done $0x0  }
0x188: {  	[sflag:s19] =	ssyncadd.s32 $0xFFFFFA00  }
0x189: {  	[tilespmem:s0], [sflag:$0x1] =	stream.strided.gather [hbm4b:s8+s20], $0x4E80, s21, s20, $0x38;
	[tilespmem:$0x1A280] =	vst v63  }
0x18a: {  	_ =	swait.ge [sflag:s19], $0x4E80  }
0x18b: {  	[sflag:s19] =	ssyncset.done $0x0  }
0x18c: {  	s3 =	simm.s32 $0x40;
	s28 =	simm.s32 $0x0;
	[sflag:s19] =	ssyncadd.s32 $0xFFFFB180  }
.LBB2_14:
0x18d: {  	p1 =	sne.s32 s3, $0x3FC0;
	[tilespmem:s28+$0x18880] =	vst v0;
	s1 =	smov.u32 s3;
	s3 =	sadd.s32 $0x40, s3  }
.Ltmp8:
0x18e: {  	(pc) =	sbr.rel @p1 .LBB2_14-.Ltmp8, $2  }
0x18f: {  	_ =	sdelay $0x2  }
0x190: {  	s28 =	sshra.s32 s1, $0x2  }
0x191: {  	[tilespmem:s28+$0x18880] =	vst v0  }
.LBB2_16:
0x192: {  	s1 =	sshra.s32 s0, $0x2  }
0x193: {  	v4 =	vld [tilespmem:s1+$0x0];
	_ =	sdelay $0x4  }
0x194: {  	v4 =	vmul.f32 $2.560000000e+02, v4;
	_ =	sdelay $0x1  }
0x195: {  	v4 =	vtrunc.f32 v4  }
0x196: {  	v4 =	vcvt.f32.s32 v4;
	_ =	sdelay $0x1  }
0x197: {  	vm1 =	vlt.s32 v4, $0xFF  }
0x198: {  	v4 =	vnsel vm1, $0xFF, v4  }
0x199: {  	v4 =	vshll.u32 v4, $0x4  }
0x19a: {  	v4 =	vor.u32 v1, v4;
	_ =	sdelay $0x4  }
0x19b: {  	[tilespmem:v4+s22+$0x0] =	vst.idx.add.s32.msk $0xffff, v2  }
0x19c: {  	v4 =	vld [tilespmem:s1+$0x10];
	_ =	sdelay $0x4  }
0x19d: {  	v4 =	vmul.f32 $2.560000000e+02, v4;
	_ =	sdelay $0x1  }
0x19e: {  	v4 =	vtrunc.f32 v4  }
0x19f: {  	v4 =	vcvt.f32.s32 v4;
	_ =	sdelay $0x1  }
0x1a0: {  	vm1 =	vlt.s32 v4, $0xFF  }
0x1a1: {  	v4 =	vnsel vm1, $0xFF, v4  }
0x1a2: {  	v4 =	vshll.u32 v4, $0x4  }
0x1a3: {  	v4 =	vor.u32 v1, v4;
	_ =	sdelay $0x4  }
0x1a4: {  	[tilespmem:v4+s22+$0x0] =	vst.idx.add.s32.msk $0xffff, v2  }
0x1a5: {  	v4 =	vld [tilespmem:s1+$0x20];
	_ =	sdelay $0x4  }
0x1a6: {  	v4 =	vmul.f32 $2.560000000e+02, v4;
	_ =	sdelay $0x1  }
0x1a7: {  	v4 =	vtrunc.f32 v4  }
0x1a8: {  	v4 =	vcvt.f32.s32 v4;
	_ =	sdelay $0x1  }
0x1a9: {  	vm1 =	vlt.s32 v4, $0xFF  }
0x1aa: {  	v4 =	vnsel vm1, $0xFF, v4  }
0x1ab: {  	v4 =	vshll.u32 v4, $0x4  }
0x1ac: {  	v4 =	vor.u32 v1, v4;
	_ =	sdelay $0x4  }
0x1ad: {  	[tilespmem:v4+s22+$0x0] =	vst.idx.add.s32.msk $0xffff, v2  }
0x1ae: {  	v4 =	vld [tilespmem:s1+$0x30];
	_ =	sdelay $0x4  }
0x1af: {  	v4 =	vmul.f32 $2.560000000e+02, v4;
	_ =	sdelay $0x1  }
0x1b0: {  	v4 =	vtrunc.f32 v4  }
0x1b1: {  	v4 =	vcvt.f32.s32 v4;
	_ =	sdelay $0x1  }
0x1b2: {  	vm1 =	vlt.s32 v4, $0xFF  }
0x1b3: {  	v4 =	vnsel vm1, $0xFF, v4  }
0x1b4: {  	v4 =	vshll.u32 v4, $0x4  }
0x1b5: {  	v4 =	vor.u32 v1, v4;
	_ =	sdelay $0x4  }
0x1b6: {  	[tilespmem:v4+s22+$0x0] =	vst.idx.add.s32.msk $0xffff, v2  }
0x1b7: {  	v4 =	vld [tilespmem:s1+$0x40];
	_ =	sdelay $0x4  }
0x1b8: {  	v4 =	vmul.f32 $2.560000000e+02, v4;
	_ =	sdelay $0x1  }
0x1b9: {  	v4 =	vtrunc.f32 v4  }
0x1ba: {  	v4 =	vcvt.f32.s32 v4;
	_ =	sdelay $0x1  }
0x1bb: {  	vm1 =	vlt.s32 v4, $0xFF  }
0x1bc: {  	v4 =	vnsel vm1, $0xFF, v4  }
0x1bd: {  	v4 =	vshll.u32 v4, $0x4  }
0x1be: {  	p1 =	sne.s32 s0, $0x13740;
	v4 =	vor.u32 v1, v4  }
.Ltmp9:
0x1bf: {  	_ = 	snop;
	(pc) =	sbr.rel @p1 .LBB2_16-.Ltmp9, $2  }
0x1c0: {  	_ =	sdelay $0x2  }
0x1c1: {  	s0 =	sadd.s32 $0x140, s0;
	[tilespmem:v4+s22+$0x0] =	vst.idx.add.s32.msk $0xffff, v2  }
0x1c2: {  	s3 =	simm.s32 $0x0;
	s0 =	simm.s32 $0x100;
	s28 =	simm.s32 $0x19870  }
.LBB2_18:
0x1c3: {  	v4 =	vld [tilespmem:s28+$0x0];
	_ =	sdelay $0x4  }
0x1c4: {  	(xrf0) =	vadd.scan.msk.s32 $0xffff, v4;
	_ =	sdelay $0x5  }
0x1c5: {  	v4, _, _ =	vpop (xrf0)  }
0x1c6: {  	(v2sf) =	vpush v4, $0xF;
	_ =	sdelay $0xe  }
0x1c7: {  	s1 =	spop (v2sf)  }
0x1c8: {  	s3 =	sadd.s32 s3, s1  }
0x1c9: {  	p1 =	slt.s32 s3, $0x100  }
.Ltmp10:
0x1ca: {  	_ = 	snop;
	(pc) =	sbr.rel @p1 .LBB2_18-.Ltmp10, $2  }
0x1cb: {  	_ =	sdelay $0x2  }
0x1cc: {  	s0 =	sadd.s32 $0xFFFFFFFF, s0;
	s28 =	sadd.s32 $0xFFFFFFF0, s28  }
0x1cd: {  	s3 =	simm.s32 $0x40;
	v4 =	vor.u32 s17, v1;
	s29 =	simm.s32 $0x0;
	s28 =	smov.u32 s17  }
.LBB2_20:
0x1ce: {  	p1 =	seq.s32 s3, $0x600  }
0x1cf: {  	[tilespmem:s29+$0x19A80] =	vst v4;
	s28 =	sadd.s32 $0x10, s28;
	s1 =	smov.u32 s3;
	s3 =	sadd.s32 $0x40, s3  }
.Ltmp11:
0x1d0: {  	[tilespmem:s29+$0x19880] =	vst v3;
	(pc) =	sbr.rel @!p1 .LBB2_20-.Ltmp11, $2  }
0x1d1: {  	_ =	sdelay $0x2  }
0x1d2: {  	v4 =	vor.u32 s28, v1;
	s29 =	sshra.s32 s1, $0x2  }
0x1d3: {  	[tilespmem:s29+$0x19A80] =	vst v4  }
0x1d4: {  	[tilespmem:s29+$0x19880] =	vst v3;
	s3 =	simm.s32 $0x20  }
0x1d5: {  	s0 =	scvt.s32.f32 s0;
	v5 =	vld [tilespmem:s3+$0xFFFFFFE0];
	_ =	sdelay $0x1  }
0x1d6: {  	s0 =	smul.f32 $3.906250000e-03, s0;
	_ =	sdelay $0x1  }
0x1d7: {  	p1 =	por $0x1, $0x1;
	vm1 =	vmmov vm0;
	v4 =	vmov s0  }
0x1d8: {  	vm1 =	vmneg @p1 vm1;
	vm2 =	vge.f32 v5, v4  }
0x1d9: {  	vm1 =	vmand vm1, vm2  }
0x1da: {  	v6 =	vsel vm1, $0x1, v0  }
0x1db: {  	(xrf0) =	vadd.scan.msk.s32 $0xffff, v6;
	_ =	sdelay $0x5  }
0x1dc: {  	v6, _, _ =	vpop (xrf0)  }
0x1dd: {  	(v2sf) =	vpush v6, $0xF;
	_ =	sdelay $0x9  }
0x1de: {  	s28 =	simm.s32 $0x0;
	s1 =	simm.s32 $0x0  }
0x1df: {  	[tilespmem:s28+$0x19880] =	vst.msk vm1, v5;
	v5 =	vor.u32 s1, v1  }
0x1e0: {  	[tilespmem:s28+$0x19A80] =	vst.msk vm1, v5  }
0x1e1: {  	v5 =	vld [tilespmem:s3+$0xFFFFFFF0];
	_ =	sdelay $0x1  }
0x1e2: {  	s1 =	spop (v2sf)  }
0x1e3: {  	s1 =	sadd.s32 $0x0, s1  }
0x1e4: {  	vm1 =	vmmov vm0;
	p1 =	slt.s32 s1, $0x180  }
0x1e5: {  	vm2 =	vge.f32 v5, v4;
	vm1 =	vmneg @p1 vm1  }
0x1e6: {  	vm1 =	vmand vm2, vm1  }
0x1e7: {  	v6 =	vsel vm1, $0x1, v0  }
0x1e8: {  	(xrf0) =	vadd.scan.msk.s32 $0xffff, v6;
	_ =	sdelay $0x5  }
0x1e9: {  	v6, _, _ =	vpop (xrf0)  }
0x1ea: {  	(v2sf) =	vpush v6, $0xF;
	_ =	sdelay $0x9  }
0x1eb: {  	s29 =	simm.s32 $0x10  }
0x1ec: {  	[tilespmem:s1+$0x19880] =	vst.msk vm1, v5;
	v5 =	vor.u32 s29, v1  }
0x1ed: {  	[tilespmem:s1+$0x19A80] =	vst.msk vm1, v5  }
0x1ee: {  	v5 =	vld [tilespmem:s3+$0x0];
	_ =	sdelay $0x1  }
0x1ef: {  	s29 =	spop (v2sf)  }
0x1f0: {  	s1 =	sadd.s32 s1, s29  }
0x1f1: {  	vm1 =	vmmov vm0;
	p1 =	slt.s32 s1, $0x180  }
0x1f2: {  	vm2 =	vge.f32 v5, v4;
	vm1 =	vmneg @p1 vm1  }
0x1f3: {  	vm1 =	vmand vm2, vm1  }
0x1f4: {  	v6 =	vsel vm1, $0x1, v0  }
0x1f5: {  	(xrf0) =	vadd.scan.msk.s32 $0xffff, v6;
	_ =	sdelay $0x5  }
0x1f6: {  	v6, _, _ =	vpop (xrf0)  }
0x1f7: {  	(v2sf) =	vpush v6, $0xF;
	_ =	sdelay $0x9  }
0x1f8: {  	s29 =	simm.s32 $0x20  }
0x1f9: {  	[tilespmem:s1+$0x19880] =	vst.msk vm1, v5;
	v5 =	vor.u32 s29, v1  }
0x1fa: {  	[tilespmem:s1+$0x19A80] =	vst.msk vm1, v5  }
0x1fb: {  	v5 =	vld [tilespmem:s3+$0x10];
	_ =	sdelay $0x1  }
0x1fc: {  	s29 =	spop (v2sf)  }
0x1fd: {  	s1 =	sadd.s32 s1, s29  }
0x1fe: {  	vm1 =	vmmov vm0;
	p1 =	slt.s32 s1, $0x180  }
0x1ff: {  	vm2 =	vge.f32 v5, v4;
	vm1 =	vmneg @p1 vm1  }
0x200: {  	vm1 =	vmand vm2, vm1  }
0x201: {  	v6 =	vsel vm1, $0x1, v0  }
0x202: {  	(xrf0) =	vadd.scan.msk.s32 $0xffff, v6;
	_ =	sdelay $0x5  }
0x203: {  	v6, _, _ =	vpop (xrf0)  }
0x204: {  	(v2sf) =	vpush v6, $0xF;
	_ =	sdelay $0x9  }
0x205: {  	s29 =	simm.s32 $0x30  }
0x206: {  	[tilespmem:s1+$0x19880] =	vst.msk vm1, v5;
	v5 =	vor.u32 s29, v1  }
0x207: {  	[tilespmem:s1+$0x19A80] =	vst.msk vm1, v5  }
0x208: {  	v5 =	vld [tilespmem:s3+$0x20];
	_ =	sdelay $0x1  }
0x209: {  	s3 =	spop (v2sf)  }
0x20a: {  	s3 =	sadd.s32 s1, s3  }
0x20b: {  	vm1 =	vmmov vm0;
	p1 =	slt.s32 s3, $0x180  }
0x20c: {  	vm2 =	vge.f32 v5, v4;
	vm1 =	vmneg @p1 vm1  }
0x20d: {  	vm1 =	vmand vm2, vm1  }
0x20e: {  	v6 =	vsel vm1, $0x1, v0  }
0x20f: {  	(xrf0) =	vadd.scan.msk.s32 $0xffff, v6;
	_ =	sdelay $0x5  }
0x210: {  	v6, _, _ =	vpop (xrf0)  }
0x211: {  	(v2sf) =	vpush v6, $0xF;
	_ =	sdelay $0xa  }
0x212: {  	s0 =	simm.s32 $0x40  }
0x213: {  	[tilespmem:s3+$0x19880] =	vst.msk vm1, v5;
	v5 =	vor.u32 s0, v1  }
0x214: {  	s30 =	simm.s32 $0x70;
	[tilespmem:s3+$0x19A80] =	vst.msk vm1, v5  }
0x215: {  	v5 =	vld [tilespmem:s30+$0xFFFFFFE0]  }
0x216: {  	s31 =	simm.s32 $0xE0;
	s29 =	simm.s32 $0x90;
	s0 =	spop (v2sf)  }
.LBB2_22:
0x217: {  	p1 =	sne.s32 s31, $0x4E10  }
0x218: {  	s1 =	sadd.s32 s3, s0;
	s0 =	smov.u32 s31;
	s31 =	sadd.s32 $0x50, s31  }
0x219: {  	vm2 =	vmmov vm0;
	p2 =	slt.s32 s1, $0x180  }
0x21a: {  	vm1 =	vge.f32 v5, v4;
	vm2 =	vmneg @p2 vm2  }
0x21b: {  	s3 =	sadd.s32 $0xFFFFFFC0, s29;
	vm1 =	vmand vm2, vm1  }
0x21c: {  	[tilespmem:s1+$0x19880] =	vst.msk vm1, v5;
	v5 =	vor.u32 s3, v1;
	v6 =	vsel vm1, $0x1, v0  }
0x21d: {  	[tilespmem:s1+$0x19A80] =	vst.msk vm1, v5;
	(xrf0) =	vadd.scan.msk.s32 $0xffff, v6  }
0x21e: {  	v5 =	vld [tilespmem:s30+$0xFFFFFFF0];
	_ =	sdelay $0x4  }
0x21f: {  	v6, _, _ =	vpop (xrf0)  }
0x220: {  	(v2sf) =	vpush v6, $0xF;
	_ =	sdelay $0xe  }
0x221: {  	s3 =	spop (v2sf)  }
0x222: {  	s1 =	sadd.s32 s1, s3  }
0x223: {  	vm2 =	vmmov vm0;
	p2 =	slt.s32 s1, $0x180  }
0x224: {  	vm1 =	vge.f32 v5, v4;
	vm2 =	vmneg @p2 vm2  }
0x225: {  	s3 =	sadd.s32 $0xFFFFFFD0, s29;
	vm1 =	vmand vm1, vm2  }
0x226: {  	[tilespmem:s1+$0x19880] =	vst.msk vm1, v5;
	v5 =	vor.u32 s3, v1;
	v6 =	vsel vm1, $0x1, v0  }
0x227: {  	[tilespmem:s1+$0x19A80] =	vst.msk vm1, v5;
	(xrf0) =	vadd.scan.msk.s32 $0xffff, v6  }
0x228: {  	v5 =	vld [tilespmem:s30+$0x0];
	_ =	sdelay $0x4  }
0x229: {  	v6, _, _ =	vpop (xrf0)  }
0x22a: {  	(v2sf) =	vpush v6, $0xF;
	_ =	sdelay $0xe  }
0x22b: {  	s3 =	spop (v2sf)  }
0x22c: {  	s1 =	sadd.s32 s1, s3  }
0x22d: {  	vm2 =	vmmov vm0;
	p2 =	slt.s32 s1, $0x180  }
0x22e: {  	vm1 =	vge.f32 v5, v4;
	vm2 =	vmneg @p2 vm2  }
0x22f: {  	s3 =	sadd.s32 $0xFFFFFFE0, s29;
	vm1 =	vmand vm1, vm2  }
0x230: {  	[tilespmem:s1+$0x19880] =	vst.msk vm1, v5;
	v5 =	vor.u32 s3, v1;
	v6 =	vsel vm1, $0x1, v0  }
0x231: {  	[tilespmem:s1+$0x19A80] =	vst.msk vm1, v5;
	(xrf0) =	vadd.scan.msk.s32 $0xffff, v6  }
0x232: {  	v5 =	vld [tilespmem:s30+$0x10];
	_ =	sdelay $0x4  }
0x233: {  	v6, _, _ =	vpop (xrf0)  }
0x234: {  	(v2sf) =	vpush v6, $0xF;
	_ =	sdelay $0xe  }
0x235: {  	s3 =	spop (v2sf)  }
0x236: {  	s1 =	sadd.s32 s1, s3  }
0x237: {  	vm2 =	vmmov vm0;
	p2 =	slt.s32 s1, $0x180  }
0x238: {  	vm1 =	vge.f32 v5, v4;
	vm2 =	vmneg @p2 vm2  }
0x239: {  	s3 =	sadd.s32 $0xFFFFFFF0, s29;
	vm1 =	vmand vm1, vm2  }
0x23a: {  	[tilespmem:s1+$0x19880] =	vst.msk vm1, v5;
	v5 =	vor.u32 s3, v1;
	v6 =	vsel vm1, $0x1, v0  }
0x23b: {  	[tilespmem:s1+$0x19A80] =	vst.msk vm1, v5;
	(xrf0) =	vadd.scan.msk.s32 $0xffff, v6  }
0x23c: {  	v5 =	vld [tilespmem:s30+$0x20];
	_ =	sdelay $0x4  }
0x23d: {  	v6, _, _ =	vpop (xrf0)  }
0x23e: {  	(v2sf) =	vpush v6, $0xF;
	_ =	sdelay $0xe  }
0x23f: {  	s3 =	spop (v2sf)  }
0x240: {  	s3 =	sadd.s32 s1, s3  }
0x241: {  	vm2 =	vmmov vm0;
	p2 =	slt.s32 s3, $0x180  }
0x242: {  	vm1 =	vge.f32 v5, v4;
	vm2 =	vmneg @p2 vm2  }
0x243: {  	vm1 =	vmand vm1, vm2  }
0x244: {  	[tilespmem:s3+$0x19880] =	vst.msk vm1, v5;
	v5 =	vor.u32 s29, v1;
	v6 =	vsel vm1, $0x1, v0;
	s29 =	smov.u32 s0  }
0x245: {  	[tilespmem:s3+$0x19A80] =	vst.msk vm1, v5;
	(xrf0) =	vadd.scan.msk.s32 $0xffff, v6;
	_ =	sdelay $0x5  }
0x246: {  	v5, _, _ =	vpop (xrf0)  }
0x247: {  	(v2sf) =	vpush v5, $0xF;
	_ =	sdelay $0xa  }
.Ltmp12:
0x248: {  	(pc) =	sbr.rel @p1 .LBB2_22-.Ltmp12, $3  }
0x249: {  	s30 =	sadd.s32 $0x50, s30  }
0x24a: {  	v5 =	vld [tilespmem:s30+$0xFFFFFFE0];
	_ =	sdelay $0x1  }
0x24b: {  	s0 =	spop (v2sf)  }
0x24c: {  	s0 =	sadd.s32 s3, s0  }
0x24d: {  	vm1 =	vmmov vm0;
	p1 =	slt.s32 s0, $0x180  }
0x24e: {  	vm2 =	vge.f32 v5, v4;
	vm1 =	vmneg @p1 vm1  }
0x24f: {  	vm1 =	vmand vm1, vm2  }
0x250: {  	v6 =	vsel vm1, $0x1, v0  }
0x251: {  	(xrf0) =	vadd.scan.msk.s32 $0xffff, v6;
	_ =	sdelay $0x5  }
0x252: {  	v6, _, _ =	vpop (xrf0)  }
0x253: {  	(v2sf) =	vpush v6, $0xF;
	_ =	sdelay $0x9  }
0x254: {  	s1 =	sadd.s32 $0xFFFFFFC0, s29  }
0x255: {  	[tilespmem:s0+$0x19880] =	vst.msk vm1, v5;
	v5 =	vor.u32 s1, v1  }
0x256: {  	[tilespmem:s0+$0x19A80] =	vst.msk vm1, v5  }
0x257: {  	v5 =	vld [tilespmem:s30+$0xFFFFFFF0];
	_ =	sdelay $0x1  }
0x258: {  	s31 =	spop (v2sf)  }
0x259: {  	s0 =	sadd.s32 s0, s31  }
0x25a: {  	vm1 =	vmmov vm0;
	p1 =	slt.s32 s0, $0x180  }
0x25b: {  	vm2 =	vge.f32 v5, v4;
	vm1 =	vmneg @p1 vm1  }
0x25c: {  	vm1 =	vmand vm2, vm1  }
0x25d: {  	v6 =	vsel vm1, $0x1, v0  }
0x25e: {  	(xrf0) =	vadd.scan.msk.s32 $0xffff, v6;
	_ =	sdelay $0x5  }
0x25f: {  	v6, _, _ =	vpop (xrf0)  }
0x260: {  	(v2sf) =	vpush v6, $0xF;
	_ =	sdelay $0x9  }
0x261: {  	s3 =	sadd.s32 $0xFFFFFFD0, s29  }
0x262: {  	[tilespmem:s0+$0x19880] =	vst.msk vm1, v5;
	v5 =	vor.u32 s3, v1  }
0x263: {  	[tilespmem:s0+$0x19A80] =	vst.msk vm1, v5  }
0x264: {  	v5 =	vld [tilespmem:s30+$0x0];
	_ =	sdelay $0x1  }
0x265: {  	s31 =	spop (v2sf)  }
0x266: {  	s0 =	sadd.s32 s0, s31  }
0x267: {  	vm1 =	vmmov vm0;
	p1 =	slt.s32 s0, $0x180  }
0x268: {  	vm2 =	vge.f32 v5, v4;
	vm1 =	vmneg @p1 vm1  }
0x269: {  	vm1 =	vmand vm2, vm1  }
0x26a: {  	v6 =	vsel vm1, $0x1, v0  }
0x26b: {  	(xrf0) =	vadd.scan.msk.s32 $0xffff, v6;
	_ =	sdelay $0x5  }
0x26c: {  	v6, _, _ =	vpop (xrf0)  }
0x26d: {  	(v2sf) =	vpush v6, $0xF;
	_ =	sdelay $0x9  }
0x26e: {  	s3 =	sadd.s32 $0xFFFFFFE0, s29  }
0x26f: {  	[tilespmem:s0+$0x19880] =	vst.msk vm1, v5;
	v5 =	vor.u32 s3, v1  }
0x270: {  	[tilespmem:s0+$0x19A80] =	vst.msk vm1, v5  }
0x271: {  	v5 =	vld [tilespmem:s30+$0x10];
	_ =	sdelay $0x1  }
0x272: {  	s31 =	spop (v2sf)  }
0x273: {  	s0 =	sadd.s32 s0, s31  }
0x274: {  	vm1 =	vmmov vm0;
	p1 =	slt.s32 s0, $0x180  }
0x275: {  	vm2 =	vge.f32 v5, v4;
	vm1 =	vmneg @p1 vm1  }
0x276: {  	vm1 =	vmand vm2, vm1  }
0x277: {  	v6 =	vsel vm1, $0x1, v0  }
0x278: {  	(xrf0) =	vadd.scan.msk.s32 $0xffff, v6;
	_ =	sdelay $0x5  }
0x279: {  	v6, _, _ =	vpop (xrf0)  }
0x27a: {  	(v2sf) =	vpush v6, $0xF;
	_ =	sdelay $0x9  }
0x27b: {  	s3 =	sadd.s32 $0xFFFFFFF0, s29  }
0x27c: {  	[tilespmem:s0+$0x19880] =	vst.msk vm1, v5;
	v5 =	vor.u32 s3, v1  }
0x27d: {  	[tilespmem:s0+$0x19A80] =	vst.msk vm1, v5  }
0x27e: {  	v5 =	vld [tilespmem:s30+$0x20];
	_ =	sdelay $0x1  }
0x27f: {  	s31 =	spop (v2sf)  }
0x280: {  	s0 =	sadd.s32 s0, s31  }
0x281: {  	vm1 =	vmmov vm0;
	p1 =	slt.s32 s0, $0x180  }
0x282: {  	vm2 =	vge.f32 v5, v4;
	vm1 =	vmneg @p1 vm1  }
0x283: {  	vm1 =	vmand vm2, vm1  }
0x284: {  	v4 =	vor.u32 s29, v1;
	[tilespmem:s0+$0x19880] =	vst.msk vm1, v5  }
0x285: {  	s1 =	simm.s32 $0x0;
	[tilespmem:s0+$0x19A80] =	vst.msk vm1, v4  }
0x286: {  	v4 =	vld [tilespmem:s1+$0x19A80];
	_ =	sdelay $0x4  }
0x287: {  	v5 =	vshll.u32 v4, $0x2  }
0x288: {  	v4 =	vand.u32 $0x7F, v4;
	v5 =	vand.u32 $0xFFFFFE00, v5  }
0x289: {  	v4 =	vor.u32 v4, v5;
	_ =	sdelay $0x2  }
0x28a: {  	v6 =	vsel vm1, $0x1, v0  }
0x28b: {  	(xrf0) =	vadd.scan.msk.s32 $0xffff, v6  }
0x28c: {  	v5 =	vld.idx.msk [tilespmem:v4+s18+$0x0], $0xffff  }
0x28d: {  	v7 =	vor.u32 $0x80, v4;
	_ =	sdelay $0x1  }
0x28e: {  	s3 =	sand.u32 $0x70, s28;
	s30 =	sand.u32 $0x600, s28  }
0x28f: {  	s0 =	sor.u32 s3, s30  }
0x290: {  	v6, _, _ =	vpop (xrf0);
	[tilespmem:s0+$0x19C80] =	vst v5  }
0x291: {  	(v2sf) =	vpush v6, $0xF;
	v5 =	vld.idx.msk [tilespmem:v7+s18+$0x0], $0xffff  }
0x292: {  	v6 =	vor.u32 $0x100, v4;
	_ =	sdelay $0x2  }
0x293: {  	s3 =	sadd.s32 $0x19C80, s0  }
0x294: {  	[tilespmem:s3+$0x80] =	vst v5  }
0x295: {  	v5 =	vld.idx.msk [tilespmem:v6+s18+$0x0], $0xffff  }
0x296: {  	v4 =	vor.u32 $0x180, v4;
	_ =	sdelay $0x3  }
0x297: {  	[tilespmem:s3+$0x100] =	vst v5  }
0x298: {  	v4 =	vld.idx.msk [tilespmem:v4+s18+$0x0], $0xffff;
	_ =	sdelay $0x1  }
0x299: {  	s28 =	simm.s32 $0x40  }
0x29a: {  	s29 =	simm.s32 $0x20;
	s0 =	simm.s32 $0x10;
	s31 =	spop (v2sf)  }
.LBB2_24:
0x29b: {  	p1 =	sne.s32 s29, $0x170  }
0x29c: {  	s1 =	sshra.s32 s28, $0x2;
	[tilespmem:s3+$0x180] =	vst v4;
	s3 =	smov.u32 s29;
	s29 =	sadd.s32 $0x10, s29  }
0x29d: {  	v4 =	vld [tilespmem:s1+$0x19A80];
	_ =	sdelay $0x4  }
0x29e: {  	v5 =	vshll.u32 v4, $0x2  }
0x29f: {  	v4 =	vand.u32 $0x7F, v4;
	v5 =	vand.u32 $0xFFFFFE00, v5  }
0x2a0: {  	v4 =	vor.u32 v4, v5;
	_ =	sdelay $0x4  }
0x2a1: {  	v5 =	vld.idx.msk [tilespmem:v4+s18+$0x0], $0xffff;
	_ =	sdelay $0x1  }
0x2a2: {  	v6 =	vor.u32 $0x80, v4;
	_ =	sdelay $0x1  }
0x2a3: {  	s30 =	sand.u32 $0x600, s28;
	s1 =	sand.u32 $0x70, s0;
	s0 =	smov.u32 s3  }
0x2a4: {  	s1 =	sor.u32 s1, s30  }
0x2a5: {  	[tilespmem:s1+$0x19C80] =	vst v5  }
0x2a6: {  	v5 =	vld.idx.msk [tilespmem:v6+s18+$0x0], $0xffff;
	_ =	sdelay $0x1  }
0x2a7: {  	v6 =	vor.u32 $0x100, v4;
	_ =	sdelay $0x2  }
0x2a8: {  	s3 =	sadd.s32 $0x19C80, s1  }
0x2a9: {  	[tilespmem:s3+$0x80] =	vst v5  }
0x2aa: {  	v5 =	vld.idx.msk [tilespmem:v6+s18+$0x0], $0xffff;
	_ =	sdelay $0x1  }
0x2ab: {  	v4 =	vor.u32 $0x180, v4;
	_ =	sdelay $0x3  }
0x2ac: {  	[tilespmem:s3+$0x100] =	vst v5  }
0x2ad: {  	v4 =	vld.idx.msk [tilespmem:v4+s18+$0x0], $0xffff  }
.Ltmp13:
0x2ae: {  	(pc) =	sbr.rel @p1 .LBB2_24-.Ltmp13, $2  }
0x2af: {  	_ =	sdelay $0x2  }
0x2b0: {  	s28 =	sadd.s32 $0x40, s28  }
0x2b1: {  	s1 =	sshra.s32 s28, $0x2;
	[tilespmem:s3+$0x180] =	vst v4  }
0x2b2: {  	v4 =	vld [tilespmem:s1+$0x19A80];
	_ =	sdelay $0x4  }
0x2b3: {  	v5 =	vshll.u32 v4, $0x2  }
0x2b4: {  	v4 =	vand.u32 $0x7F, v4;
	v5 =	vand.u32 $0xFFFFFE00, v5  }
0x2b5: {  	v4 =	vor.u32 v4, v5;
	_ =	sdelay $0x4  }
0x2b6: {  	v5 =	vld.idx.msk [tilespmem:v4+s18+$0x0], $0xffff  }
0x2b7: {  	v6 =	vor.u32 $0x80, v4;
	_ =	sdelay $0x1  }
0x2b8: {  	s0 =	sand.u32 $0x70, s0;
	s31 =	sand.u32 $0x600, s28  }
0x2b9: {  	s0 =	sor.u32 s0, s31  }
0x2ba: {  	[tilespmem:s0+$0x19C80] =	vst v5  }
0x2bb: {  	v5 =	vld.idx.msk [tilespmem:v6+s18+$0x0], $0xffff  }
0x2bc: {  	v63 =	vor.u32 $0x100, v4;
	_ =	sdelay $0x2  }
0x2bd: {  	s0 =	sadd.s32 $0x19C80, s0  }
0x2be: {  	[tilespmem:s0+$0x80] =	vst v5  }
0x2bf: {  	v5 =	vld.idx.msk [tilespmem:v63+s18+$0x0], $0xffff  }
0x2c0: {  	v4 =	vor.u32 $0x180, v4;
	_ =	sdelay $0x3  }
0x2c1: {  	[tilespmem:s0+$0x100] =	vst v5  }
0x2c2: {  	v4 =	vld.idx.msk [tilespmem:v4+s18+$0x0], $0xffff;
	_ =	sdelay $0x4  }
0x2c3: {  	[tilespmem:s0+$0x180] =	vst v4  }
0x2c4: {  	[hbm4b:s9+s20] =	stream.strided.scatter [tilespmem:s23], [sflag:$0x1], $0x180, s21, s20, $0x38;
	[tilespmem:$0x1A280] =	vst v63  }
0x2c5: {  	_ =	swait.ge [sflag:s19], $0x180  }
0x2c6: {  	[sflag:s19] =	ssyncset.done $0x0  }
0x2c7: {  	[sflag:s19] =	ssyncadd.s32 $0xFFFFFE80  }
0x2c8: {  	[hbm4b:s10+s20] =	stream.strided.scatter [tilespmem:s24], [sflag:$0x1], $0x180, s21, s20, $0x38;
	[tilespmem:$0x1A280] =	vst v63  }
0x2c9: {  	_ =	swait.ge [sflag:s19], $0x180  }
0x2ca: {  	[sflag:s19] =	ssyncset.done $0x0  }
.Ltmp14:
0x2cb: {  	[sflag:s19] =	ssyncadd.s32 $0xFFFFFE80;
	(pc) =	sbr.rel @p0 .LBB2_39-.Ltmp14, $4  }
0x2cc: {  	[hbm4b:s11+s2] =	stream.linear.scatter [tilespmem:s25], [sflag:$0x1], $0x600, $0x38;
	[tilespmem:$0x1A280] =	vst v63  }
0x2cd: {  	_ =	swait.ge [sflag:s19], $0x600  }
0x2ce: {  	[sflag:s19] =	ssyncset.done $0x0  }
0x2cf: {  	[sflag:s19] =	ssyncadd.s32 $0xFFFFFA00  }
0x2d0: {  	s0 =	simm.s32 $0x0  }
0x2d1: {  	[tilespmem:s0], [sflag:$0x1] =	stream.strided.gather [hbm4b:s12+s20], $0x4E80, s21, s20, $0x38;
	[tilespmem:$0x1A280] =	vst v63  }
0x2d2: {  	_ =	swait.ge [sflag:s19], $0x4E80  }
0x2d3: {  	[sflag:s19] =	ssyncset.done $0x0  }
0x2d4: {  	s3 =	simm.s32 $0x40;
	s28 =	simm.s32 $0x0;
	[sflag:s19] =	ssyncadd.s32 $0xFFFFB180  }
.LBB2_27:
0x2d5: {  	p1 =	sne.s32 s3, $0x3FC0;
	[tilespmem:s28+$0x18880] =	vst v0;
	s1 =	smov.u32 s3;
	s3 =	sadd.s32 $0x40, s3  }
.Ltmp15:
0x2d6: {  	(pc) =	sbr.rel @p1 .LBB2_27-.Ltmp15, $2  }
0x2d7: {  	_ =	sdelay $0x2  }
0x2d8: {  	s28 =	sshra.s32 s1, $0x2  }
0x2d9: {  	[tilespmem:s28+$0x18880] =	vst v0  }
.LBB2_29:
0x2da: {  	s1 =	sshra.s32 s0, $0x2  }
0x2db: {  	v4 =	vld [tilespmem:s1+$0x0];
	_ =	sdelay $0x4  }
0x2dc: {  	v4 =	vmul.f32 $2.560000000e+02, v4;
	_ =	sdelay $0x1  }
0x2dd: {  	v4 =	vtrunc.f32 v4  }
0x2de: {  	v4 =	vcvt.f32.s32 v4;
	_ =	sdelay $0x1  }
0x2df: {  	vm1 =	vlt.s32 v4, $0xFF  }
0x2e0: {  	v4 =	vnsel vm1, $0xFF, v4  }
0x2e1: {  	v4 =	vshll.u32 v4, $0x4  }
0x2e2: {  	v4 =	vor.u32 v1, v4;
	_ =	sdelay $0x4  }
0x2e3: {  	[tilespmem:v4+s22+$0x0] =	vst.idx.add.s32.msk $0xffff, v2  }
0x2e4: {  	v4 =	vld [tilespmem:s1+$0x10];
	_ =	sdelay $0x4  }
0x2e5: {  	v4 =	vmul.f32 $2.560000000e+02, v4;
	_ =	sdelay $0x1  }
0x2e6: {  	v4 =	vtrunc.f32 v4  }
0x2e7: {  	v4 =	vcvt.f32.s32 v4;
	_ =	sdelay $0x1  }
0x2e8: {  	vm1 =	vlt.s32 v4, $0xFF  }
0x2e9: {  	v4 =	vnsel vm1, $0xFF, v4  }
0x2ea: {  	v4 =	vshll.u32 v4, $0x4  }
0x2eb: {  	v4 =	vor.u32 v1, v4;
	_ =	sdelay $0x4  }
0x2ec: {  	[tilespmem:v4+s22+$0x0] =	vst.idx.add.s32.msk $0xffff, v2  }
0x2ed: {  	v4 =	vld [tilespmem:s1+$0x20];
	_ =	sdelay $0x4  }
0x2ee: {  	v4 =	vmul.f32 $2.560000000e+02, v4;
	_ =	sdelay $0x1  }
0x2ef: {  	v4 =	vtrunc.f32 v4  }
0x2f0: {  	v4 =	vcvt.f32.s32 v4;
	_ =	sdelay $0x1  }
0x2f1: {  	vm1 =	vlt.s32 v4, $0xFF  }
0x2f2: {  	v4 =	vnsel vm1, $0xFF, v4  }
0x2f3: {  	v4 =	vshll.u32 v4, $0x4  }
0x2f4: {  	v4 =	vor.u32 v1, v4;
	_ =	sdelay $0x4  }
0x2f5: {  	[tilespmem:v4+s22+$0x0] =	vst.idx.add.s32.msk $0xffff, v2  }
0x2f6: {  	v4 =	vld [tilespmem:s1+$0x30];
	_ =	sdelay $0x4  }
0x2f7: {  	v4 =	vmul.f32 $2.560000000e+02, v4;
	_ =	sdelay $0x1  }
0x2f8: {  	v4 =	vtrunc.f32 v4  }
0x2f9: {  	v4 =	vcvt.f32.s32 v4;
	_ =	sdelay $0x1  }
0x2fa: {  	vm1 =	vlt.s32 v4, $0xFF  }
0x2fb: {  	v4 =	vnsel vm1, $0xFF, v4  }
0x2fc: {  	v4 =	vshll.u32 v4, $0x4  }
0x2fd: {  	v4 =	vor.u32 v1, v4;
	_ =	sdelay $0x4  }
0x2fe: {  	[tilespmem:v4+s22+$0x0] =	vst.idx.add.s32.msk $0xffff, v2  }
0x2ff: {  	v4 =	vld [tilespmem:s1+$0x40];
	_ =	sdelay $0x4  }
0x300: {  	v4 =	vmul.f32 $2.560000000e+02, v4;
	_ =	sdelay $0x1  }
0x301: {  	v4 =	vtrunc.f32 v4  }
0x302: {  	v4 =	vcvt.f32.s32 v4;
	_ =	sdelay $0x1  }
0x303: {  	vm1 =	vlt.s32 v4, $0xFF  }
0x304: {  	v4 =	vnsel vm1, $0xFF, v4  }
0x305: {  	v4 =	vshll.u32 v4, $0x4  }
0x306: {  	p1 =	sne.s32 s0, $0x13740;
	v4 =	vor.u32 v1, v4  }
.Ltmp16:
0x307: {  	_ = 	snop;
	(pc) =	sbr.rel @p1 .LBB2_29-.Ltmp16, $2  }
0x308: {  	_ =	sdelay $0x2  }
0x309: {  	s0 =	sadd.s32 $0x140, s0;
	[tilespmem:v4+s22+$0x0] =	vst.idx.add.s32.msk $0xffff, v2  }
0x30a: {  	s3 =	simm.s32 $0x0;
	s0 =	simm.s32 $0x100;
	s28 =	simm.s32 $0x19870  }
.LBB2_31:
0x30b: {  	v4 =	vld [tilespmem:s28+$0x0];
	_ =	sdelay $0x4  }
0x30c: {  	(xrf0) =	vadd.scan.msk.s32 $0xffff, v4;
	_ =	sdelay $0x5  }
0x30d: {  	v4, _, _ =	vpop (xrf0)  }
0x30e: {  	(v2sf) =	vpush v4, $0xF;
	_ =	sdelay $0xe  }
0x30f: {  	s1 =	spop (v2sf)  }
0x310: {  	s3 =	sadd.s32 s3, s1  }
0x311: {  	p1 =	slt.s32 s3, $0x100  }
.Ltmp17:
0x312: {  	_ = 	snop;
	(pc) =	sbr.rel @p1 .LBB2_31-.Ltmp17, $2  }
0x313: {  	_ =	sdelay $0x2  }
0x314: {  	s0 =	sadd.s32 $0xFFFFFFFF, s0;
	s28 =	sadd.s32 $0xFFFFFFF0, s28  }
0x315: {  	s3 =	simm.s32 $0x40;
	v4 =	vor.u32 s17, v1;
	s29 =	simm.s32 $0x0;
	s28 =	smov.u32 s17  }
.LBB2_33:
0x316: {  	p1 =	seq.s32 s3, $0x600  }
0x317: {  	[tilespmem:s29+$0x19A80] =	vst v4;
	s28 =	sadd.s32 $0x10, s28;
	s1 =	smov.u32 s3;
	s3 =	sadd.s32 $0x40, s3  }
.Ltmp18:
0x318: {  	[tilespmem:s29+$0x19880] =	vst v3;
	(pc) =	sbr.rel @!p1 .LBB2_33-.Ltmp18, $2  }
0x319: {  	_ =	sdelay $0x2  }
0x31a: {  	v4 =	vor.u32 s28, v1;
	s29 =	sshra.s32 s1, $0x2  }
0x31b: {  	[tilespmem:s29+$0x19A80] =	vst v4  }
0x31c: {  	[tilespmem:s29+$0x19880] =	vst v3;
	s3 =	simm.s32 $0x20  }
0x31d: {  	s0 =	scvt.s32.f32 s0;
	v5 =	vld [tilespmem:s3+$0xFFFFFFE0];
	_ =	sdelay $0x1  }
0x31e: {  	s0 =	smul.f32 $3.906250000e-03, s0;
	_ =	sdelay $0x1  }
0x31f: {  	p1 =	por $0x1, $0x1;
	vm1 =	vmmov vm0;
	v4 =	vmov s0  }
0x320: {  	vm1 =	vmneg @p1 vm1;
	vm2 =	vge.f32 v5, v4  }
0x321: {  	vm1 =	vmand vm1, vm2  }
0x322: {  	v6 =	vsel vm1, $0x1, v0  }
0x323: {  	(xrf0) =	vadd.scan.msk.s32 $0xffff, v6;
	_ =	sdelay $0x5  }
0x324: {  	v6, _, _ =	vpop (xrf0)  }
0x325: {  	(v2sf) =	vpush v6, $0xF;
	_ =	sdelay $0x9  }
0x326: {  	s28 =	simm.s32 $0x0;
	s1 =	simm.s32 $0x0  }
0x327: {  	[tilespmem:s28+$0x19880] =	vst.msk vm1, v5;
	v5 =	vor.u32 s1, v1  }
0x328: {  	[tilespmem:s28+$0x19A80] =	vst.msk vm1, v5  }
0x329: {  	v5 =	vld [tilespmem:s3+$0xFFFFFFF0];
	_ =	sdelay $0x1  }
0x32a: {  	s1 =	spop (v2sf)  }
0x32b: {  	s1 =	sadd.s32 $0x0, s1  }
0x32c: {  	vm1 =	vmmov vm0;
	p1 =	slt.s32 s1, $0x180  }
0x32d: {  	vm2 =	vge.f32 v5, v4;
	vm1 =	vmneg @p1 vm1  }
0x32e: {  	vm1 =	vmand vm2, vm1  }
0x32f: {  	v6 =	vsel vm1, $0x1, v0  }
0x330: {  	(xrf0) =	vadd.scan.msk.s32 $0xffff, v6;
	_ =	sdelay $0x5  }
0x331: {  	v6, _, _ =	vpop (xrf0)  }
0x332: {  	(v2sf) =	vpush v6, $0xF;
	_ =	sdelay $0x9  }
0x333: {  	s29 =	simm.s32 $0x10  }
0x334: {  	[tilespmem:s1+$0x19880] =	vst.msk vm1, v5;
	v5 =	vor.u32 s29, v1  }
0x335: {  	[tilespmem:s1+$0x19A80] =	vst.msk vm1, v5  }
0x336: {  	v5 =	vld [tilespmem:s3+$0x0];
	_ =	sdelay $0x1  }
0x337: {  	s29 =	spop (v2sf)  }
0x338: {  	s1 =	sadd.s32 s1, s29  }
0x339: {  	vm1 =	vmmov vm0;
	p1 =	slt.s32 s1, $0x180  }
0x33a: {  	vm2 =	vge.f32 v5, v4;
	vm1 =	vmneg @p1 vm1  }
0x33b: {  	vm1 =	vmand vm2, vm1  }
0x33c: {  	v6 =	vsel vm1, $0x1, v0  }
0x33d: {  	(xrf0) =	vadd.scan.msk.s32 $0xffff, v6;
	_ =	sdelay $0x5  }
0x33e: {  	v6, _, _ =	vpop (xrf0)  }
0x33f: {  	(v2sf) =	vpush v6, $0xF;
	_ =	sdelay $0x9  }
0x340: {  	s29 =	simm.s32 $0x20  }
0x341: {  	[tilespmem:s1+$0x19880] =	vst.msk vm1, v5;
	v5 =	vor.u32 s29, v1  }
0x342: {  	[tilespmem:s1+$0x19A80] =	vst.msk vm1, v5  }
0x343: {  	v5 =	vld [tilespmem:s3+$0x10];
	_ =	sdelay $0x1  }
0x344: {  	s29 =	spop (v2sf)  }
0x345: {  	s1 =	sadd.s32 s1, s29  }
0x346: {  	vm1 =	vmmov vm0;
	p1 =	slt.s32 s1, $0x180  }
0x347: {  	vm2 =	vge.f32 v5, v4;
	vm1 =	vmneg @p1 vm1  }
0x348: {  	vm1 =	vmand vm2, vm1  }
0x349: {  	v6 =	vsel vm1, $0x1, v0  }
0x34a: {  	(xrf0) =	vadd.scan.msk.s32 $0xffff, v6;
	_ =	sdelay $0x5  }
0x34b: {  	v6, _, _ =	vpop (xrf0)  }
0x34c: {  	(v2sf) =	vpush v6, $0xF;
	_ =	sdelay $0x9  }
0x34d: {  	s29 =	simm.s32 $0x30  }
0x34e: {  	[tilespmem:s1+$0x19880] =	vst.msk vm1, v5;
	v5 =	vor.u32 s29, v1  }
0x34f: {  	[tilespmem:s1+$0x19A80] =	vst.msk vm1, v5  }
0x350: {  	v5 =	vld [tilespmem:s3+$0x20];
	_ =	sdelay $0x1  }
0x351: {  	s3 =	spop (v2sf)  }
0x352: {  	s3 =	sadd.s32 s1, s3  }
0x353: {  	vm1 =	vmmov vm0;
	p1 =	slt.s32 s3, $0x180  }
0x354: {  	vm2 =	vge.f32 v5, v4;
	vm1 =	vmneg @p1 vm1  }
0x355: {  	vm1 =	vmand vm2, vm1  }
0x356: {  	v6 =	vsel vm1, $0x1, v0  }
0x357: {  	(xrf0) =	vadd.scan.msk.s32 $0xffff, v6;
	_ =	sdelay $0x5  }
0x358: {  	v6, _, _ =	vpop (xrf0)  }
0x359: {  	(v2sf) =	vpush v6, $0xF;
	_ =	sdelay $0xa  }
0x35a: {  	s0 =	simm.s32 $0x40  }
0x35b: {  	[tilespmem:s3+$0x19880] =	vst.msk vm1, v5;
	v5 =	vor.u32 s0, v1  }
0x35c: {  	s30 =	simm.s32 $0x70;
	[tilespmem:s3+$0x19A80] =	vst.msk vm1, v5  }
0x35d: {  	v5 =	vld [tilespmem:s30+$0xFFFFFFE0]  }
0x35e: {  	s31 =	simm.s32 $0xE0;
	s29 =	simm.s32 $0x90;
	s0 =	spop (v2sf)  }
.LBB2_35:
0x35f: {  	p1 =	sne.s32 s31, $0x4E10  }
0x360: {  	s1 =	sadd.s32 s3, s0;
	s0 =	smov.u32 s31;
	s31 =	sadd.s32 $0x50, s31  }
0x361: {  	vm2 =	vmmov vm0;
	p2 =	slt.s32 s1, $0x180  }
0x362: {  	vm1 =	vge.f32 v5, v4;
	vm2 =	vmneg @p2 vm2  }
0x363: {  	s3 =	sadd.s32 $0xFFFFFFC0, s29;
	vm1 =	vmand vm2, vm1  }
0x364: {  	[tilespmem:s1+$0x19880] =	vst.msk vm1, v5;
	v5 =	vor.u32 s3, v1;
	v6 =	vsel vm1, $0x1, v0  }
0x365: {  	[tilespmem:s1+$0x19A80] =	vst.msk vm1, v5;
	(xrf0) =	vadd.scan.msk.s32 $0xffff, v6  }
0x366: {  	v5 =	vld [tilespmem:s30+$0xFFFFFFF0];
	_ =	sdelay $0x4  }
0x367: {  	v6, _, _ =	vpop (xrf0)  }
0x368: {  	(v2sf) =	vpush v6, $0xF;
	_ =	sdelay $0xe  }
0x369: {  	s3 =	spop (v2sf)  }
0x36a: {  	s1 =	sadd.s32 s1, s3  }
0x36b: {  	vm2 =	vmmov vm0;
	p2 =	slt.s32 s1, $0x180  }
0x36c: {  	vm1 =	vge.f32 v5, v4;
	vm2 =	vmneg @p2 vm2  }
0x36d: {  	s3 =	sadd.s32 $0xFFFFFFD0, s29;
	vm1 =	vmand vm1, vm2  }
0x36e: {  	[tilespmem:s1+$0x19880] =	vst.msk vm1, v5;
	v5 =	vor.u32 s3, v1;
	v6 =	vsel vm1, $0x1, v0  }
0x36f: {  	[tilespmem:s1+$0x19A80] =	vst.msk vm1, v5;
	(xrf0) =	vadd.scan.msk.s32 $0xffff, v6  }
0x370: {  	v5 =	vld [tilespmem:s30+$0x0];
	_ =	sdelay $0x4  }
0x371: {  	v6, _, _ =	vpop (xrf0)  }
0x372: {  	(v2sf) =	vpush v6, $0xF;
	_ =	sdelay $0xe  }
0x373: {  	s3 =	spop (v2sf)  }
0x374: {  	s1 =	sadd.s32 s1, s3  }
0x375: {  	vm2 =	vmmov vm0;
	p2 =	slt.s32 s1, $0x180  }
0x376: {  	vm1 =	vge.f32 v5, v4;
	vm2 =	vmneg @p2 vm2  }
0x377: {  	s3 =	sadd.s32 $0xFFFFFFE0, s29;
	vm1 =	vmand vm1, vm2  }
0x378: {  	[tilespmem:s1+$0x19880] =	vst.msk vm1, v5;
	v5 =	vor.u32 s3, v1;
	v6 =	vsel vm1, $0x1, v0  }
0x379: {  	[tilespmem:s1+$0x19A80] =	vst.msk vm1, v5;
	(xrf0) =	vadd.scan.msk.s32 $0xffff, v6  }
0x37a: {  	v5 =	vld [tilespmem:s30+$0x10];
	_ =	sdelay $0x4  }
0x37b: {  	v6, _, _ =	vpop (xrf0)  }
0x37c: {  	(v2sf) =	vpush v6, $0xF;
	_ =	sdelay $0xe  }
0x37d: {  	s3 =	spop (v2sf)  }
0x37e: {  	s1 =	sadd.s32 s1, s3  }
0x37f: {  	vm2 =	vmmov vm0;
	p2 =	slt.s32 s1, $0x180  }
0x380: {  	vm1 =	vge.f32 v5, v4;
	vm2 =	vmneg @p2 vm2  }
0x381: {  	s3 =	sadd.s32 $0xFFFFFFF0, s29;
	vm1 =	vmand vm1, vm2  }
0x382: {  	[tilespmem:s1+$0x19880] =	vst.msk vm1, v5;
	v5 =	vor.u32 s3, v1;
	v6 =	vsel vm1, $0x1, v0  }
0x383: {  	[tilespmem:s1+$0x19A80] =	vst.msk vm1, v5;
	(xrf0) =	vadd.scan.msk.s32 $0xffff, v6  }
0x384: {  	v5 =	vld [tilespmem:s30+$0x20];
	_ =	sdelay $0x4  }
0x385: {  	v6, _, _ =	vpop (xrf0)  }
0x386: {  	(v2sf) =	vpush v6, $0xF;
	_ =	sdelay $0xe  }
0x387: {  	s3 =	spop (v2sf)  }
0x388: {  	s3 =	sadd.s32 s1, s3  }
0x389: {  	vm2 =	vmmov vm0;
	p2 =	slt.s32 s3, $0x180  }
0x38a: {  	vm1 =	vge.f32 v5, v4;
	vm2 =	vmneg @p2 vm2  }
0x38b: {  	vm1 =	vmand vm1, vm2  }
0x38c: {  	[tilespmem:s3+$0x19880] =	vst.msk vm1, v5;
	v5 =	vor.u32 s29, v1;
	v6 =	vsel vm1, $0x1, v0;
	s29 =	smov.u32 s0  }
0x38d: {  	[tilespmem:s3+$0x19A80] =	vst.msk vm1, v5;
	(xrf0) =	vadd.scan.msk.s32 $0xffff, v6;
	_ =	sdelay $0x5  }
0x38e: {  	v5, _, _ =	vpop (xrf0)  }
0x38f: {  	(v2sf) =	vpush v5, $0xF;
	_ =	sdelay $0xa  }
.Ltmp19:
0x390: {  	(pc) =	sbr.rel @p1 .LBB2_35-.Ltmp19, $3  }
0x391: {  	s30 =	sadd.s32 $0x50, s30  }
0x392: {  	v5 =	vld [tilespmem:s30+$0xFFFFFFE0];
	_ =	sdelay $0x1  }
0x393: {  	s0 =	spop (v2sf)  }
0x394: {  	s0 =	sadd.s32 s3, s0  }
0x395: {  	vm1 =	vmmov vm0;
	p1 =	slt.s32 s0, $0x180  }
0x396: {  	vm2 =	vge.f32 v5, v4;
	vm1 =	vmneg @p1 vm1  }
0x397: {  	vm1 =	vmand vm1, vm2  }
0x398: {  	v6 =	vsel vm1, $0x1, v0  }
0x399: {  	(xrf0) =	vadd.scan.msk.s32 $0xffff, v6;
	_ =	sdelay $0x5  }
0x39a: {  	v6, _, _ =	vpop (xrf0)  }
0x39b: {  	(v2sf) =	vpush v6, $0xF;
	_ =	sdelay $0x9  }
0x39c: {  	s1 =	sadd.s32 $0xFFFFFFC0, s29  }
0x39d: {  	[tilespmem:s0+$0x19880] =	vst.msk vm1, v5;
	v5 =	vor.u32 s1, v1  }
0x39e: {  	[tilespmem:s0+$0x19A80] =	vst.msk vm1, v5  }
0x39f: {  	v5 =	vld [tilespmem:s30+$0xFFFFFFF0];
	_ =	sdelay $0x1  }
0x3a0: {  	s31 =	spop (v2sf)  }
0x3a1: {  	s0 =	sadd.s32 s0, s31  }
0x3a2: {  	vm1 =	vmmov vm0;
	p1 =	slt.s32 s0, $0x180  }
0x3a3: {  	vm2 =	vge.f32 v5, v4;
	vm1 =	vmneg @p1 vm1  }
0x3a4: {  	vm1 =	vmand vm2, vm1  }
0x3a5: {  	v6 =	vsel vm1, $0x1, v0  }
0x3a6: {  	(xrf0) =	vadd.scan.msk.s32 $0xffff, v6;
	_ =	sdelay $0x5  }
0x3a7: {  	v6, _, _ =	vpop (xrf0)  }
0x3a8: {  	(v2sf) =	vpush v6, $0xF;
	_ =	sdelay $0x9  }
0x3a9: {  	s3 =	sadd.s32 $0xFFFFFFD0, s29  }
0x3aa: {  	[tilespmem:s0+$0x19880] =	vst.msk vm1, v5;
	v5 =	vor.u32 s3, v1  }
0x3ab: {  	[tilespmem:s0+$0x19A80] =	vst.msk vm1, v5  }
0x3ac: {  	v5 =	vld [tilespmem:s30+$0x0];
	_ =	sdelay $0x1  }
0x3ad: {  	s31 =	spop (v2sf)  }
0x3ae: {  	s0 =	sadd.s32 s0, s31  }
0x3af: {  	vm1 =	vmmov vm0;
	p1 =	slt.s32 s0, $0x180  }
0x3b0: {  	vm2 =	vge.f32 v5, v4;
	vm1 =	vmneg @p1 vm1  }
0x3b1: {  	vm1 =	vmand vm2, vm1  }
0x3b2: {  	v6 =	vsel vm1, $0x1, v0  }
0x3b3: {  	(xrf0) =	vadd.scan.msk.s32 $0xffff, v6;
	_ =	sdelay $0x5  }
0x3b4: {  	v6, _, _ =	vpop (xrf0)  }
0x3b5: {  	(v2sf) =	vpush v6, $0xF;
	_ =	sdelay $0x9  }
0x3b6: {  	s3 =	sadd.s32 $0xFFFFFFE0, s29  }
0x3b7: {  	[tilespmem:s0+$0x19880] =	vst.msk vm1, v5;
	v5 =	vor.u32 s3, v1  }
0x3b8: {  	[tilespmem:s0+$0x19A80] =	vst.msk vm1, v5  }
0x3b9: {  	v5 =	vld [tilespmem:s30+$0x10];
	_ =	sdelay $0x1  }
0x3ba: {  	s31 =	spop (v2sf)  }
0x3bb: {  	s0 =	sadd.s32 s0, s31  }
0x3bc: {  	vm1 =	vmmov vm0;
	p1 =	slt.s32 s0, $0x180  }
0x3bd: {  	vm2 =	vge.f32 v5, v4;
	vm1 =	vmneg @p1 vm1  }
0x3be: {  	vm1 =	vmand vm2, vm1  }
0x3bf: {  	v6 =	vsel vm1, $0x1, v0  }
0x3c0: {  	(xrf0) =	vadd.scan.msk.s32 $0xffff, v6;
	_ =	sdelay $0x5  }
0x3c1: {  	v6, _, _ =	vpop (xrf0)  }
0x3c2: {  	(v2sf) =	vpush v6, $0xF;
	_ =	sdelay $0x9  }
0x3c3: {  	s3 =	sadd.s32 $0xFFFFFFF0, s29  }
0x3c4: {  	[tilespmem:s0+$0x19880] =	vst.msk vm1, v5;
	v5 =	vor.u32 s3, v1  }
0x3c5: {  	[tilespmem:s0+$0x19A80] =	vst.msk vm1, v5  }
0x3c6: {  	v5 =	vld [tilespmem:s30+$0x20];
	_ =	sdelay $0x1  }
0x3c7: {  	s31 =	spop (v2sf)  }
0x3c8: {  	s0 =	sadd.s32 s0, s31  }
0x3c9: {  	vm1 =	vmmov vm0;
	p1 =	slt.s32 s0, $0x180  }
0x3ca: {  	vm2 =	vge.f32 v5, v4;
	vm1 =	vmneg @p1 vm1  }
0x3cb: {  	vm1 =	vmand vm2, vm1  }
0x3cc: {  	v4 =	vor.u32 s29, v1;
	[tilespmem:s0+$0x19880] =	vst.msk vm1, v5  }
0x3cd: {  	s1 =	simm.s32 $0x0;
	[tilespmem:s0+$0x19A80] =	vst.msk vm1, v4  }
0x3ce: {  	v4 =	vld [tilespmem:s1+$0x19A80];
	_ =	sdelay $0x4  }
0x3cf: {  	v5 =	vshll.u32 v4, $0x2  }
0x3d0: {  	v4 =	vand.u32 $0x7F, v4;
	v5 =	vand.u32 $0xFFFFFE00, v5  }
0x3d1: {  	v4 =	vor.u32 v4, v5;
	_ =	sdelay $0x2  }
0x3d2: {  	v6 =	vsel vm1, $0x1, v0  }
0x3d3: {  	(xrf0) =	vadd.scan.msk.s32 $0xffff, v6  }
0x3d4: {  	v5 =	vld.idx.msk [tilespmem:v4+s18+$0x0], $0xffff  }
0x3d5: {  	v7 =	vor.u32 $0x80, v4;
	_ =	sdelay $0x1  }
0x3d6: {  	s3 =	sand.u32 $0x70, s28;
	s30 =	sand.u32 $0x600, s28  }
0x3d7: {  	s0 =	sor.u32 s3, s30  }
0x3d8: {  	v6, _, _ =	vpop (xrf0);
	[tilespmem:s0+$0x19C80] =	vst v5  }
0x3d9: {  	(v2sf) =	vpush v6, $0xF;
	v5 =	vld.idx.msk [tilespmem:v7+s18+$0x0], $0xffff  }
0x3da: {  	v6 =	vor.u32 $0x100, v4;
	_ =	sdelay $0x2  }
0x3db: {  	s3 =	sadd.s32 $0x19C80, s0  }
0x3dc: {  	[tilespmem:s3+$0x80] =	vst v5  }
0x3dd: {  	v5 =	vld.idx.msk [tilespmem:v6+s18+$0x0], $0xffff  }
0x3de: {  	v4 =	vor.u32 $0x180, v4;
	_ =	sdelay $0x3  }
0x3df: {  	[tilespmem:s3+$0x100] =	vst v5  }
0x3e0: {  	v4 =	vld.idx.msk [tilespmem:v4+s18+$0x0], $0xffff;
	_ =	sdelay $0x1  }
0x3e1: {  	s28 =	simm.s32 $0x40  }
0x3e2: {  	s29 =	simm.s32 $0x20;
	s0 =	simm.s32 $0x10;
	s31 =	spop (v2sf)  }
.LBB2_37:
0x3e3: {  	p1 =	sne.s32 s29, $0x170  }
0x3e4: {  	s1 =	sshra.s32 s28, $0x2;
	[tilespmem:s3+$0x180] =	vst v4;
	s3 =	smov.u32 s29;
	s29 =	sadd.s32 $0x10, s29  }
0x3e5: {  	v4 =	vld [tilespmem:s1+$0x19A80];
	_ =	sdelay $0x4  }
0x3e6: {  	v5 =	vshll.u32 v4, $0x2  }
0x3e7: {  	v4 =	vand.u32 $0x7F, v4;
	v5 =	vand.u32 $0xFFFFFE00, v5  }
0x3e8: {  	v4 =	vor.u32 v4, v5;
	_ =	sdelay $0x4  }
0x3e9: {  	v5 =	vld.idx.msk [tilespmem:v4+s18+$0x0], $0xffff;
	_ =	sdelay $0x1  }
0x3ea: {  	v6 =	vor.u32 $0x80, v4;
	_ =	sdelay $0x1  }
0x3eb: {  	s30 =	sand.u32 $0x600, s28;
	s1 =	sand.u32 $0x70, s0;
	s0 =	smov.u32 s3  }
0x3ec: {  	s1 =	sor.u32 s1, s30  }
0x3ed: {  	[tilespmem:s1+$0x19C80] =	vst v5  }
0x3ee: {  	v5 =	vld.idx.msk [tilespmem:v6+s18+$0x0], $0xffff;
	_ =	sdelay $0x1  }
0x3ef: {  	v6 =	vor.u32 $0x100, v4;
	_ =	sdelay $0x2  }
0x3f0: {  	s3 =	sadd.s32 $0x19C80, s1  }
0x3f1: {  	[tilespmem:s3+$0x80] =	vst v5  }
0x3f2: {  	v5 =	vld.idx.msk [tilespmem:v6+s18+$0x0], $0xffff;
	_ =	sdelay $0x1  }
0x3f3: {  	v4 =	vor.u32 $0x180, v4;
	_ =	sdelay $0x3  }
0x3f4: {  	[tilespmem:s3+$0x100] =	vst v5  }
0x3f5: {  	v4 =	vld.idx.msk [tilespmem:v4+s18+$0x0], $0xffff  }
.Ltmp20:
0x3f6: {  	(pc) =	sbr.rel @p1 .LBB2_37-.Ltmp20, $2  }
0x3f7: {  	_ =	sdelay $0x2  }
0x3f8: {  	s28 =	sadd.s32 $0x40, s28  }
.Ltmp21:
0x3f9: {  	_ = 	snop;
	(pc) =	sbr.rel .LBB2_38-.Ltmp21, $1  }
0x3fa: {  	_ =	sdelay $0x3  }
.LBB2_40:
0x3fb: {  	_ =	sfence.sel $0x180000  }
0x3fc: {  	[bflag:$0x0] =	sbarrier.arrive $0xFFFF  }
0x3fd: {  	_ =	strace $0x90000047  }
0x3fe: {  	s0 =	stileid.u32;
	[bflag:$0x2] =	sbarrier.arrive $0xFFFF  }
0x3ff: {  	p0 =	sne.s32 s0, $0x0;
	s0 =	rddreg [dreg:$0x3]  }
0x400: {  	s0 =	sadd.s32 @!p0 $0x100000, s0  }
0x401: {  	[sflag:s0] =	ssyncadd.tile.s32 @!p0 $0x1;
	_ =	shalt  }
.Lfunc_end2:
_tile_overlayer_lowered:
.L_overlay_start_2:
0x402: {  	(tag) =	ssettag $0x2  }
0x403: {  	s0 =	rddreg [dreg:$0x0];
	s2 =	stileid.u32  }
0x404: {  	s1 =	rddreg [dreg:$0x1];
	p0 =	sne.s32 s2, $0x0  }
0x405: {  	s3 =	rddreg [dreg:$0x2];
	[bflag:$0x3] =	sbarrier.arrive $0xFFFF;
	s2 =	simm.s32 @!p0 $0x1C01  }
0x406: {  	[timem:s3], [sflag:s2] =	dma.local @!p0 [hbm:s0], s1  }
0x407: {  	s0 =	simm.s32 @!p0 $0x1  }
0x408: {  	_ =	swait.ge @!p0 [sflag:s0], s1  }
0x409: {  	s1 =	ssub.s32 @!p0 $0x0, s1;
	[sflag:s0] =	ssyncset.done @!p0 $0x0  }
0x40a: {  	[sflag:s0] =	ssyncadd.s32 @!p0 s1  }
0x40b: {  	[bflag:$0x3] =	sbarrier.arrive $0xFFFF  }
0x40c: {  	_ =	shalt  }

</sc_bundles>
